<compile_context>
chip_gen: v7x
topology: tpu7x:2x2x1
jax: 0.10.2.dev20260603
libtpu: 0.0.44.dev20260713+nightly
codegen_flags: <defaults>
</compile_context>

<pallas_src>
import functools

import jax
import jax.numpy as jnp
from jax import lax
from jax.experimental import pallas as pl
from jax.experimental.pallas import tpu as pltpu
from jax.experimental.pallas import tpu_sc as plsc

_NC = 2
_NS = 16
_NW = _NC * _NS
_L = 16


def _node_scalar_body(x_ref, we1_ref, be1_ref, we2_ref, be2_ref,
                      wa1_ref, ba1_ref, wa2_ref, ba2_ref, out_ref):
    bf = jnp.bfloat16
    x = x_ref[...].astype(bf)
    h = jnp.maximum(
        jnp.dot(x, we1_ref[...].astype(bf), preferred_element_type=jnp.float32)
        + be1_ref[...], 0.0)
    e = (jnp.dot(h.astype(bf), we2_ref[...].astype(bf),
                 preferred_element_type=jnp.float32) + be2_ref[...])
    a = jnp.maximum(
        jnp.dot(e.astype(bf), wa1_ref[...].astype(bf),
                preferred_element_type=jnp.float32)
        + ba1_ref[...], 0.0)
    out_ref[...] = (
        jnp.dot(a, wa2_ref[...], preferred_element_type=jnp.float32)
        + ba2_ref[...])


def _node_scalars(nfeat, W_e1, b_e1, W_e2, b_e2, W_a1, b_a1, W_a2, b_a2,
                  block_n):
    n, d = nfeat.shape
    h = W_e1.shape[1]
    grid = (n // block_n,)
    full = lambda i: (0, 0)
    return pl.pallas_call(
        _node_scalar_body,
        grid=grid,
        in_specs=[
            pl.BlockSpec((block_n, d), lambda i: (i, 0)),
            pl.BlockSpec((d, h), full),
            pl.BlockSpec((1, h), full),
            pl.BlockSpec((h, h), full),
            pl.BlockSpec((1, h), full),
            pl.BlockSpec((h, h), full),
            pl.BlockSpec((1, h), full),
            pl.BlockSpec((h, 1), full),
            pl.BlockSpec((1, 1), full),
        ],
        out_specs=pl.BlockSpec((block_n, 1), lambda i: (i, 0)),
        out_shape=jax.ShapeDtypeStruct((n, 1), jnp.float32),
    )(nfeat, W_e1, b_e1, W_e2, b_e2, W_a1, b_a1, W_a2, b_a2)


def _make_sc_edge_mean(n, e4, s4, e8, s8):
    e4w = e4 // _NW
    e8w = e8 // _NW
    mesh = plsc.VectorSubcoreMesh(
        core_axis_name="c", subcore_axis_name="s", num_cores=_NC)

    @functools.partial(
        pl.kernel,
        mesh=mesh,
        compiler_params=pltpu.CompilerParams(
            use_tc_tiling_on_sc=False, needs_layout_passes=False),
        out_type=jax.ShapeDtypeStruct((e4 + e8,), jnp.float32),
        scratch_types=[
            pltpu.VMEM((n,), jnp.float32),
            pltpu.VMEM((e4w * s4,), jnp.int32),
            pltpu.VMEM((e8w * s8,), jnp.int32),
            pltpu.VMEM((e4w,), jnp.float32),
            pltpu.VMEM((e8w,), jnp.float32),
            pltpu.VMEM_SHARED((n,), jnp.float32),
            pltpu.SemaphoreType.DMA,
            pltpu.SemaphoreType.DMA,
            pltpu.SemaphoreType.DMA,
        ],
    )
    def sc_edge_mean(v_hbm, he4_hbm, he8_hbm, out_hbm,
                     v_v, i4_v, i8_v, o4_v, o8_v, v_sh, sem0, sem1, sem2):
        sid = lax.axis_index("s")
        wid = sid * _NC + lax.axis_index("c")
        c4 = pltpu.async_copy(he4_hbm.at[wid], i4_v, sem1)
        c8 = pltpu.async_copy(he8_hbm.at[wid], i8_v, sem2)
        @pl.when(sid == 0)
        def _():
            pltpu.sync_copy(v_hbm, v_sh)
        plsc.subcore_barrier()
        cv = pltpu.async_copy(v_sh, v_v, sem0)
        cv.wait()
        c4.wait()
        c8.wait()
        lane = jnp.arange(_L, dtype=jnp.int32)
        for grp, i_v, o_v, ew in ((s4, i4_v, o4_v, e4w), (s8, i8_v, o8_v, e8w)):
            lane_g = lane * grp
            for c in range(ew // _L):
                acc = jnp.zeros((_L,), jnp.float32)
                for s in range(grp):
                    pos = lane_g + (c * _L * grp + s)
                    idx = plsc.load_gather(i_v, [pos])
                    acc = acc + plsc.load_gather(v_v, [idx])
                o_v[pl.ds(c * _L, _L)] = acc * (1.0 / grp)
        d4 = pltpu.async_copy(o4_v, out_hbm.at[pl.ds(wid * e4w, e4w)], sem1)
        d8 = pltpu.async_copy(o8_v, out_hbm.at[pl.ds(e4 + wid * e8w, e8w)], sem2)
        d4.wait()
        d8.wait()

    return sc_edge_mean


def kernel(nfeat, hedges_s4, hedges_s8, W_e1, b_e1, W_e2, b_e2,
           W_a1, b_a1, W_a2, b_a2):
    n, d = nfeat.shape
    e4, s4 = hedges_s4.shape
    e8, s8 = hedges_s8.shape

    block_n = 1000
    v2d = _node_scalars(nfeat, W_e1, b_e1.reshape(1, -1), W_e2,
                        b_e2.reshape(1, -1), W_a1, b_a1.reshape(1, -1),
                        W_a2, b_a2.reshape(1, 1), block_n)
    v = v2d.reshape(n)

    he4_w = hedges_s4.astype(jnp.int32).reshape(_NW, (e4 // _NW) * s4)
    he8_w = hedges_s8.astype(jnp.int32).reshape(_NW, (e8 // _NW) * s8)

    sc_fn = _make_sc_edge_mean(n, e4, s4, e8, s8)
    return sc_fn(v, he4_w, he8_w)

# --- scband reference (transcript-rebuilt; emitter-appended) ---
"""Pipeline reference for scband-edge-predictor-15960098472055 (READ-ONLY COPY).

The authoritative reference and input builder live on the scoring server;
editing this copy changes nothing except your own understanding.
"""

import jax, jax.numpy as jnp
import numpy as np

N, D, H = 10000, 512, 512
E4, S4 = 8192, 4
E8, S8 = 8192, 8


def setup_inputs(seed: int = 0) -> dict:
    key = jax.random.key(seed)
    ks = jax.random.split(key, 10)
    inp = {
        "nfeat": jax.random.normal(ks[0], (N, D), dtype=jnp.float32),
        "hedges_s4": jax.random.randint(ks[1], (E4, S4), 0, N),
        "hedges_s8": jax.random.randint(ks[2], (E8, S8), 0, N),
        # encoder params (2-layer MLP)
        "W_e1": jax.random.normal(ks[3], (D, H), dtype=jnp.float32) * (1.0 / np.sqrt(D)),
        "b_e1": jnp.zeros((H,), jnp.float32),
        "W_e2": jax.random.normal(ks[4], (H, H), dtype=jnp.float32) * (1.0 / np.sqrt(H)),
        "b_e2": jnp.zeros((H,), jnp.float32),
        # aggregator params (per-node MLP -> mean pool -> scalar head)
        "W_a1": jax.random.normal(ks[5], (H, H), dtype=jnp.float32) * (1.0 / np.sqrt(H)),
        "b_a1": jnp.zeros((H,), jnp.float32),
        "W_a2": jax.random.normal(ks[6], (H, 1), dtype=jnp.float32) * (1.0 / np.sqrt(H)),
        "b_a2": jnp.zeros((1,), jnp.float32),
    }
    return inp


def reference(nfeat, hedges_s4, hedges_s8, W_e1, b_e1, W_e2, b_e2, W_a1, b_a1, W_a2, b_a2):
    # self.encoding(data): node encoder
    h = jax.nn.relu(jnp.dot(nfeat, W_e1) + b_e1)
    n_embed = jnp.dot(h, W_e2) + b_e2  # [N, H]

    # self.aggregate(n_embed, hedges, mode='Train') with edge_aggr='group':
    # hyperedges are grouped by size; each group is stacked into [E_g, S_g, H]
    preds = []
    for he_group in (hedges_s4, hedges_s8):
        he_feats = jnp.take(n_embed, he_group, axis=0)  # gather: [E_g, S_g, H]
        a = jax.nn.relu(jnp.dot(he_feats, W_a1) + b_a1)  # [E_g, S_g, H]
        pooled = jnp.mean(a, axis=1)                     # mean pool over hyperedge members
        pred = jnp.dot(pooled, W_a2) + b_a2              # [E_g, 1]
        preds.append(pred[:, 0])                         # seq.squeeze(-1)
    return jnp.concatenate(preds, axis=0)                # torch.cat over groups -> [E4+E8]

if __name__ == "__main__":
    import jax
    _d = setup_inputs()
    print(jax.jit(kernel)(*tuple(_d.values())))

</pallas_src>

<mosaic_0001>
#map = affine_map<(d0, d1) -> (0)>
#map1 = affine_map<(d0, d1) -> (0, 0)>
module attributes {stable_mosaic.version = 14 : i64} {
  func.func @sc_edge_mean(%arg0: i32, %arg1: i32, %arg2: memref<10000xf32, #tpu.memory_space<hbm>>, %arg3: memref<32x1024xi32, #tpu.memory_space<hbm>>, %arg4: memref<32x2048xi32, #tpu.memory_space<hbm>>, %arg5: memref<16384xf32, #tpu.memory_space<hbm>>, %arg6: memref<10000xf32, #tpu.memory_space<vmem>>, %arg7: memref<1024xi32, #tpu.memory_space<vmem>>, %arg8: memref<2048xi32, #tpu.memory_space<vmem>>, %arg9: memref<256xf32, #tpu.memory_space<vmem>>, %arg10: memref<256xf32, #tpu.memory_space<vmem>>, %arg11: memref<10000xf32, #tpu.memory_space<vmem_shared>>, %arg12: memref<!tpu.dma_semaphore, #tpu.memory_space<semaphore_mem>>, %arg13: memref<!tpu.dma_semaphore, #tpu.memory_space<semaphore_mem>>, %arg14: memref<!tpu.dma_semaphore, #tpu.memory_space<semaphore_mem>>) attributes {dimension_semantics = [#tpu.dimension_semantics<core_parallel>, #tpu.dimension_semantics<subcore_parallel>], iteration_bounds = array<i64: 2, 16>, scalar_prefetch = 0 : i64, scratch_operands = 9 : i64, tpu.core_type = #tpu.core_type<sc_vector_subcore>, window_params = [{transform_indices = #map}, {transform_indices = #map1}, {transform_indices = #map1}, {transform_indices = #map}]} {
    %mul3A = arith.constant 2 : i32
    %mul3A_0 = arith.muli %arg1, %mul3A : i32
    %add3A = arith.addi %mul3A_0, %arg0 : i32
    %dma_start3A = arith.constant 0 : i32
    %dma_start3A_1 = tpu.memref_slice %arg3[%add3A, %dma_start3A] : memref<32x1024xi32, #tpu.memory_space<hbm>> -> memref<1x1024xi32, #tpu.memory_space<hbm>>
    %dma_start3A_2 = tpu.memref_squeeze %dma_start3A_1 : memref<1x1024xi32, #tpu.memory_space<hbm>> -> memref<1024xi32, #tpu.memory_space<hbm>>
    %dma_start3A_3 = arith.constant 0 : i32
    %dma_start3A_4 = tpu.memref_slice %arg3[%add3A, %dma_start3A_3] : memref<32x1024xi32, #tpu.memory_space<hbm>> -> memref<1x1024xi32, #tpu.memory_space<hbm>>
    %dma_start3A_5 = tpu.memref_squeeze %dma_start3A_4 : memref<1x1024xi32, #tpu.memory_space<hbm>> -> memref<1024xi32, #tpu.memory_space<hbm>>
    tpu.enqueue_dma source(%dma_start3A_5 : memref<1024xi32, #tpu.memory_space<hbm>>) target(%arg7 : memref<1024xi32, #tpu.memory_space<vmem>>) target_semaphore(%arg13 : memref<!tpu.dma_semaphore, #tpu.memory_space<semaphore_mem>>)
    %dma_start3A_6 = arith.constant 0 : i32
    %dma_start3A_7 = tpu.memref_slice %arg4[%add3A, %dma_start3A_6] : memref<32x2048xi32, #tpu.memory_space<hbm>> -> memref<1x2048xi32, #tpu.memory_space<hbm>>
    %dma_start3A_8 = tpu.memref_squeeze %dma_start3A_7 : memref<1x2048xi32, #tpu.memory_space<hbm>> -> memref<2048xi32, #tpu.memory_space<hbm>>
    %dma_start3A_9 = arith.constant 0 : i32
    %dma_start3A_10 = tpu.memref_slice %arg4[%add3A, %dma_start3A_9] : memref<32x2048xi32, #tpu.memory_space<hbm>> -> memref<1x2048xi32, #tpu.memory_space<hbm>>
    %dma_start3A_11 = tpu.memref_squeeze %dma_start3A_10 : memref<1x2048xi32, #tpu.memory_space<hbm>> -> memref<2048xi32, #tpu.memory_space<hbm>>
    tpu.enqueue_dma source(%dma_start3A_11 : memref<2048xi32, #tpu.memory_space<hbm>>) target(%arg8 : memref<2048xi32, #tpu.memory_space<vmem>>) target_semaphore(%arg14 : memref<!tpu.dma_semaphore, #tpu.memory_space<semaphore_mem>>)
    %eq3A = arith.constant 0 : i32
    %eq3A_12 = arith.cmpi eq, %arg1, %eq3A : i32
    %convert_element_type3A = arith.extui %eq3A_12 : i1 to i32
    %cond3A = arith.constant 0 : i32
    %cond3A_13 = arith.cmpi ne, %convert_element_type3A, %cond3A : i32
    scf.if %cond3A_13 {
      "tpu.region"() ({
        %run_scoped3A = tpu.sem_alloc : memref<!tpu.dma_semaphore, #tpu.memory_space<semaphore_mem>>
        tpu.enqueue_dma source(%arg2 : memref<10000xf32, #tpu.memory_space<hbm>>) target(%arg11 : memref<10000xf32, #tpu.memory_space<vmem_shared>>) target_semaphore(%run_scoped3A : memref<!tpu.dma_semaphore, #tpu.memory_space<semaphore_mem>>)
        tpu.wait_dma2 semaphore(%run_scoped3A : memref<!tpu.dma_semaphore, #tpu.memory_space<semaphore_mem>>) src(%arg2 : memref<10000xf32, #tpu.memory_space<hbm>>) dst(%arg11 : memref<10000xf32, #tpu.memory_space<vmem_shared>>)
        tpu.yield
      }) : () -> ()
    } else {
    }
    %barrier3A = arith.constant 0 : index
    tpu.barrier barrier_id(%barrier3A)
    tpu.enqueue_dma source(%arg11 : memref<10000xf32, #tpu.memory_space<vmem_shared>>) target(%arg6 : memref<10000xf32, #tpu.memory_space<vmem>>) target_semaphore(%arg12 : memref<!tpu.dma_semaphore, #tpu.memory_space<semaphore_mem>>)
    tpu.wait_dma2 semaphore(%arg12 : memref<!tpu.dma_semaphore, #tpu.memory_space<semaphore_mem>>) src(%arg11 : memref<10000xf32, #tpu.memory_space<vmem_shared>>) dst(%arg6 : memref<10000xf32, #tpu.memory_space<vmem>>)
    %dma_wait3A = arith.constant 0 : i32
    %dma_wait3A_14 = tpu.memref_slice %arg3[%add3A, %dma_wait3A] : memref<32x1024xi32, #tpu.memory_space<hbm>> -> memref<1x1024xi32, #tpu.memory_space<hbm>>
    %dma_wait3A_15 = tpu.memref_squeeze %dma_wait3A_14 : memref<1x1024xi32, #tpu.memory_space<hbm>> -> memref<1024xi32, #tpu.memory_space<hbm>>
    %dma_wait3A_16 = arith.constant 0 : i32
    %dma_wait3A_17 = tpu.memref_slice %arg3[%add3A, %dma_wait3A_16] : memref<32x1024xi32, #tpu.memory_space<hbm>> -> memref<1x1024xi32, #tpu.memory_space<hbm>>
    %dma_wait3A_18 = tpu.memref_squeeze %dma_wait3A_17 : memref<1x1024xi32, #tpu.memory_space<hbm>> -> memref<1024xi32, #tpu.memory_space<hbm>>
    tpu.wait_dma2 semaphore(%arg13 : memref<!tpu.dma_semaphore, #tpu.memory_space<semaphore_mem>>) src(%dma_wait3A_18 : memref<1024xi32, #tpu.memory_space<hbm>>) dst(%arg7 : memref<1024xi32, #tpu.memory_space<vmem>>)
    %dma_wait3A_19 = arith.constant 0 : i32
    %dma_wait3A_20 = tpu.memref_slice %arg4[%add3A, %dma_wait3A_19] : memref<32x2048xi32, #tpu.memory_space<hbm>> -> memref<1x2048xi32, #tpu.memory_space<hbm>>
    %dma_wait3A_21 = tpu.memref_squeeze %dma_wait3A_20 : memref<1x2048xi32, #tpu.memory_space<hbm>> -> memref<2048xi32, #tpu.memory_space<hbm>>
    %dma_wait3A_22 = arith.constant 0 : i32
    %dma_wait3A_23 = tpu.memref_slice %arg4[%add3A, %dma_wait3A_22] : memref<32x2048xi32, #tpu.memory_space<hbm>> -> memref<1x2048xi32, #tpu.memory_space<hbm>>
    %dma_wait3A_24 = tpu.memref_squeeze %dma_wait3A_23 : memref<1x2048xi32, #tpu.memory_space<hbm>> -> memref<2048xi32, #tpu.memory_space<hbm>>
    tpu.wait_dma2 semaphore(%arg14 : memref<!tpu.dma_semaphore, #tpu.memory_space<semaphore_mem>>) src(%dma_wait3A_24 : memref<2048xi32, #tpu.memory_space<hbm>>) dst(%arg8 : memref<2048xi32, #tpu.memory_space<vmem>>)
    %iota3A = tpu.iota {dimensions = array<i32: 0>} : vector<16xi32>
    %mul3A_25 = arith.constant 4 : i32
    %mul3A_26 = vector.broadcast %mul3A_25 : i32 to vector<16xi32>
    %mul3A_27 = arith.muli %iota3A, %mul3A_26 : vector<16xi32>
    %broadcast_in_dim3A = arith.constant 0.000000e+00 : f32
    %broadcast_in_dim3A_28 = vector.broadcast %broadcast_in_dim3A : f32 to vector<16xf32>
    %add3A_29 = arith.constant 0 : i32
    %add3A_30 = vector.broadcast %add3A_29 : i32 to vector<16xi32>
    %add3A_31 = arith.addi %mul3A_27, %add3A_30 : vector<16xi32>
    %gather3A = tpu.vector_load_idx %arg7[%add3A_31] : memref<1024xi32, #tpu.memory_space<vmem>>[vector<16xi32>], vector<16xi32>,
    %gather3A_32 = tpu.vector_load_idx %arg6[%gather3A] : memref<10000xf32, #tpu.memory_space<vmem>>[vector<16xi32>], vector<16xf32>,
    %add3A_33 = arith.addf %broadcast_in_dim3A_28, %gather3A_32 : vector<16xf32>
    %add3A_34 = arith.constant 1 : i32
    %add3A_35 = vector.broadcast %add3A_34 : i32 to vector<16xi32>
    %add3A_36 = arith.addi %mul3A_27, %add3A_35 : vector<16xi32>
    %gather3A_37 = tpu.vector_load_idx %arg7[%add3A_36] : memref<1024xi32, #tpu.memory_space<vmem>>[vector<16xi32>], vector<16xi32>,
    %gather3A_38 = tpu.vector_load_idx %arg6[%gather3A_37] : memref<10000xf32, #tpu.memory_space<vmem>>[vector<16xi32>], vector<16xf32>,
    %add3A_39 = arith.addf %add3A_33, %gather3A_38 : vector<16xf32>
    %add3A_40 = arith.constant 2 : i32
    %add3A_41 = vector.broadcast %add3A_40 : i32 to vector<16xi32>
    %add3A_42 = arith.addi %mul3A_27, %add3A_41 : vector<16xi32>
    %gather3A_43 = tpu.vector_load_idx %arg7[%add3A_42] : memref<1024xi32, #tpu.memory_space<vmem>>[vector<16xi32>], vector<16xi32>,
    %gather3A_44 = tpu.vector_load_idx %arg6[%gather3A_43] : memref<10000xf32, #tpu.memory_space<vmem>>[vector<16xi32>], vector<16xf32>,
    %add3A_45 = arith.addf %add3A_39, %gather3A_44 : vector<16xf32>
    %add3A_46 = arith.constant 3 : i32
    %add3A_47 = vector.broadcast %add3A_46 : i32 to vector<16xi32>
    %add3A_48 = arith.addi %mul3A_27, %add3A_47 : vector<16xi32>
    %gather3A_49 = tpu.vector_load_idx %arg7[%add3A_48] : memref<1024xi32, #tpu.memory_space<vmem>>[vector<16xi32>], vector<16xi32>,
    %gather3A_50 = tpu.vector_load_idx %arg6[%gather3A_49] : memref<10000xf32, #tpu.memory_space<vmem>>[vector<16xi32>], vector<16xf32>,
    %add3A_51 = arith.addf %add3A_45, %gather3A_50 : vector<16xf32>
    %mul3A_52 = arith.constant 2.500000e-01 : f32
    %mul3A_53 = vector.broadcast %mul3A_52 : f32 to vector<16xf32>
    %mul3A_54 = arith.mulf %add3A_51, %mul3A_53 : vector<16xf32>
    %swap3A = arith.constant 0 : index
    %swap3A_55 = tpu.vector_load %arg9[%swap3A] {strides = array<i32>} : memref<256xf32, #tpu.memory_space<vmem>>, vector<16xf32>,
    tpu.vector_store %arg9[%swap3A], %mul3A_54 {strides = array<i32>} : memref<256xf32, #tpu.memory_space<vmem>>, vector<16xf32>,
    %broadcast_in_dim3A_56 = arith.constant 0.000000e+00 : f32
    %broadcast_in_dim3A_57 = vector.broadcast %broadcast_in_dim3A_56 : f32 to vector<16xf32>
    %add3A_58 = arith.constant 64 : i32
    %add3A_59 = vector.broadcast %add3A_58 : i32 to vector<16xi32>
    %add3A_60 = arith.addi %mul3A_27, %add3A_59 : vector<16xi32>
    %gather3A_61 = tpu.vector_load_idx %arg7[%add3A_60] : memref<1024xi32, #tpu.memory_space<vmem>>[vector<16xi32>], vector<16xi32>,
    %gather3A_62 = tpu.vector_load_idx %arg6[%gather3A_61] : memref<10000xf32, #tpu.memory_space<vmem>>[vector<16xi32>], vector<16xf32>,
    %add3A_63 = arith.addf %broadcast_in_dim3A_57, %gather3A_62 : vector<16xf32>
    %add3A_64 = arith.constant 65 : i32
    %add3A_65 = vector.broadcast %add3A_64 : i32 to vector<16xi32>
    %add3A_66 = arith.addi %mul3A_27, %add3A_65 : vector<16xi32>
    %gather3A_67 = tpu.vector_load_idx %arg7[%add3A_66] : memref<1024xi32, #tpu.memory_space<vmem>>[vector<16xi32>], vector<16xi32>,
    %gather3A_68 = tpu.vector_load_idx %arg6[%gather3A_67] : memref<10000xf32, #tpu.memory_space<vmem>>[vector<16xi32>], vector<16xf32>,
    %add3A_69 = arith.addf %add3A_63, %gather3A_68 : vector<16xf32>
    %add3A_70 = arith.constant 66 : i32
    %add3A_71 = vector.broadcast %add3A_70 : i32 to vector<16xi32>
    %add3A_72 = arith.addi %mul3A_27, %add3A_71 : vector<16xi32>
    %gather3A_73 = tpu.vector_load_idx %arg7[%add3A_72] : memref<1024xi32, #tpu.memory_space<vmem>>[vector<16xi32>], vector<16xi32>,
    %gather3A_74 = tpu.vector_load_idx %arg6[%gather3A_73] : memref<10000xf32, #tpu.memory_space<vmem>>[vector<16xi32>], vector<16xf32>,
    %add3A_75 = arith.addf %add3A_69, %gather3A_74 : vector<16xf32>
    %add3A_76 = arith.constant 67 : i32
    %add3A_77 = vector.broadcast %add3A_76 : i32 to vector<16xi32>
    %add3A_78 = arith.addi %mul3A_27, %add3A_77 : vector<16xi32>
    %gather3A_79 = tpu.vector_load_idx %arg7[%add3A_78] : memref<1024xi32, #tpu.memory_space<vmem>>[vector<16xi32>], vector<16xi32>,
    %gather3A_80 = tpu.vector_load_idx %arg6[%gather3A_79] : memref<10000xf32, #tpu.memory_space<vmem>>[vector<16xi32>], vector<16xf32>,
    %add3A_81 = arith.addf %add3A_75, %gather3A_80 : vector<16xf32>
    %mul3A_82 = arith.constant 2.500000e-01 : f32
    %mul3A_83 = vector.broadcast %mul3A_82 : f32 to vector<16xf32>
    %mul3A_84 = arith.mulf %add3A_81, %mul3A_83 : vector<16xf32>
    %swap3A_85 = arith.constant 16 : index
    %swap3A_86 = tpu.vector_load %arg9[%swap3A_85] {strides = array<i32>} : memref<256xf32, #tpu.memory_space<vmem>>, vector<16xf32>,
    tpu.vector_store %arg9[%swap3A_85], %mul3A_84 {strides = array<i32>} : memref<256xf32, #tpu.memory_space<vmem>>, vector<16xf32>,
    %broadcast_in_dim3A_87 = arith.constant 0.000000e+00 : f32
    %broadcast_in_dim3A_88 = vector.broadcast %broadcast_in_dim3A_87 : f32 to vector<16xf32>
    %add3A_89 = arith.constant 128 : i32
    %add3A_90 = vector.broadcast %add3A_89 : i32 to vector<16xi32>
    %add3A_91 = arith.addi %mul3A_27, %add3A_90 : vector<16xi32>
    %gather3A_92 = tpu.vector_load_idx %arg7[%add3A_91] : memref<1024xi32, #tpu.memory_space<vmem>>[vector<16xi32>], vector<16xi32>,
    %gather3A_93 = tpu.vector_load_idx %arg6[%gather3A_92] : memref<10000xf32, #tpu.memory_space<vmem>>[vector<16xi32>], vector<16xf32>,
    %add3A_94 = arith.addf %broadcast_in_dim3A_88, %gather3A_93 : vector<16xf32>
    %add3A_95 = arith.constant 129 : i32
    %add3A_96 = vector.broadcast %add3A_95 : i32 to vector<16xi32>
    %add3A_97 = arith.addi %mul3A_27, %add3A_96 : vector<16xi32>
    %gather3A_98 = tpu.vector_load_idx %arg7[%add3A_97] : memref<1024xi32, #tpu.memory_space<vmem>>[vector<16xi32>], vector<16xi32>,
    %gather3A_99 = tpu.vector_load_idx %arg6[%gather3A_98] : memref<10000xf32, #tpu.memory_space<vmem>>[vector<16xi32>], vector<16xf32>,
    %add3A_100 = arith.addf %add3A_94, %gather3A_99 : vector<16xf32>
    %add3A_101 = arith.constant 130 : i32
    %add3A_102 = vector.broadcast %add3A_101 : i32 to vector<16xi32>
    %add3A_103 = arith.addi %mul3A_27, %add3A_102 : vector<16xi32>
    %gather3A_104 = tpu.vector_load_idx %arg7[%add3A_103] : memref<1024xi32, #tpu.memory_space<vmem>>[vector<16xi32>], vector<16xi32>,
    %gather3A_105 = tpu.vector_load_idx %arg6[%gather3A_104] : memref<10000xf32, #tpu.memory_space<vmem>>[vector<16xi32>], vector<16xf32>,
    %add3A_106 = arith.addf %add3A_100, %gather3A_105 : vector<16xf32>
    %add3A_107 = arith.constant 131 : i32
    %add3A_108 = vector.broadcast %add3A_107 : i32 to vector<16xi32>
    %add3A_109 = arith.addi %mul3A_27, %add3A_108 : vector<16xi32>
    %gather3A_110 = tpu.vector_load_idx %arg7[%add3A_109] : memref<1024xi32, #tpu.memory_space<vmem>>[vector<16xi32>], vector<16xi32>,
    %gather3A_111 = tpu.vector_load_idx %arg6[%gather3A_110] : memref<10000xf32, #tpu.memory_space<vmem>>[vector<16xi32>], vector<16xf32>,
    %add3A_112 = arith.addf %add3A_106, %gather3A_111 : vector<16xf32>
    %mul3A_113 = arith.constant 2.500000e-01 : f32
    %mul3A_114 = vector.broadcast %mul3A_113 : f32 to vector<16xf32>
    %mul3A_115 = arith.mulf %add3A_112, %mul3A_114 : vector<16xf32>
    %swap3A_116 = arith.constant 32 : index
    %swap3A_117 = tpu.vector_load %arg9[%swap3A_116] {strides = array<i32>} : memref<256xf32, #tpu.memory_space<vmem>>, vector<16xf32>,
    tpu.vector_store %arg9[%swap3A_116], %mul3A_115 {strides = array<i32>} : memref<256xf32, #tpu.memory_space<vmem>>, vector<16xf32>,
    %broadcast_in_dim3A_118 = arith.constant 0.000000e+00 : f32
    %broadcast_in_dim3A_119 = vector.broadcast %broadcast_in_dim3A_118 : f32 to vector<16xf32>
    %add3A_120 = arith.constant 192 : i32
    %add3A_121 = vector.broadcast %add3A_120 : i32 to vector<16xi32>
    %add3A_122 = arith.addi %mul3A_27, %add3A_121 : vector<16xi32>
    %gather3A_123 = tpu.vector_load_idx %arg7[%add3A_122] : memref<1024xi32, #tpu.memory_space<vmem>>[vector<16xi32>], vector<16xi32>,
    %gather3A_124 = tpu.vector_load_idx %arg6[%gather3A_123] : memref<10000xf32, #tpu.memory_space<vmem>>[vector<16xi32>], vector<16xf32>,
    %add3A_125 = arith.addf %broadcast_in_dim3A_119, %gather3A_124 : vector<16xf32>
    %add3A_126 = arith.constant 193 : i32
    %add3A_127 = vector.broadcast %add3A_126 : i32 to vector<16xi32>
    %add3A_128 = arith.addi %mul3A_27, %add3A_127 : vector<16xi32>
    %gather3A_129 = tpu.vector_load_idx %arg7[%add3A_128] : memref<1024xi32, #tpu.memory_space<vmem>>[vector<16xi32>], vector<16xi32>,
    %gather3A_130 = tpu.vector_load_idx %arg6[%gather3A_129] : memref<10000xf32, #tpu.memory_space<vmem>>[vector<16xi32>], vector<16xf32>,
    %add3A_131 = arith.addf %add3A_125, %gather3A_130 : vector<16xf32>
    %add3A_132 = arith.constant 194 : i32
    %add3A_133 = vector.broadcast %add3A_132 : i32 to vector<16xi32>
    %add3A_134 = arith.addi %mul3A_27, %add3A_133 : vector<16xi32>
    %gather3A_135 = tpu.vector_load_idx %arg7[%add3A_134] : memref<1024xi32, #tpu.memory_space<vmem>>[vector<16xi32>], vector<16xi32>,
    %gather3A_136 = tpu.vector_load_idx %arg6[%gather3A_135] : memref<10000xf32, #tpu.memory_space<vmem>>[vector<16xi32>], vector<16xf32>,
    %add3A_137 = arith.addf %add3A_131, %gather3A_136 : vector<16xf32>
    %add3A_138 = arith.constant 195 : i32
    %add3A_139 = vector.broadcast %add3A_138 : i32 to vector<16xi32>
    %add3A_140 = arith.addi %mul3A_27, %add3A_139 : vector<16xi32>
    %gather3A_141 = tpu.vector_load_idx %arg7[%add3A_140] : memref<1024xi32, #tpu.memory_space<vmem>>[vector<16xi32>], vector<16xi32>,
    %gather3A_142 = tpu.vector_load_idx %arg6[%gather3A_141] : memref<10000xf32, #tpu.memory_space<vmem>>[vector<16xi32>], vector<16xf32>,
    %add3A_143 = arith.addf %add3A_137, %gather3A_142 : vector<16xf32>
    %mul3A_144 = arith.constant 2.500000e-01 : f32
    %mul3A_145 = vector.broadcast %mul3A_144 : f32 to vector<16xf32>
    %mul3A_146 = arith.mulf %add3A_143, %mul3A_145 : vector<16xf32>
    %swap3A_147 = arith.constant 48 : index
    %swap3A_148 = tpu.vector_load %arg9[%swap3A_147] {strides = array<i32>} : memref<256xf32, #tpu.memory_space<vmem>>, vector<16xf32>,
    tpu.vector_store %arg9[%swap3A_147], %mul3A_146 {strides = array<i32>} : memref<256xf32, #tpu.memory_space<vmem>>, vector<16xf32>,
    %broadcast_in_dim3A_149 = arith.constant 0.000000e+00 : f32
    %broadcast_in_dim3A_150 = vector.broadcast %broadcast_in_dim3A_149 : f32 to vector<16xf32>
    %add3A_151 = arith.constant 256 : i32
    %add3A_152 = vector.broadcast %add3A_151 : i32 to vector<16xi32>
    %add3A_153 = arith.addi %mul3A_27, %add3A_152 : vector<16xi32>
    %gather3A_154 = tpu.vector_load_idx %arg7[%add3A_153] : memref<1024xi32, #tpu.memory_space<vmem>>[vector<16xi32>], vector<16xi32>,
    %gather3A_155 = tpu.vector_load_idx %arg6[%gather3A_154] : memref<10000xf32, #tpu.memory_space<vmem>>[vector<16xi32>], vector<16xf32>,
    %add3A_156 = arith.addf %broadcast_in_dim3A_150, %gather3A_155 : vector<16xf32>
    %add3A_157 = arith.constant 257 : i32
    %add3A_158 = vector.broadcast %add3A_157 : i32 to vector<16xi32>
    %add3A_159 = arith.addi %mul3A_27, %add3A_158 : vector<16xi32>
    %gather3A_160 = tpu.vector_load_idx %arg7[%add3A_159] : memref<1024xi32, #tpu.memory_space<vmem>>[vector<16xi32>], vector<16xi32>,
    %gather3A_161 = tpu.vector_load_idx %arg6[%gather3A_160] : memref<10000xf32, #tpu.memory_space<vmem>>[vector<16xi32>], vector<16xf32>,
    %add3A_162 = arith.addf %add3A_156, %gather3A_161 : vector<16xf32>
    %add3A_163 = arith.constant 258 : i32
    %add3A_164 = vector.broadcast %add3A_163 : i32 to vector<16xi32>
    %add3A_165 = arith.addi %mul3A_27, %add3A_164 : vector<16xi32>
    %gather3A_166 = tpu.vector_load_idx %arg7[%add3A_165] : memref<1024xi32, #tpu.memory_space<vmem>>[vector<16xi32>], vector<16xi32>,
    %gather3A_167 = tpu.vector_load_idx %arg6[%gather3A_166] : memref<10000xf32, #tpu.memory_space<vmem>>[vector<16xi32>], vector<16xf32>,
    %add3A_168 = arith.addf %add3A_162, %gather3A_167 : vector<16xf32>
    %add3A_169 = arith.constant 259 : i32
    %add3A_170 = vector.broadcast %add3A_169 : i32 to vector<16xi32>
    %add3A_171 = arith.addi %mul3A_27, %add3A_170 : vector<16xi32>
    %gather3A_172 = tpu.vector_load_idx %arg7[%add3A_171] : memref<1024xi32, #tpu.memory_space<vmem>>[vector<16xi32>], vector<16xi32>,
    %gather3A_173 = tpu.vector_load_idx %arg6[%gather3A_172] : memref<10000xf32, #tpu.memory_space<vmem>>[vector<16xi32>], vector<16xf32>,
    %add3A_174 = arith.addf %add3A_168, %gather3A_173 : vector<16xf32>
    %mul3A_175 = arith.constant 2.500000e-01 : f32
    %mul3A_176 = vector.broadcast %mul3A_175 : f32 to vector<16xf32>
    %mul3A_177 = arith.mulf %add3A_174, %mul3A_176 : vector<16xf32>
    %swap3A_178 = arith.constant 64 : index
    %swap3A_179 = tpu.vector_load %arg9[%swap3A_178] {strides = array<i32>} : memref<256xf32, #tpu.memory_space<vmem>>, vector<16xf32>,
    tpu.vector_store %arg9[%swap3A_178], %mul3A_177 {strides = array<i32>} : memref<256xf32, #tpu.memory_space<vmem>>, vector<16xf32>,
    %broadcast_in_dim3A_180 = arith.constant 0.000000e+00 : f32
    %broadcast_in_dim3A_181 = vector.broadcast %broadcast_in_dim3A_180 : f32 to vector<16xf32>
    %add3A_182 = arith.constant 320 : i32
    %add3A_183 = vector.broadcast %add3A_182 : i32 to vector<16xi32>
    %add3A_184 = arith.addi %mul3A_27, %add3A_183 : vector<16xi32>
    %gather3A_185 = tpu.vector_load_idx %arg7[%add3A_184] : memref<1024xi32, #tpu.memory_space<vmem>>[vector<16xi32>], vector<16xi32>,
    %gather3A_186 = tpu.vector_load_idx %arg6[%gather3A_185] : memref<10000xf32, #tpu.memory_space<vmem>>[vector<16xi32>], vector<16xf32>,
    %add3A_187 = arith.addf %broadcast_in_dim3A_181, %gather3A_186 : vector<16xf32>
    %add3A_188 = arith.constant 321 : i32
    %add3A_189 = vector.broadcast %add3A_188 : i32 to vector<16xi32>
    %add3A_190 = arith.addi %mul3A_27, %add3A_189 : vector<16xi32>
    %gather3A_191 = tpu.vector_load_idx %arg7[%add3A_190] : memref<1024xi32, #tpu.memory_space<vmem>>[vector<16xi32>], vector<16xi32>,
    %gather3A_192 = tpu.vector_load_idx %arg6[%gather3A_191] : memref<10000xf32, #tpu.memory_space<vmem>>[vector<16xi32>], vector<16xf32>,
    %add3A_193 = arith.addf %add3A_187, %gather3A_192 : vector<16xf32>
    %add3A_194 = arith.constant 322 : i32
    %add3A_195 = vector.broadcast %add3A_194 : i32 to vector<16xi32>
    %add3A_196 = arith.addi %mul3A_27, %add3A_195 : vector<16xi32>
    %gather3A_197 = tpu.vector_load_idx %arg7[%add3A_196] : memref<1024xi32, #tpu.memory_space<vmem>>[vector<16xi32>], vector<16xi32>,
    %gather3A_198 = tpu.vector_load_idx %arg6[%gather3A_197] : memref<10000xf32, #tpu.memory_space<vmem>>[vector<16xi32>], vector<16xf32>,
    %add3A_199 = arith.addf %add3A_193, %gather3A_198 : vector<16xf32>
    %add3A_200 = arith.constant 323 : i32
    %add3A_201 = vector.broadcast %add3A_200 : i32 to vector<16xi32>
    %add3A_202 = arith.addi %mul3A_27, %add3A_201 : vector<16xi32>
    %gather3A_203 = tpu.vector_load_idx %arg7[%add3A_202] : memref<1024xi32, #tpu.memory_space<vmem>>[vector<16xi32>], vector<16xi32>,
    %gather3A_204 = tpu.vector_load_idx %arg6[%gather3A_203] : memref<10000xf32, #tpu.memory_space<vmem>>[vector<16xi32>], vector<16xf32>,
    %add3A_205 = arith.addf %add3A_199, %gather3A_204 : vector<16xf32>
    %mul3A_206 = arith.constant 2.500000e-01 : f32
    %mul3A_207 = vector.broadcast %mul3A_206 : f32 to vector<16xf32>
    %mul3A_208 = arith.mulf %add3A_205, %mul3A_207 : vector<16xf32>
    %swap3A_209 = arith.constant 80 : index
    %swap3A_210 = tpu.vector_load %arg9[%swap3A_209] {strides = array<i32>} : memref<256xf32, #tpu.memory_space<vmem>>, vector<16xf32>,
    tpu.vector_store %arg9[%swap3A_209], %mul3A_208 {strides = array<i32>} : memref<256xf32, #tpu.memory_space<vmem>>, vector<16xf32>,
    %broadcast_in_dim3A_211 = arith.constant 0.000000e+00 : f32
    %broadcast_in_dim3A_212 = vector.broadcast %broadcast_in_dim3A_211 : f32 to vector<16xf32>
    %add3A_213 = arith.constant 384 : i32
    %add3A_214 = vector.broadcast %add3A_213 : i32 to vector<16xi32>
    %add3A_215 = arith.addi %mul3A_27, %add3A_214 : vector<16xi32>
    %gather3A_216 = tpu.vector_load_idx %arg7[%add3A_215] : memref<1024xi32, #tpu.memory_space<vmem>>[vector<16xi32>], vector<16xi32>,
    %gather3A_217 = tpu.vector_load_idx %arg6[%gather3A_216] : memref<10000xf32, #tpu.memory_space<vmem>>[vector<16xi32>], vector<16xf32>,
    %add3A_218 = arith.addf %broadcast_in_dim3A_212, %gather3A_217 : vector<16xf32>
    %add3A_219 = arith.constant 385 : i32
    %add3A_220 = vector.broadcast %add3A_219 : i32 to vector<16xi32>
    %add3A_221 = arith.addi %mul3A_27, %add3A_220 : vector<16xi32>
    %gather3A_222 = tpu.vector_load_idx %arg7[%add3A_221] : memref<1024xi32, #tpu.memory_space<vmem>>[vector<16xi32>], vector<16xi32>,
    %gather3A_223 = tpu.vector_load_idx %arg6[%gather3A_222] : memref<10000xf32, #tpu.memory_space<vmem>>[vector<16xi32>], vector<16xf32>,
    %add3A_224 = arith.addf %add3A_218, %gather3A_223 : vector<16xf32>
    %add3A_225 = arith.constant 386 : i32
    %add3A_226 = vector.broadcast %add3A_225 : i32 to vector<16xi32>
    %add3A_227 = arith.addi %mul3A_27, %add3A_226 : vector<16xi32>
    %gather3A_228 = tpu.vector_load_idx %arg7[%add3A_227] : memref<1024xi32, #tpu.memory_space<vmem>>[vector<16xi32>], vector<16xi32>,
    %gather3A_229 = tpu.vector_load_idx %arg6[%gather3A_228] : memref<10000xf32, #tpu.memory_space<vmem>>[vector<16xi32>], vector<16xf32>,
    %add3A_230 = arith.addf %add3A_224, %gather3A_229 : vector<16xf32>
    %add3A_231 = arith.constant 387 : i32
    %add3A_232 = vector.broadcast %add3A_231 : i32 to vector<16xi32>
    %add3A_233 = arith.addi %mul3A_27, %add3A_232 : vector<16xi32>
    %gather3A_234 = tpu.vector_load_idx %arg7[%add3A_233] : memref<1024xi32, #tpu.memory_space<vmem>>[vector<16xi32>], vector<16xi32>,
    %gather3A_235 = tpu.vector_load_idx %arg6[%gather3A_234] : memref<10000xf32, #tpu.memory_space<vmem>>[vector<16xi32>], vector<16xf32>,
    %add3A_236 = arith.addf %add3A_230, %gather3A_235 : vector<16xf32>
    %mul3A_237 = arith.constant 2.500000e-01 : f32
    %mul3A_238 = vector.broadcast %mul3A_237 : f32 to vector<16xf32>
    %mul3A_239 = arith.mulf %add3A_236, %mul3A_238 : vector<16xf32>
    %swap3A_240 = arith.constant 96 : index
    %swap3A_241 = tpu.vector_load %arg9[%swap3A_240] {strides = array<i32>} : memref<256xf32, #tpu.memory_space<vmem>>, vector<16xf32>,
    tpu.vector_store %arg9[%swap3A_240], %mul3A_239 {strides = array<i32>} : memref<256xf32, #tpu.memory_space<vmem>>, vector<16xf32>,
    %broadcast_in_dim3A_242 = arith.constant 0.000000e+00 : f32
    %broadcast_in_dim3A_243 = vector.broadcast %broadcast_in_dim3A_242 : f32 to vector<16xf32>
    %add3A_244 = arith.constant 448 : i32
    %add3A_245 = vector.broadcast %add3A_244 : i32 to vector<16xi32>
    %add3A_246 = arith.addi %mul3A_27, %add3A_245 : vector<16xi32>
    %gather3A_247 = tpu.vector_load_idx %arg7[%add3A_246] : memref<1024xi32, #tpu.memory_space<vmem>>[vector<16xi32>], vector<16xi32>,
    %gather3A_248 = tpu.vector_load_idx %arg6[%gather3A_247] : memref<10000xf32, #tpu.memory_space<vmem>>[vector<16xi32>], vector<16xf32>,
    %add3A_249 = arith.addf %broadcast_in_dim3A_243, %gather3A_248 : vector<16xf32>
    %add3A_250 = arith.constant 449 : i32
    %add3A_251 = vector.broadcast %add3A_250 : i32 to vector<16xi32>
    %add3A_252 = arith.addi %mul3A_27, %add3A_251 : vector<16xi32>
    %gather3A_253 = tpu.vector_load_idx %arg7[%add3A_252] : memref<1024xi32, #tpu.memory_space<vmem>>[vector<16xi32>], vector<16xi32>,
    %gather3A_254 = tpu.vector_load_idx %arg6[%gather3A_253] : memref<10000xf32, #tpu.memory_space<vmem>>[vector<16xi32>], vector<16xf32>,
    %add3A_255 = arith.addf %add3A_249, %gather3A_254 : vector<16xf32>
    %add3A_256 = arith.constant 450 : i32
    %add3A_257 = vector.broadcast %add3A_256 : i32 to vector<16xi32>
    %add3A_258 = arith.addi %mul3A_27, %add3A_257 : vector<16xi32>
    %gather3A_259 = tpu.vector_load_idx %arg7[%add3A_258] : memref<1024xi32, #tpu.memory_space<vmem>>[vector<16xi32>], vector<16xi32>,
    %gather3A_260 = tpu.vector_load_idx %arg6[%gather3A_259] : memref<10000xf32, #tpu.memory_space<vmem>>[vector<16xi32>], vector<16xf32>,
    %add3A_261 = arith.addf %add3A_255, %gather3A_260 : vector<16xf32>
    %add3A_262 = arith.constant 451 : i32
    %add3A_263 = vector.broadcast %add3A_262 : i32 to vector<16xi32>
    %add3A_264 = arith.addi %mul3A_27, %add3A_263 : vector<16xi32>
    %gather3A_265 = tpu.vector_load_idx %arg7[%add3A_264] : memref<1024xi32, #tpu.memory_space<vmem>>[vector<16xi32>], vector<16xi32>,
    %gather3A_266 = tpu.vector_load_idx %arg6[%gather3A_265] : memref<10000xf32, #tpu.memory_space<vmem>>[vector<16xi32>], vector<16xf32>,
    %add3A_267 = arith.addf %add3A_261, %gather3A_266 : vector<16xf32>
    %mul3A_268 = arith.constant 2.500000e-01 : f32
    %mul3A_269 = vector.broadcast %mul3A_268 : f32 to vector<16xf32>
    %mul3A_270 = arith.mulf %add3A_267, %mul3A_269 : vector<16xf32>
    %swap3A_271 = arith.constant 112 : index
    %swap3A_272 = tpu.vector_load %arg9[%swap3A_271] {strides = array<i32>} : memref<256xf32, #tpu.memory_space<vmem>>, vector<16xf32>,
    tpu.vector_store %arg9[%swap3A_271], %mul3A_270 {strides = array<i32>} : memref<256xf32, #tpu.memory_space<vmem>>, vector<16xf32>,
    %broadcast_in_dim3A_273 = arith.constant 0.000000e+00 : f32
    %broadcast_in_dim3A_274 = vector.broadcast %broadcast_in_dim3A_273 : f32 to vector<16xf32>
    %add3A_275 = arith.constant 512 : i32
    %add3A_276 = vector.broadcast %add3A_275 : i32 to vector<16xi32>
    %add3A_277 = arith.addi %mul3A_27, %add3A_276 : vector<16xi32>
    %gather3A_278 = tpu.vector_load_idx %arg7[%add3A_277] : memref<1024xi32, #tpu.memory_space<vmem>>[vector<16xi32>], vector<16xi32>,
    %gather3A_279 = tpu.vector_load_idx %arg6[%gather3A_278] : memref<10000xf32, #tpu.memory_space<vmem>>[vector<16xi32>], vector<16xf32>,
    %add3A_280 = arith.addf %broadcast_in_dim3A_274, %gather3A_279 : vector<16xf32>
    %add3A_281 = arith.constant 513 : i32
    %add3A_282 = vector.broadcast %add3A_281 : i32 to vector<16xi32>
    %add3A_283 = arith.addi %mul3A_27, %add3A_282 : vector<16xi32>
    %gather3A_284 = tpu.vector_load_idx %arg7[%add3A_283] : memref<1024xi32, #tpu.memory_space<vmem>>[vector<16xi32>], vector<16xi32>,
    %gather3A_285 = tpu.vector_load_idx %arg6[%gather3A_284] : memref<10000xf32, #tpu.memory_space<vmem>>[vector<16xi32>], vector<16xf32>,
    %add3A_286 = arith.addf %add3A_280, %gather3A_285 : vector<16xf32>
    %add3A_287 = arith.constant 514 : i32
    %add3A_288 = vector.broadcast %add3A_287 : i32 to vector<16xi32>
    %add3A_289 = arith.addi %mul3A_27, %add3A_288 : vector<16xi32>
    %gather3A_290 = tpu.vector_load_idx %arg7[%add3A_289] : memref<1024xi32, #tpu.memory_space<vmem>>[vector<16xi32>], vector<16xi32>,
    %gather3A_291 = tpu.vector_load_idx %arg6[%gather3A_290] : memref<10000xf32, #tpu.memory_space<vmem>>[vector<16xi32>], vector<16xf32>,
    %add3A_292 = arith.addf %add3A_286, %gather3A_291 : vector<16xf32>
    %add3A_293 = arith.constant 515 : i32
    %add3A_294 = vector.broadcast %add3A_293 : i32 to vector<16xi32>
    %add3A_295 = arith.addi %mul3A_27, %add3A_294 : vector<16xi32>
    %gather3A_296 = tpu.vector_load_idx %arg7[%add3A_295] : memref<1024xi32, #tpu.memory_space<vmem>>[vector<16xi32>], vector<16xi32>,
    %gather3A_297 = tpu.vector_load_idx %arg6[%gather3A_296] : memref<10000xf32, #tpu.memory_space<vmem>>[vector<16xi32>], vector<16xf32>,
    %add3A_298 = arith.addf %add3A_292, %gather3A_297 : vector<16xf32>
    %mul3A_299 = arith.constant 2.500000e-01 : f32
    %mul3A_300 = vector.broadcast %mul3A_299 : f32 to vector<16xf32>
    %mul3A_301 = arith.mulf %add3A_298, %mul3A_300 : vector<16xf32>
    %swap3A_302 = arith.constant 128 : index
    %swap3A_303 = tpu.vector_load %arg9[%swap3A_302] {strides = array<i32>} : memref<256xf32, #tpu.memory_space<vmem>>, vector<16xf32>,
    tpu.vector_store %arg9[%swap3A_302], %mul3A_301 {strides = array<i32>} : memref<256xf32, #tpu.memory_space<vmem>>, vector<16xf32>,
    %broadcast_in_dim3A_304 = arith.constant 0.000000e+00 : f32
    %broadcast_in_dim3A_305 = vector.broadcast %broadcast_in_dim3A_304 : f32 to vector<16xf32>
    %add3A_306 = arith.constant 576 : i32
    %add3A_307 = vector.broadcast %add3A_306 : i32 to vector<16xi32>
    %add3A_308 = arith.addi %mul3A_27, %add3A_307 : vector<16xi32>
    %gather3A_309 = tpu.vector_load_idx %arg7[%add3A_308] : memref<1024xi32, #tpu.memory_space<vmem>>[vector<16xi32>], vector<16xi32>,
    %gather3A_310 = tpu.vector_load_idx %arg6[%gather3A_309] : memref<10000xf32, #tpu.memory_space<vmem>>[vector<16xi32>], vector<16xf32>,
    %add3A_311 = arith.addf %broadcast_in_dim3A_305, %gather3A_310 : vector<16xf32>
    %add3A_312 = arith.constant 577 : i32
    %add3A_313 = vector.broadcast %add3A_312 : i32 to vector<16xi32>
    %add3A_314 = arith.addi %mul3A_27, %add3A_313 : vector<16xi32>
    %gather3A_315 = tpu.vector_load_idx %arg7[%add3A_314] : memref<1024xi32, #tpu.memory_space<vmem>>[vector<16xi32>], vector<16xi32>,
    %gather3A_316 = tpu.vector_load_idx %arg6[%gather3A_315] : memref<10000xf32, #tpu.memory_space<vmem>>[vector<16xi32>], vector<16xf32>,
    %add3A_317 = arith.addf %add3A_311, %gather3A_316 : vector<16xf32>
    %add3A_318 = arith.constant 578 : i32
    %add3A_319 = vector.broadcast %add3A_318 : i32 to vector<16xi32>
    %add3A_320 = arith.addi %mul3A_27, %add3A_319 : vector<16xi32>
    %gather3A_321 = tpu.vector_load_idx %arg7[%add3A_320] : memref<1024xi32, #tpu.memory_space<vmem>>[vector<16xi32>], vector<16xi32>,
    %gather3A_322 = tpu.vector_load_idx %arg6[%gather3A_321] : memref<10000xf32, #tpu.memory_space<vmem>>[vector<16xi32>], vector<16xf32>,
    %add3A_323 = arith.addf %add3A_317, %gather3A_322 : vector<16xf32>
    %add3A_324 = arith.constant 579 : i32
    %add3A_325 = vector.broadcast %add3A_324 : i32 to vector<16xi32>
    %add3A_326 = arith.addi %mul3A_27, %add3A_325 : vector<16xi32>
    %gather3A_327 = tpu.vector_load_idx %arg7[%add3A_326] : memref<1024xi32, #tpu.memory_space<vmem>>[vector<16xi32>], vector<16xi32>,
    %gather3A_328 = tpu.vector_load_idx %arg6[%gather3A_327] : memref<10000xf32, #tpu.memory_space<vmem>>[vector<16xi32>], vector<16xf32>,
    %add3A_329 = arith.addf %add3A_323, %gather3A_328 : vector<16xf32>
    %mul3A_330 = arith.constant 2.500000e-01 : f32
    %mul3A_331 = vector.broadcast %mul3A_330 : f32 to vector<16xf32>
    %mul3A_332 = arith.mulf %add3A_329, %mul3A_331 : vector<16xf32>
    %swap3A_333 = arith.constant 144 : index
    %swap3A_334 = tpu.vector_load %arg9[%swap3A_333] {strides = array<i32>} : memref<256xf32, #tpu.memory_space<vmem>>, vector<16xf32>,
    tpu.vector_store %arg9[%swap3A_333], %mul3A_332 {strides = array<i32>} : memref<256xf32, #tpu.memory_space<vmem>>, vector<16xf32>,
    %broadcast_in_dim3A_335 = arith.constant 0.000000e+00 : f32
    %broadcast_in_dim3A_336 = vector.broadcast %broadcast_in_dim3A_335 : f32 to vector<16xf32>
    %add3A_337 = arith.constant 640 : i32
    %add3A_338 = vector.broadcast %add3A_337 : i32 to vector<16xi32>
    %add3A_339 = arith.addi %mul3A_27, %add3A_338 : vector<16xi32>
    %gather3A_340 = tpu.vector_load_idx %arg7[%add3A_339] : memref<1024xi32, #tpu.memory_space<vmem>>[vector<16xi32>], vector<16xi32>,
    %gather3A_341 = tpu.vector_load_idx %arg6[%gather3A_340] : memref<10000xf32, #tpu.memory_space<vmem>>[vector<16xi32>], vector<16xf32>,
    %add3A_342 = arith.addf %broadcast_in_dim3A_336, %gather3A_341 : vector<16xf32>
    %add3A_343 = arith.constant 641 : i32
    %add3A_344 = vector.broadcast %add3A_343 : i32 to vector<16xi32>
    %add3A_345 = arith.addi %mul3A_27, %add3A_344 : vector<16xi32>
    %gather3A_346 = tpu.vector_load_idx %arg7[%add3A_345] : memref<1024xi32, #tpu.memory_space<vmem>>[vector<16xi32>], vector<16xi32>,
    %gather3A_347 = tpu.vector_load_idx %arg6[%gather3A_346] : memref<10000xf32, #tpu.memory_space<vmem>>[vector<16xi32>], vector<16xf32>,
    %add3A_348 = arith.addf %add3A_342, %gather3A_347 : vector<16xf32>
    %add3A_349 = arith.constant 642 : i32
    %add3A_350 = vector.broadcast %add3A_349 : i32 to vector<16xi32>
    %add3A_351 = arith.addi %mul3A_27, %add3A_350 : vector<16xi32>
    %gather3A_352 = tpu.vector_load_idx %arg7[%add3A_351] : memref<1024xi32, #tpu.memory_space<vmem>>[vector<16xi32>], vector<16xi32>,
    %gather3A_353 = tpu.vector_load_idx %arg6[%gather3A_352] : memref<10000xf32, #tpu.memory_space<vmem>>[vector<16xi32>], vector<16xf32>,
    %add3A_354 = arith.addf %add3A_348, %gather3A_353 : vector<16xf32>
    %add3A_355 = arith.constant 643 : i32
    %add3A_356 = vector.broadcast %add3A_355 : i32 to vector<16xi32>
    %add3A_357 = arith.addi %mul3A_27, %add3A_356 : vector<16xi32>
    %gather3A_358 = tpu.vector_load_idx %arg7[%add3A_357] : memref<1024xi32, #tpu.memory_space<vmem>>[vector<16xi32>], vector<16xi32>,
    %gather3A_359 = tpu.vector_load_idx %arg6[%gather3A_358] : memref<10000xf32, #tpu.memory_space<vmem>>[vector<16xi32>], vector<16xf32>,
    %add3A_360 = arith.addf %add3A_354, %gather3A_359 : vector<16xf32>
    %mul3A_361 = arith.constant 2.500000e-01 : f32
    %mul3A_362 = vector.broadcast %mul3A_361 : f32 to vector<16xf32>
    %mul3A_363 = arith.mulf %add3A_360, %mul3A_362 : vector<16xf32>
    %swap3A_364 = arith.constant 160 : index
    %swap3A_365 = tpu.vector_load %arg9[%swap3A_364] {strides = array<i32>} : memref<256xf32, #tpu.memory_space<vmem>>, vector<16xf32>,
    tpu.vector_store %arg9[%swap3A_364], %mul3A_363 {strides = array<i32>} : memref<256xf32, #tpu.memory_space<vmem>>, vector<16xf32>,
    %broadcast_in_dim3A_366 = arith.constant 0.000000e+00 : f32
    %broadcast_in_dim3A_367 = vector.broadcast %broadcast_in_dim3A_366 : f32 to vector<16xf32>
    %add3A_368 = arith.constant 704 : i32
    %add3A_369 = vector.broadcast %add3A_368 : i32 to vector<16xi32>
    %add3A_370 = arith.addi %mul3A_27, %add3A_369 : vector<16xi32>
    %gather3A_371 = tpu.vector_load_idx %arg7[%add3A_370] : memref<1024xi32, #tpu.memory_space<vmem>>[vector<16xi32>], vector<16xi32>,
    %gather3A_372 = tpu.vector_load_idx %arg6[%gather3A_371] : memref<10000xf32, #tpu.memory_space<vmem>>[vector<16xi32>], vector<16xf32>,
    %add3A_373 = arith.addf %broadcast_in_dim3A_367, %gather3A_372 : vector<16xf32>
    %add3A_374 = arith.constant 705 : i32
    %add3A_375 = vector.broadcast %add3A_374 : i32 to vector<16xi32>
    %add3A_376 = arith.addi %mul3A_27, %add3A_375 : vector<16xi32>
    %gather3A_377 = tpu.vector_load_idx %arg7[%add3A_376] : memref<1024xi32, #tpu.memory_space<vmem>>[vector<16xi32>], vector<16xi32>,
    %gather3A_378 = tpu.vector_load_idx %arg6[%gather3A_377] : memref<10000xf32, #tpu.memory_space<vmem>>[vector<16xi32>], vector<16xf32>,
    %add3A_379 = arith.addf %add3A_373, %gather3A_378 : vector<16xf32>
    %add3A_380 = arith.constant 706 : i32
    %add3A_381 = vector.broadcast %add3A_380 : i32 to vector<16xi32>
    %add3A_382 = arith.addi %mul3A_27, %add3A_381 : vector<16xi32>
    %gather3A_383 = tpu.vector_load_idx %arg7[%add3A_382] : memref<1024xi32, #tpu.memory_space<vmem>>[vector<16xi32>], vector<16xi32>,
    %gather3A_384 = tpu.vector_load_idx %arg6[%gather3A_383] : memref<10000xf32, #tpu.memory_space<vmem>>[vector<16xi32>], vector<16xf32>,
    %add3A_385 = arith.addf %add3A_379, %gather3A_384 : vector<16xf32>
    %add3A_386 = arith.constant 707 : i32
    %add3A_387 = vector.broadcast %add3A_386 : i32 to vector<16xi32>
    %add3A_388 = arith.addi %mul3A_27, %add3A_387 : vector<16xi32>
    %gather3A_389 = tpu.vector_load_idx %arg7[%add3A_388] : memref<1024xi32, #tpu.memory_space<vmem>>[vector<16xi32>], vector<16xi32>,
    %gather3A_390 = tpu.vector_load_idx %arg6[%gather3A_389] : memref<10000xf32, #tpu.memory_space<vmem>>[vector<16xi32>], vector<16xf32>,
    %add3A_391 = arith.addf %add3A_385, %gather3A_390 : vector<16xf32>
    %mul3A_392 = arith.constant 2.500000e-01 : f32
    %mul3A_393 = vector.broadcast %mul3A_392 : f32 to vector<16xf32>
    %mul3A_394 = arith.mulf %add3A_391, %mul3A_393 : vector<16xf32>
    %swap3A_395 = arith.constant 176 : index
    %swap3A_396 = tpu.vector_load %arg9[%swap3A_395] {strides = array<i32>} : memref<256xf32, #tpu.memory_space<vmem>>, vector<16xf32>,
    tpu.vector_store %arg9[%swap3A_395], %mul3A_394 {strides = array<i32>} : memref<256xf32, #tpu.memory_space<vmem>>, vector<16xf32>,
    %broadcast_in_dim3A_397 = arith.constant 0.000000e+00 : f32
    %broadcast_in_dim3A_398 = vector.broadcast %broadcast_in_dim3A_397 : f32 to vector<16xf32>
    %add3A_399 = arith.constant 768 : i32
    %add3A_400 = vector.broadcast %add3A_399 : i32 to vector<16xi32>
    %add3A_401 = arith.addi %mul3A_27, %add3A_400 : vector<16xi32>
    %gather3A_402 = tpu.vector_load_idx %arg7[%add3A_401] : memref<1024xi32, #tpu.memory_space<vmem>>[vector<16xi32>], vector<16xi32>,
    %gather3A_403 = tpu.vector_load_idx %arg6[%gather3A_402] : memref<10000xf32, #tpu.memory_space<vmem>>[vector<16xi32>], vector<16xf32>,
    %add3A_404 = arith.addf %broadcast_in_dim3A_398, %gather3A_403 : vector<16xf32>
    %add3A_405 = arith.constant 769 : i32
    %add3A_406 = vector.broadcast %add3A_405 : i32 to vector<16xi32>
    %add3A_407 = arith.addi %mul3A_27, %add3A_406 : vector<16xi32>
    %gather3A_408 = tpu.vector_load_idx %arg7[%add3A_407] : memref<1024xi32, #tpu.memory_space<vmem>>[vector<16xi32>], vector<16xi32>,
    %gather3A_409 = tpu.vector_load_idx %arg6[%gather3A_408] : memref<10000xf32, #tpu.memory_space<vmem>>[vector<16xi32>], vector<16xf32>,
    %add3A_410 = arith.addf %add3A_404, %gather3A_409 : vector<16xf32>
    %add3A_411 = arith.constant 770 : i32
    %add3A_412 = vector.broadcast %add3A_411 : i32 to vector<16xi32>
    %add3A_413 = arith.addi %mul3A_27, %add3A_412 : vector<16xi32>
    %gather3A_414 = tpu.vector_load_idx %arg7[%add3A_413] : memref<1024xi32, #tpu.memory_space<vmem>>[vector<16xi32>], vector<16xi32>,
    %gather3A_415 = tpu.vector_load_idx %arg6[%gather3A_414] : memref<10000xf32, #tpu.memory_space<vmem>>[vector<16xi32>], vector<16xf32>,
    %add3A_416 = arith.addf %add3A_410, %gather3A_415 : vector<16xf32>
    %add3A_417 = arith.constant 771 : i32
    %add3A_418 = vector.broadcast %add3A_417 : i32 to vector<16xi32>
    %add3A_419 = arith.addi %mul3A_27, %add3A_418 : vector<16xi32>
    %gather3A_420 = tpu.vector_load_idx %arg7[%add3A_419] : memref<1024xi32, #tpu.memory_space<vmem>>[vector<16xi32>], vector<16xi32>,
    %gather3A_421 = tpu.vector_load_idx %arg6[%gather3A_420] : memref<10000xf32, #tpu.memory_space<vmem>>[vector<16xi32>], vector<16xf32>,
    %add3A_422 = arith.addf %add3A_416, %gather3A_421 : vector<16xf32>
    %mul3A_423 = arith.constant 2.500000e-01 : f32
    %mul3A_424 = vector.broadcast %mul3A_423 : f32 to vector<16xf32>
    %mul3A_425 = arith.mulf %add3A_422, %mul3A_424 : vector<16xf32>
    %swap3A_426 = arith.constant 192 : index
    %swap3A_427 = tpu.vector_load %arg9[%swap3A_426] {strides = array<i32>} : memref<256xf32, #tpu.memory_space<vmem>>, vector<16xf32>,
    tpu.vector_store %arg9[%swap3A_426], %mul3A_425 {strides = array<i32>} : memref<256xf32, #tpu.memory_space<vmem>>, vector<16xf32>,
    %broadcast_in_dim3A_428 = arith.constant 0.000000e+00 : f32
    %broadcast_in_dim3A_429 = vector.broadcast %broadcast_in_dim3A_428 : f32 to vector<16xf32>
    %add3A_430 = arith.constant 832 : i32
    %add3A_431 = vector.broadcast %add3A_430 : i32 to vector<16xi32>
    %add3A_432 = arith.addi %mul3A_27, %add3A_431 : vector<16xi32>
    %gather3A_433 = tpu.vector_load_idx %arg7[%add3A_432] : memref<1024xi32, #tpu.memory_space<vmem>>[vector<16xi32>], vector<16xi32>,
    %gather3A_434 = tpu.vector_load_idx %arg6[%gather3A_433] : memref<10000xf32, #tpu.memory_space<vmem>>[vector<16xi32>], vector<16xf32>,
    %add3A_435 = arith.addf %broadcast_in_dim3A_429, %gather3A_434 : vector<16xf32>
    %add3A_436 = arith.constant 833 : i32
    %add3A_437 = vector.broadcast %add3A_436 : i32 to vector<16xi32>
    %add3A_438 = arith.addi %mul3A_27, %add3A_437 : vector<16xi32>
    %gather3A_439 = tpu.vector_load_idx %arg7[%add3A_438] : memref<1024xi32, #tpu.memory_space<vmem>>[vector<16xi32>], vector<16xi32>,
    %gather3A_440 = tpu.vector_load_idx %arg6[%gather3A_439] : memref<10000xf32, #tpu.memory_space<vmem>>[vector<16xi32>], vector<16xf32>,
    %add3A_441 = arith.addf %add3A_435, %gather3A_440 : vector<16xf32>
    %add3A_442 = arith.constant 834 : i32
    %add3A_443 = vector.broadcast %add3A_442 : i32 to vector<16xi32>
    %add3A_444 = arith.addi %mul3A_27, %add3A_443 : vector<16xi32>
    %gather3A_445 = tpu.vector_load_idx %arg7[%add3A_444] : memref<1024xi32, #tpu.memory_space<vmem>>[vector<16xi32>], vector<16xi32>,
    %gather3A_446 = tpu.vector_load_idx %arg6[%gather3A_445] : memref<10000xf32, #tpu.memory_space<vmem>>[vector<16xi32>], vector<16xf32>,
    %add3A_447 = arith.addf %add3A_441, %gather3A_446 : vector<16xf32>
    %add3A_448 = arith.constant 835 : i32
    %add3A_449 = vector.broadcast %add3A_448 : i32 to vector<16xi32>
    %add3A_450 = arith.addi %mul3A_27, %add3A_449 : vector<16xi32>
    %gather3A_451 = tpu.vector_load_idx %arg7[%add3A_450] : memref<1024xi32, #tpu.memory_space<vmem>>[vector<16xi32>], vector<16xi32>,
    %gather3A_452 = tpu.vector_load_idx %arg6[%gather3A_451] : memref<10000xf32, #tpu.memory_space<vmem>>[vector<16xi32>], vector<16xf32>,
    %add3A_453 = arith.addf %add3A_447, %gather3A_452 : vector<16xf32>
    %mul3A_454 = arith.constant 2.500000e-01 : f32
    %mul3A_455 = vector.broadcast %mul3A_454 : f32 to vector<16xf32>
    %mul3A_456 = arith.mulf %add3A_453, %mul3A_455 : vector<16xf32>
    %swap3A_457 = arith.constant 208 : index
    %swap3A_458 = tpu.vector_load %arg9[%swap3A_457] {strides = array<i32>} : memref<256xf32, #tpu.memory_space<vmem>>, vector<16xf32>,
    tpu.vector_store %arg9[%swap3A_457], %mul3A_456 {strides = array<i32>} : memref<256xf32, #tpu.memory_space<vmem>>, vector<16xf32>,
    %broadcast_in_dim3A_459 = arith.constant 0.000000e+00 : f32
    %broadcast_in_dim3A_460 = vector.broadcast %broadcast_in_dim3A_459 : f32 to vector<16xf32>
    %add3A_461 = arith.constant 896 : i32
    %add3A_462 = vector.broadcast %add3A_461 : i32 to vector<16xi32>
    %add3A_463 = arith.addi %mul3A_27, %add3A_462 : vector<16xi32>
    %gather3A_464 = tpu.vector_load_idx %arg7[%add3A_463] : memref<1024xi32, #tpu.memory_space<vmem>>[vector<16xi32>], vector<16xi32>,
    %gather3A_465 = tpu.vector_load_idx %arg6[%gather3A_464] : memref<10000xf32, #tpu.memory_space<vmem>>[vector<16xi32>], vector<16xf32>,
    %add3A_466 = arith.addf %broadcast_in_dim3A_460, %gather3A_465 : vector<16xf32>
    %add3A_467 = arith.constant 897 : i32
    %add3A_468 = vector.broadcast %add3A_467 : i32 to vector<16xi32>
    %add3A_469 = arith.addi %mul3A_27, %add3A_468 : vector<16xi32>
    %gather3A_470 = tpu.vector_load_idx %arg7[%add3A_469] : memref<1024xi32, #tpu.memory_space<vmem>>[vector<16xi32>], vector<16xi32>,
    %gather3A_471 = tpu.vector_load_idx %arg6[%gather3A_470] : memref<10000xf32, #tpu.memory_space<vmem>>[vector<16xi32>], vector<16xf32>,
    %add3A_472 = arith.addf %add3A_466, %gather3A_471 : vector<16xf32>
    %add3A_473 = arith.constant 898 : i32
    %add3A_474 = vector.broadcast %add3A_473 : i32 to vector<16xi32>
    %add3A_475 = arith.addi %mul3A_27, %add3A_474 : vector<16xi32>
    %gather3A_476 = tpu.vector_load_idx %arg7[%add3A_475] : memref<1024xi32, #tpu.memory_space<vmem>>[vector<16xi32>], vector<16xi32>,
    %gather3A_477 = tpu.vector_load_idx %arg6[%gather3A_476] : memref<10000xf32, #tpu.memory_space<vmem>>[vector<16xi32>], vector<16xf32>,
    %add3A_478 = arith.addf %add3A_472, %gather3A_477 : vector<16xf32>
    %add3A_479 = arith.constant 899 : i32
    %add3A_480 = vector.broadcast %add3A_479 : i32 to vector<16xi32>
    %add3A_481 = arith.addi %mul3A_27, %add3A_480 : vector<16xi32>
    %gather3A_482 = tpu.vector_load_idx %arg7[%add3A_481] : memref<1024xi32, #tpu.memory_space<vmem>>[vector<16xi32>], vector<16xi32>,
    %gather3A_483 = tpu.vector_load_idx %arg6[%gather3A_482] : memref<10000xf32, #tpu.memory_space<vmem>>[vector<16xi32>], vector<16xf32>,
    %add3A_484 = arith.addf %add3A_478, %gather3A_483 : vector<16xf32>
    %mul3A_485 = arith.constant 2.500000e-01 : f32
    %mul3A_486 = vector.broadcast %mul3A_485 : f32 to vector<16xf32>
    %mul3A_487 = arith.mulf %add3A_484, %mul3A_486 : vector<16xf32>
    %swap3A_488 = arith.constant 224 : index
    %swap3A_489 = tpu.vector_load %arg9[%swap3A_488] {strides = array<i32>} : memref<256xf32, #tpu.memory_space<vmem>>, vector<16xf32>,
    tpu.vector_store %arg9[%swap3A_488], %mul3A_487 {strides = array<i32>} : memref<256xf32, #tpu.memory_space<vmem>>, vector<16xf32>,
    %broadcast_in_dim3A_490 = arith.constant 0.000000e+00 : f32
    %broadcast_in_dim3A_491 = vector.broadcast %broadcast_in_dim3A_490 : f32 to vector<16xf32>
    %add3A_492 = arith.constant 960 : i32
    %add3A_493 = vector.broadcast %add3A_492 : i32 to vector<16xi32>
    %add3A_494 = arith.addi %mul3A_27, %add3A_493 : vector<16xi32>
    %gather3A_495 = tpu.vector_load_idx %arg7[%add3A_494] : memref<1024xi32, #tpu.memory_space<vmem>>[vector<16xi32>], vector<16xi32>,
    %gather3A_496 = tpu.vector_load_idx %arg6[%gather3A_495] : memref<10000xf32, #tpu.memory_space<vmem>>[vector<16xi32>], vector<16xf32>,
    %add3A_497 = arith.addf %broadcast_in_dim3A_491, %gather3A_496 : vector<16xf32>
    %add3A_498 = arith.constant 961 : i32
    %add3A_499 = vector.broadcast %add3A_498 : i32 to vector<16xi32>
    %add3A_500 = arith.addi %mul3A_27, %add3A_499 : vector<16xi32>
    %gather3A_501 = tpu.vector_load_idx %arg7[%add3A_500] : memref<1024xi32, #tpu.memory_space<vmem>>[vector<16xi32>], vector<16xi32>,
    %gather3A_502 = tpu.vector_load_idx %arg6[%gather3A_501] : memref<10000xf32, #tpu.memory_space<vmem>>[vector<16xi32>], vector<16xf32>,
    %add3A_503 = arith.addf %add3A_497, %gather3A_502 : vector<16xf32>
    %add3A_504 = arith.constant 962 : i32
    %add3A_505 = vector.broadcast %add3A_504 : i32 to vector<16xi32>
    %add3A_506 = arith.addi %mul3A_27, %add3A_505 : vector<16xi32>
    %gather3A_507 = tpu.vector_load_idx %arg7[%add3A_506] : memref<1024xi32, #tpu.memory_space<vmem>>[vector<16xi32>], vector<16xi32>,
    %gather3A_508 = tpu.vector_load_idx %arg6[%gather3A_507] : memref<10000xf32, #tpu.memory_space<vmem>>[vector<16xi32>], vector<16xf32>,
    %add3A_509 = arith.addf %add3A_503, %gather3A_508 : vector<16xf32>
    %add3A_510 = arith.constant 963 : i32
    %add3A_511 = vector.broadcast %add3A_510 : i32 to vector<16xi32>
    %add3A_512 = arith.addi %mul3A_27, %add3A_511 : vector<16xi32>
    %gather3A_513 = tpu.vector_load_idx %arg7[%add3A_512] : memref<1024xi32, #tpu.memory_space<vmem>>[vector<16xi32>], vector<16xi32>,
    %gather3A_514 = tpu.vector_load_idx %arg6[%gather3A_513] : memref<10000xf32, #tpu.memory_space<vmem>>[vector<16xi32>], vector<16xf32>,
    %add3A_515 = arith.addf %add3A_509, %gather3A_514 : vector<16xf32>
    %mul3A_516 = arith.constant 2.500000e-01 : f32
    %mul3A_517 = vector.broadcast %mul3A_516 : f32 to vector<16xf32>
    %mul3A_518 = arith.mulf %add3A_515, %mul3A_517 : vector<16xf32>
    %swap3A_519 = arith.constant 240 : index
    %swap3A_520 = tpu.vector_load %arg9[%swap3A_519] {strides = array<i32>} : memref<256xf32, #tpu.memory_space<vmem>>, vector<16xf32>,
    tpu.vector_store %arg9[%swap3A_519], %mul3A_518 {strides = array<i32>} : memref<256xf32, #tpu.memory_space<vmem>>, vector<16xf32>,
    %mul3A_521 = arith.constant 8 : i32
    %mul3A_522 = vector.broadcast %mul3A_521 : i32 to vector<16xi32>
    %mul3A_523 = arith.muli %iota3A, %mul3A_522 : vector<16xi32>
    %broadcast_in_dim3A_524 = arith.constant 0.000000e+00 : f32
    %broadcast_in_dim3A_525 = vector.broadcast %broadcast_in_dim3A_524 : f32 to vector<16xf32>
    %add3A_526 = arith.constant 0 : i32
    %add3A_527 = vector.broadcast %add3A_526 : i32 to vector<16xi32>
    %add3A_528 = arith.addi %mul3A_523, %add3A_527 : vector<16xi32>
    %gather3A_529 = tpu.vector_load_idx %arg8[%add3A_528] : memref<2048xi32, #tpu.memory_space<vmem>>[vector<16xi32>], vector<16xi32>,
    %gather3A_530 = tpu.vector_load_idx %arg6[%gather3A_529] : memref<10000xf32, #tpu.memory_space<vmem>>[vector<16xi32>], vector<16xf32>,
    %add3A_531 = arith.addf %broadcast_in_dim3A_525, %gather3A_530 : vector<16xf32>
    %add3A_532 = arith.constant 1 : i32
    %add3A_533 = vector.broadcast %add3A_532 : i32 to vector<16xi32>
    %add3A_534 = arith.addi %mul3A_523, %add3A_533 : vector<16xi32>
    %gather3A_535 = tpu.vector_load_idx %arg8[%add3A_534] : memref<2048xi32, #tpu.memory_space<vmem>>[vector<16xi32>], vector<16xi32>,
    %gather3A_536 = tpu.vector_load_idx %arg6[%gather3A_535] : memref<10000xf32, #tpu.memory_space<vmem>>[vector<16xi32>], vector<16xf32>,
    %add3A_537 = arith.addf %add3A_531, %gather3A_536 : vector<16xf32>
    %add3A_538 = arith.constant 2 : i32
    %add3A_539 = vector.broadcast %add3A_538 : i32 to vector<16xi32>
    %add3A_540 = arith.addi %mul3A_523, %add3A_539 : vector<16xi32>
    %gather3A_541 = tpu.vector_load_idx %arg8[%add3A_540] : memref<2048xi32, #tpu.memory_space<vmem>>[vector<16xi32>], vector<16xi32>,
    %gather3A_542 = tpu.vector_load_idx %arg6[%gather3A_541] : memref<10000xf32, #tpu.memory_space<vmem>>[vector<16xi32>], vector<16xf32>,
    %add3A_543 = arith.addf %add3A_537, %gather3A_542 : vector<16xf32>
    %add3A_544 = arith.constant 3 : i32
    %add3A_545 = vector.broadcast %add3A_544 : i32 to vector<16xi32>
    %add3A_546 = arith.addi %mul3A_523, %add3A_545 : vector<16xi32>
    %gather3A_547 = tpu.vector_load_idx %arg8[%add3A_546] : memref<2048xi32, #tpu.memory_space<vmem>>[vector<16xi32>], vector<16xi32>,
    %gather3A_548 = tpu.vector_load_idx %arg6[%gather3A_547] : memref<10000xf32, #tpu.memory_space<vmem>>[vector<16xi32>], vector<16xf32>,
    %add3A_549 = arith.addf %add3A_543, %gather3A_548 : vector<16xf32>
    %add3A_550 = arith.constant 4 : i32
    %add3A_551 = vector.broadcast %add3A_550 : i32 to vector<16xi32>
    %add3A_552 = arith.addi %mul3A_523, %add3A_551 : vector<16xi32>
    %gather3A_553 = tpu.vector_load_idx %arg8[%add3A_552] : memref<2048xi32, #tpu.memory_space<vmem>>[vector<16xi32>], vector<16xi32>,
    %gather3A_554 = tpu.vector_load_idx %arg6[%gather3A_553] : memref<10000xf32, #tpu.memory_space<vmem>>[vector<16xi32>], vector<16xf32>,
    %add3A_555 = arith.addf %add3A_549, %gather3A_554 : vector<16xf32>
    %add3A_556 = arith.constant 5 : i32
    %add3A_557 = vector.broadcast %add3A_556 : i32 to vector<16xi32>
    %add3A_558 = arith.addi %mul3A_523, %add3A_557 : vector<16xi32>
    %gather3A_559 = tpu.vector_load_idx %arg8[%add3A_558] : memref<2048xi32, #tpu.memory_space<vmem>>[vector<16xi32>], vector<16xi32>,
    %gather3A_560 = tpu.vector_load_idx %arg6[%gather3A_559] : memref<10000xf32, #tpu.memory_space<vmem>>[vector<16xi32>], vector<16xf32>,
    %add3A_561 = arith.addf %add3A_555, %gather3A_560 : vector<16xf32>
    %add3A_562 = arith.constant 6 : i32
    %add3A_563 = vector.broadcast %add3A_562 : i32 to vector<16xi32>
    %add3A_564 = arith.addi %mul3A_523, %add3A_563 : vector<16xi32>
    %gather3A_565 = tpu.vector_load_idx %arg8[%add3A_564] : memref<2048xi32, #tpu.memory_space<vmem>>[vector<16xi32>], vector<16xi32>,
    %gather3A_566 = tpu.vector_load_idx %arg6[%gather3A_565] : memref<10000xf32, #tpu.memory_space<vmem>>[vector<16xi32>], vector<16xf32>,
    %add3A_567 = arith.addf %add3A_561, %gather3A_566 : vector<16xf32>
    %add3A_568 = arith.constant 7 : i32
    %add3A_569 = vector.broadcast %add3A_568 : i32 to vector<16xi32>
    %add3A_570 = arith.addi %mul3A_523, %add3A_569 : vector<16xi32>
    %gather3A_571 = tpu.vector_load_idx %arg8[%add3A_570] : memref<2048xi32, #tpu.memory_space<vmem>>[vector<16xi32>], vector<16xi32>,
    %gather3A_572 = tpu.vector_load_idx %arg6[%gather3A_571] : memref<10000xf32, #tpu.memory_space<vmem>>[vector<16xi32>], vector<16xf32>,
    %add3A_573 = arith.addf %add3A_567, %gather3A_572 : vector<16xf32>
    %mul3A_574 = arith.constant 1.250000e-01 : f32
    %mul3A_575 = vector.broadcast %mul3A_574 : f32 to vector<16xf32>
    %mul3A_576 = arith.mulf %add3A_573, %mul3A_575 : vector<16xf32>
    %swap3A_577 = arith.constant 0 : index
    %swap3A_578 = tpu.vector_load %arg10[%swap3A_577] {strides = array<i32>} : memref<256xf32, #tpu.memory_space<vmem>>, vector<16xf32>,
    tpu.vector_store %arg10[%swap3A_577], %mul3A_576 {strides = array<i32>} : memref<256xf32, #tpu.memory_space<vmem>>, vector<16xf32>,
    %broadcast_in_dim3A_579 = arith.constant 0.000000e+00 : f32
    %broadcast_in_dim3A_580 = vector.broadcast %broadcast_in_dim3A_579 : f32 to vector<16xf32>
    %add3A_581 = arith.constant 128 : i32
    %add3A_582 = vector.broadcast %add3A_581 : i32 to vector<16xi32>
    %add3A_583 = arith.addi %mul3A_523, %add3A_582 : vector<16xi32>
    %gather3A_584 = tpu.vector_load_idx %arg8[%add3A_583] : memref<2048xi32, #tpu.memory_space<vmem>>[vector<16xi32>], vector<16xi32>,
    %gather3A_585 = tpu.vector_load_idx %arg6[%gather3A_584] : memref<10000xf32, #tpu.memory_space<vmem>>[vector<16xi32>], vector<16xf32>,
    %add3A_586 = arith.addf %broadcast_in_dim3A_580, %gather3A_585 : vector<16xf32>
    %add3A_587 = arith.constant 129 : i32
    %add3A_588 = vector.broadcast %add3A_587 : i32 to vector<16xi32>
    %add3A_589 = arith.addi %mul3A_523, %add3A_588 : vector<16xi32>
    %gather3A_590 = tpu.vector_load_idx %arg8[%add3A_589] : memref<2048xi32, #tpu.memory_space<vmem>>[vector<16xi32>], vector<16xi32>,
    %gather3A_591 = tpu.vector_load_idx %arg6[%gather3A_590] : memref<10000xf32, #tpu.memory_space<vmem>>[vector<16xi32>], vector<16xf32>,
    %add3A_592 = arith.addf %add3A_586, %gather3A_591 : vector<16xf32>
    %add3A_593 = arith.constant 130 : i32
    %add3A_594 = vector.broadcast %add3A_593 : i32 to vector<16xi32>
    %add3A_595 = arith.addi %mul3A_523, %add3A_594 : vector<16xi32>
    %gather3A_596 = tpu.vector_load_idx %arg8[%add3A_595] : memref<2048xi32, #tpu.memory_space<vmem>>[vector<16xi32>], vector<16xi32>,
    %gather3A_597 = tpu.vector_load_idx %arg6[%gather3A_596] : memref<10000xf32, #tpu.memory_space<vmem>>[vector<16xi32>], vector<16xf32>,
    %add3A_598 = arith.addf %add3A_592, %gather3A_597 : vector<16xf32>
    %add3A_599 = arith.constant 131 : i32
    %add3A_600 = vector.broadcast %add3A_599 : i32 to vector<16xi32>
    %add3A_601 = arith.addi %mul3A_523, %add3A_600 : vector<16xi32>
    %gather3A_602 = tpu.vector_load_idx %arg8[%add3A_601] : memref<2048xi32, #tpu.memory_space<vmem>>[vector<16xi32>], vector<16xi32>,
    %gather3A_603 = tpu.vector_load_idx %arg6[%gather3A_602] : memref<10000xf32, #tpu.memory_space<vmem>>[vector<16xi32>], vector<16xf32>,
    %add3A_604 = arith.addf %add3A_598, %gather3A_603 : vector<16xf32>
    %add3A_605 = arith.constant 132 : i32
    %add3A_606 = vector.broadcast %add3A_605 : i32 to vector<16xi32>
    %add3A_607 = arith.addi %mul3A_523, %add3A_606 : vector<16xi32>
    %gather3A_608 = tpu.vector_load_idx %arg8[%add3A_607] : memref<2048xi32, #tpu.memory_space<vmem>>[vector<16xi32>], vector<16xi32>,
    %gather3A_609 = tpu.vector_load_idx %arg6[%gather3A_608] : memref<10000xf32, #tpu.memory_space<vmem>>[vector<16xi32>], vector<16xf32>,
    %add3A_610 = arith.addf %add3A_604, %gather3A_609 : vector<16xf32>
    %add3A_611 = arith.constant 133 : i32
    %add3A_612 = vector.broadcast %add3A_611 : i32 to vector<16xi32>
    %add3A_613 = arith.addi %mul3A_523, %add3A_612 : vector<16xi32>
    %gather3A_614 = tpu.vector_load_idx %arg8[%add3A_613] : memref<2048xi32, #tpu.memory_space<vmem>>[vector<16xi32>], vector<16xi32>,
    %gather3A_615 = tpu.vector_load_idx %arg6[%gather3A_614] : memref<10000xf32, #tpu.memory_space<vmem>>[vector<16xi32>], vector<16xf32>,
    %add3A_616 = arith.addf %add3A_610, %gather3A_615 : vector<16xf32>
    %add3A_617 = arith.constant 134 : i32
    %add3A_618 = vector.broadcast %add3A_617 : i32 to vector<16xi32>
    %add3A_619 = arith.addi %mul3A_523, %add3A_618 : vector<16xi32>
    %gather3A_620 = tpu.vector_load_idx %arg8[%add3A_619] : memref<2048xi32, #tpu.memory_space<vmem>>[vector<16xi32>], vector<16xi32>,
    %gather3A_621 = tpu.vector_load_idx %arg6[%gather3A_620] : memref<10000xf32, #tpu.memory_space<vmem>>[vector<16xi32>], vector<16xf32>,
    %add3A_622 = arith.addf %add3A_616, %gather3A_621 : vector<16xf32>
    %add3A_623 = arith.constant 135 : i32
    %add3A_624 = vector.broadcast %add3A_623 : i32 to vector<16xi32>
    %add3A_625 = arith.addi %mul3A_523, %add3A_624 : vector<16xi32>
    %gather3A_626 = tpu.vector_load_idx %arg8[%add3A_625] : memref<2048xi32, #tpu.memory_space<vmem>>[vector<16xi32>], vector<16xi32>,
    %gather3A_627 = tpu.vector_load_idx %arg6[%gather3A_626] : memref<10000xf32, #tpu.memory_space<vmem>>[vector<16xi32>], vector<16xf32>,
    %add3A_628 = arith.addf %add3A_622, %gather3A_627 : vector<16xf32>
    %mul3A_629 = arith.constant 1.250000e-01 : f32
    %mul3A_630 = vector.broadcast %mul3A_629 : f32 to vector<16xf32>
    %mul3A_631 = arith.mulf %add3A_628, %mul3A_630 : vector<16xf32>
    %swap3A_632 = arith.constant 16 : index
    %swap3A_633 = tpu.vector_load %arg10[%swap3A_632] {strides = array<i32>} : memref<256xf32, #tpu.memory_space<vmem>>, vector<16xf32>,
    tpu.vector_store %arg10[%swap3A_632], %mul3A_631 {strides = array<i32>} : memref<256xf32, #tpu.memory_space<vmem>>, vector<16xf32>,
    %broadcast_in_dim3A_634 = arith.constant 0.000000e+00 : f32
    %broadcast_in_dim3A_635 = vector.broadcast %broadcast_in_dim3A_634 : f32 to vector<16xf32>
    %add3A_636 = arith.constant 256 : i32
    %add3A_637 = vector.broadcast %add3A_636 : i32 to vector<16xi32>
    %add3A_638 = arith.addi %mul3A_523, %add3A_637 : vector<16xi32>
    %gather3A_639 = tpu.vector_load_idx %arg8[%add3A_638] : memref<2048xi32, #tpu.memory_space<vmem>>[vector<16xi32>], vector<16xi32>,
    %gather3A_640 = tpu.vector_load_idx %arg6[%gather3A_639] : memref<10000xf32, #tpu.memory_space<vmem>>[vector<16xi32>], vector<16xf32>,
    %add3A_641 = arith.addf %broadcast_in_dim3A_635, %gather3A_640 : vector<16xf32>
    %add3A_642 = arith.constant 257 : i32
    %add3A_643 = vector.broadcast %add3A_642 : i32 to vector<16xi32>
    %add3A_644 = arith.addi %mul3A_523, %add3A_643 : vector<16xi32>
    %gather3A_645 = tpu.vector_load_idx %arg8[%add3A_644] : memref<2048xi32, #tpu.memory_space<vmem>>[vector<16xi32>], vector<16xi32>,
    %gather3A_646 = tpu.vector_load_idx %arg6[%gather3A_645] : memref<10000xf32, #tpu.memory_space<vmem>>[vector<16xi32>], vector<16xf32>,
    %add3A_647 = arith.addf %add3A_641, %gather3A_646 : vector<16xf32>
    %add3A_648 = arith.constant 258 : i32
    %add3A_649 = vector.broadcast %add3A_648 : i32 to vector<16xi32>
    %add3A_650 = arith.addi %mul3A_523, %add3A_649 : vector<16xi32>
    %gather3A_651 = tpu.vector_load_idx %arg8[%add3A_650] : memref<2048xi32, #tpu.memory_space<vmem>>[vector<16xi32>], vector<16xi32>,
    %gather3A_652 = tpu.vector_load_idx %arg6[%gather3A_651] : memref<10000xf32, #tpu.memory_space<vmem>>[vector<16xi32>], vector<16xf32>,
    %add3A_653 = arith.addf %add3A_647, %gather3A_652 : vector<16xf32>
    %add3A_654 = arith.constant 259 : i32
    %add3A_655 = vector.broadcast %add3A_654 : i32 to vector<16xi32>
    %add3A_656 = arith.addi %mul3A_523, %add3A_655 : vector<16xi32>
    %gather3A_657 = tpu.vector_load_idx %arg8[%add3A_656] : memref<2048xi32, #tpu.memory_space<vmem>>[vector<16xi32>], vector<16xi32>,
    %gather3A_658 = tpu.vector_load_idx %arg6[%gather3A_657] : memref<10000xf32, #tpu.memory_space<vmem>>[vector<16xi32>], vector<16xf32>,
    %add3A_659 = arith.addf %add3A_653, %gather3A_658 : vector<16xf32>
    %add3A_660 = arith.constant 260 : i32
    %add3A_661 = vector.broadcast %add3A_660 : i32 to vector<16xi32>
    %add3A_662 = arith.addi %mul3A_523, %add3A_661 : vector<16xi32>
    %gather3A_663 = tpu.vector_load_idx %arg8[%add3A_662] : memref<2048xi32, #tpu.memory_space<vmem>>[vector<16xi32>], vector<16xi32>,
    %gather3A_664 = tpu.vector_load_idx %arg6[%gather3A_663] : memref<10000xf32, #tpu.memory_space<vmem>>[vector<16xi32>], vector<16xf32>,
    %add3A_665 = arith.addf %add3A_659, %gather3A_664 : vector<16xf32>
    %add3A_666 = arith.constant 261 : i32
    %add3A_667 = vector.broadcast %add3A_666 : i32 to vector<16xi32>
    %add3A_668 = arith.addi %mul3A_523, %add3A_667 : vector<16xi32>
    %gather3A_669 = tpu.vector_load_idx %arg8[%add3A_668] : memref<2048xi32, #tpu.memory_space<vmem>>[vector<16xi32>], vector<16xi32>,
    %gather3A_670 = tpu.vector_load_idx %arg6[%gather3A_669] : memref<10000xf32, #tpu.memory_space<vmem>>[vector<16xi32>], vector<16xf32>,
    %add3A_671 = arith.addf %add3A_665, %gather3A_670 : vector<16xf32>
    %add3A_672 = arith.constant 262 : i32
    %add3A_673 = vector.broadcast %add3A_672 : i32 to vector<16xi32>
    %add3A_674 = arith.addi %mul3A_523, %add3A_673 : vector<16xi32>
    %gather3A_675 = tpu.vector_load_idx %arg8[%add3A_674] : memref<2048xi32, #tpu.memory_space<vmem>>[vector<16xi32>], vector<16xi32>,
    %gather3A_676 = tpu.vector_load_idx %arg6[%gather3A_675] : memref<10000xf32, #tpu.memory_space<vmem>>[vector<16xi32>], vector<16xf32>,
    %add3A_677 = arith.addf %add3A_671, %gather3A_676 : vector<16xf32>
    %add3A_678 = arith.constant 263 : i32
    %add3A_679 = vector.broadcast %add3A_678 : i32 to vector<16xi32>
    %add3A_680 = arith.addi %mul3A_523, %add3A_679 : vector<16xi32>
    %gather3A_681 = tpu.vector_load_idx %arg8[%add3A_680] : memref<2048xi32, #tpu.memory_space<vmem>>[vector<16xi32>], vector<16xi32>,
    %gather3A_682 = tpu.vector_load_idx %arg6[%gather3A_681] : memref<10000xf32, #tpu.memory_space<vmem>>[vector<16xi32>], vector<16xf32>,
    %add3A_683 = arith.addf %add3A_677, %gather3A_682 : vector<16xf32>
    %mul3A_684 = arith.constant 1.250000e-01 : f32
    %mul3A_685 = vector.broadcast %mul3A_684 : f32 to vector<16xf32>
    %mul3A_686 = arith.mulf %add3A_683, %mul3A_685 : vector<16xf32>
    %swap3A_687 = arith.constant 32 : index
    %swap3A_688 = tpu.vector_load %arg10[%swap3A_687] {strides = array<i32>} : memref<256xf32, #tpu.memory_space<vmem>>, vector<16xf32>,
    tpu.vector_store %arg10[%swap3A_687], %mul3A_686 {strides = array<i32>} : memref<256xf32, #tpu.memory_space<vmem>>, vector<16xf32>,
    %broadcast_in_dim3A_689 = arith.constant 0.000000e+00 : f32
    %broadcast_in_dim3A_690 = vector.broadcast %broadcast_in_dim3A_689 : f32 to vector<16xf32>
    %add3A_691 = arith.constant 384 : i32
    %add3A_692 = vector.broadcast %add3A_691 : i32 to vector<16xi32>
    %add3A_693 = arith.addi %mul3A_523, %add3A_692 : vector<16xi32>
    %gather3A_694 = tpu.vector_load_idx %arg8[%add3A_693] : memref<2048xi32, #tpu.memory_space<vmem>>[vector<16xi32>], vector<16xi32>,
    %gather3A_695 = tpu.vector_load_idx %arg6[%gather3A_694] : memref<10000xf32, #tpu.memory_space<vmem>>[vector<16xi32>], vector<16xf32>,
    %add3A_696 = arith.addf %broadcast_in_dim3A_690, %gather3A_695 : vector<16xf32>
    %add3A_697 = arith.constant 385 : i32
    %add3A_698 = vector.broadcast %add3A_697 : i32 to vector<16xi32>
    %add3A_699 = arith.addi %mul3A_523, %add3A_698 : vector<16xi32>
    %gather3A_700 = tpu.vector_load_idx %arg8[%add3A_699] : memref<2048xi32, #tpu.memory_space<vmem>>[vector<16xi32>], vector<16xi32>,
    %gather3A_701 = tpu.vector_load_idx %arg6[%gather3A_700] : memref<10000xf32, #tpu.memory_space<vmem>>[vector<16xi32>], vector<16xf32>,
    %add3A_702 = arith.addf %add3A_696, %gather3A_701 : vector<16xf32>
    %add3A_703 = arith.constant 386 : i32
    %add3A_704 = vector.broadcast %add3A_703 : i32 to vector<16xi32>
    %add3A_705 = arith.addi %mul3A_523, %add3A_704 : vector<16xi32>
    %gather3A_706 = tpu.vector_load_idx %arg8[%add3A_705] : memref<2048xi32, #tpu.memory_space<vmem>>[vector<16xi32>], vector<16xi32>,
    %gather3A_707 = tpu.vector_load_idx %arg6[%gather3A_706] : memref<10000xf32, #tpu.memory_space<vmem>>[vector<16xi32>], vector<16xf32>,
    %add3A_708 = arith.addf %add3A_702, %gather3A_707 : vector<16xf32>
    %add3A_709 = arith.constant 387 : i32
    %add3A_710 = vector.broadcast %add3A_709 : i32 to vector<16xi32>
    %add3A_711 = arith.addi %mul3A_523, %add3A_710 : vector<16xi32>
    %gather3A_712 = tpu.vector_load_idx %arg8[%add3A_711] : memref<2048xi32, #tpu.memory_space<vmem>>[vector<16xi32>], vector<16xi32>,
    %gather3A_713 = tpu.vector_load_idx %arg6[%gather3A_712] : memref<10000xf32, #tpu.memory_space<vmem>>[vector<16xi32>], vector<16xf32>,
    %add3A_714 = arith.addf %add3A_708, %gather3A_713 : vector<16xf32>
    %add3A_715 = arith.constant 388 : i32
    %add3A_716 = vector.broadcast %add3A_715 : i32 to vector<16xi32>
    %add3A_717 = arith.addi %mul3A_523, %add3A_716 : vector<16xi32>
    %gather3A_718 = tpu.vector_load_idx %arg8[%add3A_717] : memref<2048xi32, #tpu.memory_space<vmem>>[vector<16xi32>], vector<16xi32>,
    %gather3A_719 = tpu.vector_load_idx %arg6[%gather3A_718] : memref<10000xf32, #tpu.memory_space<vmem>>[vector<16xi32>], vector<16xf32>,
    %add3A_720 = arith.addf %add3A_714, %gather3A_719 : vector<16xf32>
    %add3A_721 = arith.constant 389 : i32
    %add3A_722 = vector.broadcast %add3A_721 : i32 to vector<16xi32>
    %add3A_723 = arith.addi %mul3A_523, %add3A_722 : vector<16xi32>
    %gather3A_724 = tpu.vector_load_idx %arg8[%add3A_723] : memref<2048xi32, #tpu.memory_space<vmem>>[vector<16xi32>], vector<16xi32>,
    %gather3A_725 = tpu.vector_load_idx %arg6[%gather3A_724] : memref<10000xf32, #tpu.memory_space<vmem>>[vector<16xi32>], vector<16xf32>,
    %add3A_726 = arith.addf %add3A_720, %gather3A_725 : vector<16xf32>
    %add3A_727 = arith.constant 390 : i32
    %add3A_728 = vector.broadcast %add3A_727 : i32 to vector<16xi32>
    %add3A_729 = arith.addi %mul3A_523, %add3A_728 : vector<16xi32>
    %gather3A_730 = tpu.vector_load_idx %arg8[%add3A_729] : memref<2048xi32, #tpu.memory_space<vmem>>[vector<16xi32>], vector<16xi32>,
    %gather3A_731 = tpu.vector_load_idx %arg6[%gather3A_730] : memref<10000xf32, #tpu.memory_space<vmem>>[vector<16xi32>], vector<16xf32>,
    %add3A_732 = arith.addf %add3A_726, %gather3A_731 : vector<16xf32>
    %add3A_733 = arith.constant 391 : i32
    %add3A_734 = vector.broadcast %add3A_733 : i32 to vector<16xi32>
    %add3A_735 = arith.addi %mul3A_523, %add3A_734 : vector<16xi32>
    %gather3A_736 = tpu.vector_load_idx %arg8[%add3A_735] : memref<2048xi32, #tpu.memory_space<vmem>>[vector<16xi32>], vector<16xi32>,
    %gather3A_737 = tpu.vector_load_idx %arg6[%gather3A_736] : memref<10000xf32, #tpu.memory_space<vmem>>[vector<16xi32>], vector<16xf32>,
    %add3A_738 = arith.addf %add3A_732, %gather3A_737 : vector<16xf32>
    %mul3A_739 = arith.constant 1.250000e-01 : f32
    %mul3A_740 = vector.broadcast %mul3A_739 : f32 to vector<16xf32>
    %mul3A_741 = arith.mulf %add3A_738, %mul3A_740 : vector<16xf32>
    %swap3A_742 = arith.constant 48 : index
    %swap3A_743 = tpu.vector_load %arg10[%swap3A_742] {strides = array<i32>} : memref<256xf32, #tpu.memory_space<vmem>>, vector<16xf32>,
    tpu.vector_store %arg10[%swap3A_742], %mul3A_741 {strides = array<i32>} : memref<256xf32, #tpu.memory_space<vmem>>, vector<16xf32>,
    %broadcast_in_dim3A_744 = arith.constant 0.000000e+00 : f32
    %broadcast_in_dim3A_745 = vector.broadcast %broadcast_in_dim3A_744 : f32 to vector<16xf32>
    %add3A_746 = arith.constant 512 : i32
    %add3A_747 = vector.broadcast %add3A_746 : i32 to vector<16xi32>
    %add3A_748 = arith.addi %mul3A_523, %add3A_747 : vector<16xi32>
    %gather3A_749 = tpu.vector_load_idx %arg8[%add3A_748] : memref<2048xi32, #tpu.memory_space<vmem>>[vector<16xi32>], vector<16xi32>,
    %gather3A_750 = tpu.vector_load_idx %arg6[%gather3A_749] : memref<10000xf32, #tpu.memory_space<vmem>>[vector<16xi32>], vector<16xf32>,
    %add3A_751 = arith.addf %broadcast_in_dim3A_745, %gather3A_750 : vector<16xf32>
    %add3A_752 = arith.constant 513 : i32
    %add3A_753 = vector.broadcast %add3A_752 : i32 to vector<16xi32>
    %add3A_754 = arith.addi %mul3A_523, %add3A_753 : vector<16xi32>
    %gather3A_755 = tpu.vector_load_idx %arg8[%add3A_754] : memref<2048xi32, #tpu.memory_space<vmem>>[vector<16xi32>], vector<16xi32>,
    %gather3A_756 = tpu.vector_load_idx %arg6[%gather3A_755] : memref<10000xf32, #tpu.memory_space<vmem>>[vector<16xi32>], vector<16xf32>,
    %add3A_757 = arith.addf %add3A_751, %gather3A_756 : vector<16xf32>
    %add3A_758 = arith.constant 514 : i32
    %add3A_759 = vector.broadcast %add3A_758 : i32 to vector<16xi32>
    %add3A_760 = arith.addi %mul3A_523, %add3A_759 : vector<16xi32>
    %gather3A_761 = tpu.vector_load_idx %arg8[%add3A_760] : memref<2048xi32, #tpu.memory_space<vmem>>[vector<16xi32>], vector<16xi32>,
    %gather3A_762 = tpu.vector_load_idx %arg6[%gather3A_761] : memref<10000xf32, #tpu.memory_space<vmem>>[vector<16xi32>], vector<16xf32>,
    %add3A_763 = arith.addf %add3A_757, %gather3A_762 : vector<16xf32>
    %add3A_764 = arith.constant 515 : i32
    %add3A_765 = vector.broadcast %add3A_764 : i32 to vector<16xi32>
    %add3A_766 = arith.addi %mul3A_523, %add3A_765 : vector<16xi32>
    %gather3A_767 = tpu.vector_load_idx %arg8[%add3A_766] : memref<2048xi32, #tpu.memory_space<vmem>>[vector<16xi32>], vector<16xi32>,
    %gather3A_768 = tpu.vector_load_idx %arg6[%gather3A_767] : memref<10000xf32, #tpu.memory_space<vmem>>[vector<16xi32>], vector<16xf32>,
    %add3A_769 = arith.addf %add3A_763, %gather3A_768 : vector<16xf32>
    %add3A_770 = arith.constant 516 : i32
    %add3A_771 = vector.broadcast %add3A_770 : i32 to vector<16xi32>
    %add3A_772 = arith.addi %mul3A_523, %add3A_771 : vector<16xi32>
    %gather3A_773 = tpu.vector_load_idx %arg8[%add3A_772] : memref<2048xi32, #tpu.memory_space<vmem>>[vector<16xi32>], vector<16xi32>,
    %gather3A_774 = tpu.vector_load_idx %arg6[%gather3A_773] : memref<10000xf32, #tpu.memory_space<vmem>>[vector<16xi32>], vector<16xf32>,
    %add3A_775 = arith.addf %add3A_769, %gather3A_774 : vector<16xf32>
    %add3A_776 = arith.constant 517 : i32
    %add3A_777 = vector.broadcast %add3A_776 : i32 to vector<16xi32>
    %add3A_778 = arith.addi %mul3A_523, %add3A_777 : vector<16xi32>
    %gather3A_779 = tpu.vector_load_idx %arg8[%add3A_778] : memref<2048xi32, #tpu.memory_space<vmem>>[vector<16xi32>], vector<16xi32>,
    %gather3A_780 = tpu.vector_load_idx %arg6[%gather3A_779] : memref<10000xf32, #tpu.memory_space<vmem>>[vector<16xi32>], vector<16xf32>,
    %add3A_781 = arith.addf %add3A_775, %gather3A_780 : vector<16xf32>
    %add3A_782 = arith.constant 518 : i32
    %add3A_783 = vector.broadcast %add3A_782 : i32 to vector<16xi32>
    %add3A_784 = arith.addi %mul3A_523, %add3A_783 : vector<16xi32>
    %gather3A_785 = tpu.vector_load_idx %arg8[%add3A_784] : memref<2048xi32, #tpu.memory_space<vmem>>[vector<16xi32>], vector<16xi32>,
    %gather3A_786 = tpu.vector_load_idx %arg6[%gather3A_785] : memref<10000xf32, #tpu.memory_space<vmem>>[vector<16xi32>], vector<16xf32>,
    %add3A_787 = arith.addf %add3A_781, %gather3A_786 : vector<16xf32>
    %add3A_788 = arith.constant 519 : i32
    %add3A_789 = vector.broadcast %add3A_788 : i32 to vector<16xi32>
    %add3A_790 = arith.addi %mul3A_523, %add3A_789 : vector<16xi32>
    %gather3A_791 = tpu.vector_load_idx %arg8[%add3A_790] : memref<2048xi32, #tpu.memory_space<vmem>>[vector<16xi32>], vector<16xi32>,
    %gather3A_792 = tpu.vector_load_idx %arg6[%gather3A_791] : memref<10000xf32, #tpu.memory_space<vmem>>[vector<16xi32>], vector<16xf32>,
    %add3A_793 = arith.addf %add3A_787, %gather3A_792 : vector<16xf32>
    %mul3A_794 = arith.constant 1.250000e-01 : f32
    %mul3A_795 = vector.broadcast %mul3A_794 : f32 to vector<16xf32>
    %mul3A_796 = arith.mulf %add3A_793, %mul3A_795 : vector<16xf32>
    %swap3A_797 = arith.constant 64 : index
    %swap3A_798 = tpu.vector_load %arg10[%swap3A_797] {strides = array<i32>} : memref<256xf32, #tpu.memory_space<vmem>>, vector<16xf32>,
    tpu.vector_store %arg10[%swap3A_797], %mul3A_796 {strides = array<i32>} : memref<256xf32, #tpu.memory_space<vmem>>, vector<16xf32>,
    %broadcast_in_dim3A_799 = arith.constant 0.000000e+00 : f32
    %broadcast_in_dim3A_800 = vector.broadcast %broadcast_in_dim3A_799 : f32 to vector<16xf32>
    %add3A_801 = arith.constant 640 : i32
    %add3A_802 = vector.broadcast %add3A_801 : i32 to vector<16xi32>
    %add3A_803 = arith.addi %mul3A_523, %add3A_802 : vector<16xi32>
    %gather3A_804 = tpu.vector_load_idx %arg8[%add3A_803] : memref<2048xi32, #tpu.memory_space<vmem>>[vector<16xi32>], vector<16xi32>,
    %gather3A_805 = tpu.vector_load_idx %arg6[%gather3A_804] : memref<10000xf32, #tpu.memory_space<vmem>>[vector<16xi32>], vector<16xf32>,
    %add3A_806 = arith.addf %broadcast_in_dim3A_800, %gather3A_805 : vector<16xf32>
    %add3A_807 = arith.constant 641 : i32
    %add3A_808 = vector.broadcast %add3A_807 : i32 to vector<16xi32>
    %add3A_809 = arith.addi %mul3A_523, %add3A_808 : vector<16xi32>
    %gather3A_810 = tpu.vector_load_idx %arg8[%add3A_809] : memref<2048xi32, #tpu.memory_space<vmem>>[vector<16xi32>], vector<16xi32>,
    %gather3A_811 = tpu.vector_load_idx %arg6[%gather3A_810] : memref<10000xf32, #tpu.memory_space<vmem>>[vector<16xi32>], vector<16xf32>,
    %add3A_812 = arith.addf %add3A_806, %gather3A_811 : vector<16xf32>
    %add3A_813 = arith.constant 642 : i32
    %add3A_814 = vector.broadcast %add3A_813 : i32 to vector<16xi32>
    %add3A_815 = arith.addi %mul3A_523, %add3A_814 : vector<16xi32>
    %gather3A_816 = tpu.vector_load_idx %arg8[%add3A_815] : memref<2048xi32, #tpu.memory_space<vmem>>[vector<16xi32>], vector<16xi32>,
    %gather3A_817 = tpu.vector_load_idx %arg6[%gather3A_816] : memref<10000xf32, #tpu.memory_space<vmem>>[vector<16xi32>], vector<16xf32>,
    %add3A_818 = arith.addf %add3A_812, %gather3A_817 : vector<16xf32>
    %add3A_819 = arith.constant 643 : i32
    %add3A_820 = vector.broadcast %add3A_819 : i32 to vector<16xi32>
    %add3A_821 = arith.addi %mul3A_523, %add3A_820 : vector<16xi32>
    %gather3A_822 = tpu.vector_load_idx %arg8[%add3A_821] : memref<2048xi32, #tpu.memory_space<vmem>>[vector<16xi32>], vector<16xi32>,
    %gather3A_823 = tpu.vector_load_idx %arg6[%gather3A_822] : memref<10000xf32, #tpu.memory_space<vmem>>[vector<16xi32>], vector<16xf32>,
    %add3A_824 = arith.addf %add3A_818, %gather3A_823 : vector<16xf32>
    %add3A_825 = arith.constant 644 : i32
    %add3A_826 = vector.broadcast %add3A_825 : i32 to vector<16xi32>
    %add3A_827 = arith.addi %mul3A_523, %add3A_826 : vector<16xi32>
    %gather3A_828 = tpu.vector_load_idx %arg8[%add3A_827] : memref<2048xi32, #tpu.memory_space<vmem>>[vector<16xi32>], vector<16xi32>,
    %gather3A_829 = tpu.vector_load_idx %arg6[%gather3A_828] : memref<10000xf32, #tpu.memory_space<vmem>>[vector<16xi32>], vector<16xf32>,
    %add3A_830 = arith.addf %add3A_824, %gather3A_829 : vector<16xf32>
    %add3A_831 = arith.constant 645 : i32
    %add3A_832 = vector.broadcast %add3A_831 : i32 to vector<16xi32>
    %add3A_833 = arith.addi %mul3A_523, %add3A_832 : vector<16xi32>
    %gather3A_834 = tpu.vector_load_idx %arg8[%add3A_833] : memref<2048xi32, #tpu.memory_space<vmem>>[vector<16xi32>], vector<16xi32>,
    %gather3A_835 = tpu.vector_load_idx %arg6[%gather3A_834] : memref<10000xf32, #tpu.memory_space<vmem>>[vector<16xi32>], vector<16xf32>,
    %add3A_836 = arith.addf %add3A_830, %gather3A_835 : vector<16xf32>
    %add3A_837 = arith.constant 646 : i32
    %add3A_838 = vector.broadcast %add3A_837 : i32 to vector<16xi32>
    %add3A_839 = arith.addi %mul3A_523, %add3A_838 : vector<16xi32>
    %gather3A_840 = tpu.vector_load_idx %arg8[%add3A_839] : memref<2048xi32, #tpu.memory_space<vmem>>[vector<16xi32>], vector<16xi32>,
    %gather3A_841 = tpu.vector_load_idx %arg6[%gather3A_840] : memref<10000xf32, #tpu.memory_space<vmem>>[vector<16xi32>], vector<16xf32>,
    %add3A_842 = arith.addf %add3A_836, %gather3A_841 : vector<16xf32>
    %add3A_843 = arith.constant 647 : i32
    %add3A_844 = vector.broadcast %add3A_843 : i32 to vector<16xi32>
    %add3A_845 = arith.addi %mul3A_523, %add3A_844 : vector<16xi32>
    %gather3A_846 = tpu.vector_load_idx %arg8[%add3A_845] : memref<2048xi32, #tpu.memory_space<vmem>>[vector<16xi32>], vector<16xi32>,
    %gather3A_847 = tpu.vector_load_idx %arg6[%gather3A_846] : memref<10000xf32, #tpu.memory_space<vmem>>[vector<16xi32>], vector<16xf32>,
    %add3A_848 = arith.addf %add3A_842, %gather3A_847 : vector<16xf32>
    %mul3A_849 = arith.constant 1.250000e-01 : f32
    %mul3A_850 = vector.broadcast %mul3A_849 : f32 to vector<16xf32>
    %mul3A_851 = arith.mulf %add3A_848, %mul3A_850 : vector<16xf32>
    %swap3A_852 = arith.constant 80 : index
    %swap3A_853 = tpu.vector_load %arg10[%swap3A_852] {strides = array<i32>} : memref<256xf32, #tpu.memory_space<vmem>>, vector<16xf32>,
    tpu.vector_store %arg10[%swap3A_852], %mul3A_851 {strides = array<i32>} : memref<256xf32, #tpu.memory_space<vmem>>, vector<16xf32>,
    %broadcast_in_dim3A_854 = arith.constant 0.000000e+00 : f32
    %broadcast_in_dim3A_855 = vector.broadcast %broadcast_in_dim3A_854 : f32 to vector<16xf32>
    %add3A_856 = arith.constant 768 : i32
    %add3A_857 = vector.broadcast %add3A_856 : i32 to vector<16xi32>
    %add3A_858 = arith.addi %mul3A_523, %add3A_857 : vector<16xi32>
    %gather3A_859 = tpu.vector_load_idx %arg8[%add3A_858] : memref<2048xi32, #tpu.memory_space<vmem>>[vector<16xi32>], vector<16xi32>,
    %gather3A_860 = tpu.vector_load_idx %arg6[%gather3A_859] : memref<10000xf32, #tpu.memory_space<vmem>>[vector<16xi32>], vector<16xf32>,
    %add3A_861 = arith.addf %broadcast_in_dim3A_855, %gather3A_860 : vector<16xf32>
    %add3A_862 = arith.constant 769 : i32
    %add3A_863 = vector.broadcast %add3A_862 : i32 to vector<16xi32>
    %add3A_864 = arith.addi %mul3A_523, %add3A_863 : vector<16xi32>
    %gather3A_865 = tpu.vector_load_idx %arg8[%add3A_864] : memref<2048xi32, #tpu.memory_space<vmem>>[vector<16xi32>], vector<16xi32>,
    %gather3A_866 = tpu.vector_load_idx %arg6[%gather3A_865] : memref<10000xf32, #tpu.memory_space<vmem>>[vector<16xi32>], vector<16xf32>,
    %add3A_867 = arith.addf %add3A_861, %gather3A_866 : vector<16xf32>
    %add3A_868 = arith.constant 770 : i32
    %add3A_869 = vector.broadcast %add3A_868 : i32 to vector<16xi32>
    %add3A_870 = arith.addi %mul3A_523, %add3A_869 : vector<16xi32>
    %gather3A_871 = tpu.vector_load_idx %arg8[%add3A_870] : memref<2048xi32, #tpu.memory_space<vmem>>[vector<16xi32>], vector<16xi32>,
    %gather3A_872 = tpu.vector_load_idx %arg6[%gather3A_871] : memref<10000xf32, #tpu.memory_space<vmem>>[vector<16xi32>], vector<16xf32>,
    %add3A_873 = arith.addf %add3A_867, %gather3A_872 : vector<16xf32>
    %add3A_874 = arith.constant 771 : i32
    %add3A_875 = vector.broadcast %add3A_874 : i32 to vector<16xi32>
    %add3A_876 = arith.addi %mul3A_523, %add3A_875 : vector<16xi32>
    %gather3A_877 = tpu.vector_load_idx %arg8[%add3A_876] : memref<2048xi32, #tpu.memory_space<vmem>>[vector<16xi32>], vector<16xi32>,
    %gather3A_878 = tpu.vector_load_idx %arg6[%gather3A_877] : memref<10000xf32, #tpu.memory_space<vmem>>[vector<16xi32>], vector<16xf32>,
    %add3A_879 = arith.addf %add3A_873, %gather3A_878 : vector<16xf32>
    %add3A_880 = arith.constant 772 : i32
    %add3A_881 = vector.broadcast %add3A_880 : i32 to vector<16xi32>
    %add3A_882 = arith.addi %mul3A_523, %add3A_881 : vector<16xi32>
    %gather3A_883 = tpu.vector_load_idx %arg8[%add3A_882] : memref<2048xi32, #tpu.memory_space<vmem>>[vector<16xi32>], vector<16xi32>,
    %gather3A_884 = tpu.vector_load_idx %arg6[%gather3A_883] : memref<10000xf32, #tpu.memory_space<vmem>>[vector<16xi32>], vector<16xf32>,
    %add3A_885 = arith.addf %add3A_879, %gather3A_884 : vector<16xf32>
    %add3A_886 = arith.constant 773 : i32
    %add3A_887 = vector.broadcast %add3A_886 : i32 to vector<16xi32>
    %add3A_888 = arith.addi %mul3A_523, %add3A_887 : vector<16xi32>
    %gather3A_889 = tpu.vector_load_idx %arg8[%add3A_888] : memref<2048xi32, #tpu.memory_space<vmem>>[vector<16xi32>], vector<16xi32>,
    %gather3A_890 = tpu.vector_load_idx %arg6[%gather3A_889] : memref<10000xf32, #tpu.memory_space<vmem>>[vector<16xi32>], vector<16xf32>,
    %add3A_891 = arith.addf %add3A_885, %gather3A_890 : vector<16xf32>
    %add3A_892 = arith.constant 774 : i32
    %add3A_893 = vector.broadcast %add3A_892 : i32 to vector<16xi32>
    %add3A_894 = arith.addi %mul3A_523, %add3A_893 : vector<16xi32>
    %gather3A_895 = tpu.vector_load_idx %arg8[%add3A_894] : memref<2048xi32, #tpu.memory_space<vmem>>[vector<16xi32>], vector<16xi32>,
    %gather3A_896 = tpu.vector_load_idx %arg6[%gather3A_895] : memref<10000xf32, #tpu.memory_space<vmem>>[vector<16xi32>], vector<16xf32>,
    %add3A_897 = arith.addf %add3A_891, %gather3A_896 : vector<16xf32>
    %add3A_898 = arith.constant 775 : i32
    %add3A_899 = vector.broadcast %add3A_898 : i32 to vector<16xi32>
    %add3A_900 = arith.addi %mul3A_523, %add3A_899 : vector<16xi32>
    %gather3A_901 = tpu.vector_load_idx %arg8[%add3A_900] : memref<2048xi32, #tpu.memory_space<vmem>>[vector<16xi32>], vector<16xi32>,
    %gather3A_902 = tpu.vector_load_idx %arg6[%gather3A_901] : memref<10000xf32, #tpu.memory_space<vmem>>[vector<16xi32>], vector<16xf32>,
    %add3A_903 = arith.addf %add3A_897, %gather3A_902 : vector<16xf32>
    %mul3A_904 = arith.constant 1.250000e-01 : f32
    %mul3A_905 = vector.broadcast %mul3A_904 : f32 to vector<16xf32>
    %mul3A_906 = arith.mulf %add3A_903, %mul3A_905 : vector<16xf32>
    %swap3A_907 = arith.constant 96 : index
    %swap3A_908 = tpu.vector_load %arg10[%swap3A_907] {strides = array<i32>} : memref<256xf32, #tpu.memory_space<vmem>>, vector<16xf32>,
    tpu.vector_store %arg10[%swap3A_907], %mul3A_906 {strides = array<i32>} : memref<256xf32, #tpu.memory_space<vmem>>, vector<16xf32>,
    %broadcast_in_dim3A_909 = arith.constant 0.000000e+00 : f32
    %broadcast_in_dim3A_910 = vector.broadcast %broadcast_in_dim3A_909 : f32 to vector<16xf32>
    %add3A_911 = arith.constant 896 : i32
    %add3A_912 = vector.broadcast %add3A_911 : i32 to vector<16xi32>
    %add3A_913 = arith.addi %mul3A_523, %add3A_912 : vector<16xi32>
    %gather3A_914 = tpu.vector_load_idx %arg8[%add3A_913] : memref<2048xi32, #tpu.memory_space<vmem>>[vector<16xi32>], vector<16xi32>,
    %gather3A_915 = tpu.vector_load_idx %arg6[%gather3A_914] : memref<10000xf32, #tpu.memory_space<vmem>>[vector<16xi32>], vector<16xf32>,
    %add3A_916 = arith.addf %broadcast_in_dim3A_910, %gather3A_915 : vector<16xf32>
    %add3A_917 = arith.constant 897 : i32
    %add3A_918 = vector.broadcast %add3A_917 : i32 to vector<16xi32>
    %add3A_919 = arith.addi %mul3A_523, %add3A_918 : vector<16xi32>
    %gather3A_920 = tpu.vector_load_idx %arg8[%add3A_919] : memref<2048xi32, #tpu.memory_space<vmem>>[vector<16xi32>], vector<16xi32>,
    %gather3A_921 = tpu.vector_load_idx %arg6[%gather3A_920] : memref<10000xf32, #tpu.memory_space<vmem>>[vector<16xi32>], vector<16xf32>,
    %add3A_922 = arith.addf %add3A_916, %gather3A_921 : vector<16xf32>
    %add3A_923 = arith.constant 898 : i32
    %add3A_924 = vector.broadcast %add3A_923 : i32 to vector<16xi32>
    %add3A_925 = arith.addi %mul3A_523, %add3A_924 : vector<16xi32>
    %gather3A_926 = tpu.vector_load_idx %arg8[%add3A_925] : memref<2048xi32, #tpu.memory_space<vmem>>[vector<16xi32>], vector<16xi32>,
    %gather3A_927 = tpu.vector_load_idx %arg6[%gather3A_926] : memref<10000xf32, #tpu.memory_space<vmem>>[vector<16xi32>], vector<16xf32>,
    %add3A_928 = arith.addf %add3A_922, %gather3A_927 : vector<16xf32>
    %add3A_929 = arith.constant 899 : i32
    %add3A_930 = vector.broadcast %add3A_929 : i32 to vector<16xi32>
    %add3A_931 = arith.addi %mul3A_523, %add3A_930 : vector<16xi32>
    %gather3A_932 = tpu.vector_load_idx %arg8[%add3A_931] : memref<2048xi32, #tpu.memory_space<vmem>>[vector<16xi32>], vector<16xi32>,
    %gather3A_933 = tpu.vector_load_idx %arg6[%gather3A_932] : memref<10000xf32, #tpu.memory_space<vmem>>[vector<16xi32>], vector<16xf32>,
    %add3A_934 = arith.addf %add3A_928, %gather3A_933 : vector<16xf32>
    %add3A_935 = arith.constant 900 : i32
    %add3A_936 = vector.broadcast %add3A_935 : i32 to vector<16xi32>
    %add3A_937 = arith.addi %mul3A_523, %add3A_936 : vector<16xi32>
    %gather3A_938 = tpu.vector_load_idx %arg8[%add3A_937] : memref<2048xi32, #tpu.memory_space<vmem>>[vector<16xi32>], vector<16xi32>,
    %gather3A_939 = tpu.vector_load_idx %arg6[%gather3A_938] : memref<10000xf32, #tpu.memory_space<vmem>>[vector<16xi32>], vector<16xf32>,
    %add3A_940 = arith.addf %add3A_934, %gather3A_939 : vector<16xf32>
    %add3A_941 = arith.constant 901 : i32
    %add3A_942 = vector.broadcast %add3A_941 : i32 to vector<16xi32>
    %add3A_943 = arith.addi %mul3A_523, %add3A_942 : vector<16xi32>
    %gather3A_944 = tpu.vector_load_idx %arg8[%add3A_943] : memref<2048xi32, #tpu.memory_space<vmem>>[vector<16xi32>], vector<16xi32>,
    %gather3A_945 = tpu.vector_load_idx %arg6[%gather3A_944] : memref<10000xf32, #tpu.memory_space<vmem>>[vector<16xi32>], vector<16xf32>,
    %add3A_946 = arith.addf %add3A_940, %gather3A_945 : vector<16xf32>
    %add3A_947 = arith.constant 902 : i32
    %add3A_948 = vector.broadcast %add3A_947 : i32 to vector<16xi32>
    %add3A_949 = arith.addi %mul3A_523, %add3A_948 : vector<16xi32>
    %gather3A_950 = tpu.vector_load_idx %arg8[%add3A_949] : memref<2048xi32, #tpu.memory_space<vmem>>[vector<16xi32>], vector<16xi32>,
    %gather3A_951 = tpu.vector_load_idx %arg6[%gather3A_950] : memref<10000xf32, #tpu.memory_space<vmem>>[vector<16xi32>], vector<16xf32>,
    %add3A_952 = arith.addf %add3A_946, %gather3A_951 : vector<16xf32>
    %add3A_953 = arith.constant 903 : i32
    %add3A_954 = vector.broadcast %add3A_953 : i32 to vector<16xi32>
    %add3A_955 = arith.addi %mul3A_523, %add3A_954 : vector<16xi32>
    %gather3A_956 = tpu.vector_load_idx %arg8[%add3A_955] : memref<2048xi32, #tpu.memory_space<vmem>>[vector<16xi32>], vector<16xi32>,
    %gather3A_957 = tpu.vector_load_idx %arg6[%gather3A_956] : memref<10000xf32, #tpu.memory_space<vmem>>[vector<16xi32>], vector<16xf32>,
    %add3A_958 = arith.addf %add3A_952, %gather3A_957 : vector<16xf32>
    %mul3A_959 = arith.constant 1.250000e-01 : f32
    %mul3A_960 = vector.broadcast %mul3A_959 : f32 to vector<16xf32>
    %mul3A_961 = arith.mulf %add3A_958, %mul3A_960 : vector<16xf32>
    %swap3A_962 = arith.constant 112 : index
    %swap3A_963 = tpu.vector_load %arg10[%swap3A_962] {strides = array<i32>} : memref<256xf32, #tpu.memory_space<vmem>>, vector<16xf32>,
    tpu.vector_store %arg10[%swap3A_962], %mul3A_961 {strides = array<i32>} : memref<256xf32, #tpu.memory_space<vmem>>, vector<16xf32>,
    %broadcast_in_dim3A_964 = arith.constant 0.000000e+00 : f32
    %broadcast_in_dim3A_965 = vector.broadcast %broadcast_in_dim3A_964 : f32 to vector<16xf32>
    %add3A_966 = arith.constant 1024 : i32
    %add3A_967 = vector.broadcast %add3A_966 : i32 to vector<16xi32>
    %add3A_968 = arith.addi %mul3A_523, %add3A_967 : vector<16xi32>
    %gather3A_969 = tpu.vector_load_idx %arg8[%add3A_968] : memref<2048xi32, #tpu.memory_space<vmem>>[vector<16xi32>], vector<16xi32>,
    %gather3A_970 = tpu.vector_load_idx %arg6[%gather3A_969] : memref<10000xf32, #tpu.memory_space<vmem>>[vector<16xi32>], vector<16xf32>,
    %add3A_971 = arith.addf %broadcast_in_dim3A_965, %gather3A_970 : vector<16xf32>
    %add3A_972 = arith.constant 1025 : i32
    %add3A_973 = vector.broadcast %add3A_972 : i32 to vector<16xi32>
    %add3A_974 = arith.addi %mul3A_523, %add3A_973 : vector<16xi32>
    %gather3A_975 = tpu.vector_load_idx %arg8[%add3A_974] : memref<2048xi32, #tpu.memory_space<vmem>>[vector<16xi32>], vector<16xi32>,
    %gather3A_976 = tpu.vector_load_idx %arg6[%gather3A_975] : memref<10000xf32, #tpu.memory_space<vmem>>[vector<16xi32>], vector<16xf32>,
    %add3A_977 = arith.addf %add3A_971, %gather3A_976 : vector<16xf32>
    %add3A_978 = arith.constant 1026 : i32
    %add3A_979 = vector.broadcast %add3A_978 : i32 to vector<16xi32>
    %add3A_980 = arith.addi %mul3A_523, %add3A_979 : vector<16xi32>
    %gather3A_981 = tpu.vector_load_idx %arg8[%add3A_980] : memref<2048xi32, #tpu.memory_space<vmem>>[vector<16xi32>], vector<16xi32>,
    %gather3A_982 = tpu.vector_load_idx %arg6[%gather3A_981] : memref<10000xf32, #tpu.memory_space<vmem>>[vector<16xi32>], vector<16xf32>,
    %add3A_983 = arith.addf %add3A_977, %gather3A_982 : vector<16xf32>
    %add3A_984 = arith.constant 1027 : i32
    %add3A_985 = vector.broadcast %add3A_984 : i32 to vector<16xi32>
    %add3A_986 = arith.addi %mul3A_523, %add3A_985 : vector<16xi32>
    %gather3A_987 = tpu.vector_load_idx %arg8[%add3A_986] : memref<2048xi32, #tpu.memory_space<vmem>>[vector<16xi32>], vector<16xi32>,
    %gather3A_988 = tpu.vector_load_idx %arg6[%gather3A_987] : memref<10000xf32, #tpu.memory_space<vmem>>[vector<16xi32>], vector<16xf32>,
    %add3A_989 = arith.addf %add3A_983, %gather3A_988 : vector<16xf32>
    %add3A_990 = arith.constant 1028 : i32
    %add3A_991 = vector.broadcast %add3A_990 : i32 to vector<16xi32>
    %add3A_992 = arith.addi %mul3A_523, %add3A_991 : vector<16xi32>
    %gather3A_993 = tpu.vector_load_idx %arg8[%add3A_992] : memref<2048xi32, #tpu.memory_space<vmem>>[vector<16xi32>], vector<16xi32>,
    %gather3A_994 = tpu.vector_load_idx %arg6[%gather3A_993] : memref<10000xf32, #tpu.memory_space<vmem>>[vector<16xi32>], vector<16xf32>,
    %add3A_995 = arith.addf %add3A_989, %gather3A_994 : vector<16xf32>
    %add3A_996 = arith.constant 1029 : i32
    %add3A_997 = vector.broadcast %add3A_996 : i32 to vector<16xi32>
    %add3A_998 = arith.addi %mul3A_523, %add3A_997 : vector<16xi32>
    %gather3A_999 = tpu.vector_load_idx %arg8[%add3A_998] : memref<2048xi32, #tpu.memory_space<vmem>>[vector<16xi32>], vector<16xi32>,
    %gather3A_1000 = tpu.vector_load_idx %arg6[%gather3A_999] : memref<10000xf32, #tpu.memory_space<vmem>>[vector<16xi32>], vector<16xf32>,
    %add3A_1001 = arith.addf %add3A_995, %gather3A_1000 : vector<16xf32>
    %add3A_1002 = arith.constant 1030 : i32
    %add3A_1003 = vector.broadcast %add3A_1002 : i32 to vector<16xi32>
    %add3A_1004 = arith.addi %mul3A_523, %add3A_1003 : vector<16xi32>
    %gather3A_1005 = tpu.vector_load_idx %arg8[%add3A_1004] : memref<2048xi32, #tpu.memory_space<vmem>>[vector<16xi32>], vector<16xi32>,
    %gather3A_1006 = tpu.vector_load_idx %arg6[%gather3A_1005] : memref<10000xf32, #tpu.memory_space<vmem>>[vector<16xi32>], vector<16xf32>,
    %add3A_1007 = arith.addf %add3A_1001, %gather3A_1006 : vector<16xf32>
    %add3A_1008 = arith.constant 1031 : i32
    %add3A_1009 = vector.broadcast %add3A_1008 : i32 to vector<16xi32>
    %add3A_1010 = arith.addi %mul3A_523, %add3A_1009 : vector<16xi32>
    %gather3A_1011 = tpu.vector_load_idx %arg8[%add3A_1010] : memref<2048xi32, #tpu.memory_space<vmem>>[vector<16xi32>], vector<16xi32>,
    %gather3A_1012 = tpu.vector_load_idx %arg6[%gather3A_1011] : memref<10000xf32, #tpu.memory_space<vmem>>[vector<16xi32>], vector<16xf32>,
    %add3A_1013 = arith.addf %add3A_1007, %gather3A_1012 : vector<16xf32>
    %mul3A_1014 = arith.constant 1.250000e-01 : f32
    %mul3A_1015 = vector.broadcast %mul3A_1014 : f32 to vector<16xf32>
    %mul3A_1016 = arith.mulf %add3A_1013, %mul3A_1015 : vector<16xf32>
    %swap3A_1017 = arith.constant 128 : index
    %swap3A_1018 = tpu.vector_load %arg10[%swap3A_1017] {strides = array<i32>} : memref<256xf32, #tpu.memory_space<vmem>>, vector<16xf32>,
    tpu.vector_store %arg10[%swap3A_1017], %mul3A_1016 {strides = array<i32>} : memref<256xf32, #tpu.memory_space<vmem>>, vector<16xf32>,
    %broadcast_in_dim3A_1019 = arith.constant 0.000000e+00 : f32
    %broadcast_in_dim3A_1020 = vector.broadcast %broadcast_in_dim3A_1019 : f32 to vector<16xf32>
    %add3A_1021 = arith.constant 1152 : i32
    %add3A_1022 = vector.broadcast %add3A_1021 : i32 to vector<16xi32>
    %add3A_1023 = arith.addi %mul3A_523, %add3A_1022 : vector<16xi32>
    %gather3A_1024 = tpu.vector_load_idx %arg8[%add3A_1023] : memref<2048xi32, #tpu.memory_space<vmem>>[vector<16xi32>], vector<16xi32>,
    %gather3A_1025 = tpu.vector_load_idx %arg6[%gather3A_1024] : memref<10000xf32, #tpu.memory_space<vmem>>[vector<16xi32>], vector<16xf32>,
    %add3A_1026 = arith.addf %broadcast_in_dim3A_1020, %gather3A_1025 : vector<16xf32>
    %add3A_1027 = arith.constant 1153 : i32
    %add3A_1028 = vector.broadcast %add3A_1027 : i32 to vector<16xi32>
    %add3A_1029 = arith.addi %mul3A_523, %add3A_1028 : vector<16xi32>
    %gather3A_1030 = tpu.vector_load_idx %arg8[%add3A_1029] : memref<2048xi32, #tpu.memory_space<vmem>>[vector<16xi32>], vector<16xi32>,
    %gather3A_1031 = tpu.vector_load_idx %arg6[%gather3A_1030] : memref<10000xf32, #tpu.memory_space<vmem>>[vector<16xi32>], vector<16xf32>,
    %add3A_1032 = arith.addf %add3A_1026, %gather3A_1031 : vector<16xf32>
    %add3A_1033 = arith.constant 1154 : i32
    %add3A_1034 = vector.broadcast %add3A_1033 : i32 to vector<16xi32>
    %add3A_1035 = arith.addi %mul3A_523, %add3A_1034 : vector<16xi32>
    %gather3A_1036 = tpu.vector_load_idx %arg8[%add3A_1035] : memref<2048xi32, #tpu.memory_space<vmem>>[vector<16xi32>], vector<16xi32>,
    %gather3A_1037 = tpu.vector_load_idx %arg6[%gather3A_1036] : memref<10000xf32, #tpu.memory_space<vmem>>[vector<16xi32>], vector<16xf32>,
    %add3A_1038 = arith.addf %add3A_1032, %gather3A_1037 : vector<16xf32>
    %add3A_1039 = arith.constant 1155 : i32
    %add3A_1040 = vector.broadcast %add3A_1039 : i32 to vector<16xi32>
    %add3A_1041 = arith.addi %mul3A_523, %add3A_1040 : vector<16xi32>
    %gather3A_1042 = tpu.vector_load_idx %arg8[%add3A_1041] : memref<2048xi32, #tpu.memory_space<vmem>>[vector<16xi32>], vector<16xi32>,
    %gather3A_1043 = tpu.vector_load_idx %arg6[%gather3A_1042] : memref<10000xf32, #tpu.memory_space<vmem>>[vector<16xi32>], vector<16xf32>,
    %add3A_1044 = arith.addf %add3A_1038, %gather3A_1043 : vector<16xf32>
    %add3A_1045 = arith.constant 1156 : i32
    %add3A_1046 = vector.broadcast %add3A_1045 : i32 to vector<16xi32>
    %add3A_1047 = arith.addi %mul3A_523, %add3A_1046 : vector<16xi32>
    %gather3A_1048 = tpu.vector_load_idx %arg8[%add3A_1047] : memref<2048xi32, #tpu.memory_space<vmem>>[vector<16xi32>], vector<16xi32>,
    %gather3A_1049 = tpu.vector_load_idx %arg6[%gather3A_1048] : memref<10000xf32, #tpu.memory_space<vmem>>[vector<16xi32>], vector<16xf32>,
    %add3A_1050 = arith.addf %add3A_1044, %gather3A_1049 : vector<16xf32>
    %add3A_1051 = arith.constant 1157 : i32
    %add3A_1052 = vector.broadcast %add3A_1051 : i32 to vector<16xi32>
    %add3A_1053 = arith.addi %mul3A_523, %add3A_1052 : vector<16xi32>
    %gather3A_1054 = tpu.vector_load_idx %arg8[%add3A_1053] : memref<2048xi32, #tpu.memory_space<vmem>>[vector<16xi32>], vector<16xi32>,
    %gather3A_1055 = tpu.vector_load_idx %arg6[%gather3A_1054] : memref<10000xf32, #tpu.memory_space<vmem>>[vector<16xi32>], vector<16xf32>,
    %add3A_1056 = arith.addf %add3A_1050, %gather3A_1055 : vector<16xf32>
    %add3A_1057 = arith.constant 1158 : i32
    %add3A_1058 = vector.broadcast %add3A_1057 : i32 to vector<16xi32>
    %add3A_1059 = arith.addi %mul3A_523, %add3A_1058 : vector<16xi32>
    %gather3A_1060 = tpu.vector_load_idx %arg8[%add3A_1059] : memref<2048xi32, #tpu.memory_space<vmem>>[vector<16xi32>], vector<16xi32>,
    %gather3A_1061 = tpu.vector_load_idx %arg6[%gather3A_1060] : memref<10000xf32, #tpu.memory_space<vmem>>[vector<16xi32>], vector<16xf32>,
    %add3A_1062 = arith.addf %add3A_1056, %gather3A_1061 : vector<16xf32>
    %add3A_1063 = arith.constant 1159 : i32
    %add3A_1064 = vector.broadcast %add3A_1063 : i32 to vector<16xi32>
    %add3A_1065 = arith.addi %mul3A_523, %add3A_1064 : vector<16xi32>
    %gather3A_1066 = tpu.vector_load_idx %arg8[%add3A_1065] : memref<2048xi32, #tpu.memory_space<vmem>>[vector<16xi32>], vector<16xi32>,
    %gather3A_1067 = tpu.vector_load_idx %arg6[%gather3A_1066] : memref<10000xf32, #tpu.memory_space<vmem>>[vector<16xi32>], vector<16xf32>,
    %add3A_1068 = arith.addf %add3A_1062, %gather3A_1067 : vector<16xf32>
    %mul3A_1069 = arith.constant 1.250000e-01 : f32
    %mul3A_1070 = vector.broadcast %mul3A_1069 : f32 to vector<16xf32>
    %mul3A_1071 = arith.mulf %add3A_1068, %mul3A_1070 : vector<16xf32>
    %swap3A_1072 = arith.constant 144 : index
    %swap3A_1073 = tpu.vector_load %arg10[%swap3A_1072] {strides = array<i32>} : memref<256xf32, #tpu.memory_space<vmem>>, vector<16xf32>,
    tpu.vector_store %arg10[%swap3A_1072], %mul3A_1071 {strides = array<i32>} : memref<256xf32, #tpu.memory_space<vmem>>, vector<16xf32>,
    %broadcast_in_dim3A_1074 = arith.constant 0.000000e+00 : f32
    %broadcast_in_dim3A_1075 = vector.broadcast %broadcast_in_dim3A_1074 : f32 to vector<16xf32>
    %add3A_1076 = arith.constant 1280 : i32
    %add3A_1077 = vector.broadcast %add3A_1076 : i32 to vector<16xi32>
    %add3A_1078 = arith.addi %mul3A_523, %add3A_1077 : vector<16xi32>
    %gather3A_1079 = tpu.vector_load_idx %arg8[%add3A_1078] : memref<2048xi32, #tpu.memory_space<vmem>>[vector<16xi32>], vector<16xi32>,
    %gather3A_1080 = tpu.vector_load_idx %arg6[%gather3A_1079] : memref<10000xf32, #tpu.memory_space<vmem>>[vector<16xi32>], vector<16xf32>,
    %add3A_1081 = arith.addf %broadcast_in_dim3A_1075, %gather3A_1080 : vector<16xf32>
    %add3A_1082 = arith.constant 1281 : i32
    %add3A_1083 = vector.broadcast %add3A_1082 : i32 to vector<16xi32>
    %add3A_1084 = arith.addi %mul3A_523, %add3A_1083 : vector<16xi32>
    %gather3A_1085 = tpu.vector_load_idx %arg8[%add3A_1084] : memref<2048xi32, #tpu.memory_space<vmem>>[vector<16xi32>], vector<16xi32>,
    %gather3A_1086 = tpu.vector_load_idx %arg6[%gather3A_1085] : memref<10000xf32, #tpu.memory_space<vmem>>[vector<16xi32>], vector<16xf32>,
    %add3A_1087 = arith.addf %add3A_1081, %gather3A_1086 : vector<16xf32>
    %add3A_1088 = arith.constant 1282 : i32
    %add3A_1089 = vector.broadcast %add3A_1088 : i32 to vector<16xi32>
    %add3A_1090 = arith.addi %mul3A_523, %add3A_1089 : vector<16xi32>
    %gather3A_1091 = tpu.vector_load_idx %arg8[%add3A_1090] : memref<2048xi32, #tpu.memory_space<vmem>>[vector<16xi32>], vector<16xi32>,
    %gather3A_1092 = tpu.vector_load_idx %arg6[%gather3A_1091] : memref<10000xf32, #tpu.memory_space<vmem>>[vector<16xi32>], vector<16xf32>,
    %add3A_1093 = arith.addf %add3A_1087, %gather3A_1092 : vector<16xf32>
    %add3A_1094 = arith.constant 1283 : i32
    %add3A_1095 = vector.broadcast %add3A_1094 : i32 to vector<16xi32>
    %add3A_1096 = arith.addi %mul3A_523, %add3A_1095 : vector<16xi32>
    %gather3A_1097 = tpu.vector_load_idx %arg8[%add3A_1096] : memref<2048xi32, #tpu.memory_space<vmem>>[vector<16xi32>], vector<16xi32>,
    %gather3A_1098 = tpu.vector_load_idx %arg6[%gather3A_1097] : memref<10000xf32, #tpu.memory_space<vmem>>[vector<16xi32>], vector<16xf32>,
    %add3A_1099 = arith.addf %add3A_1093, %gather3A_1098 : vector<16xf32>
    %add3A_1100 = arith.constant 1284 : i32
    %add3A_1101 = vector.broadcast %add3A_1100 : i32 to vector<16xi32>
    %add3A_1102 = arith.addi %mul3A_523, %add3A_1101 : vector<16xi32>
    %gather3A_1103 = tpu.vector_load_idx %arg8[%add3A_1102] : memref<2048xi32, #tpu.memory_space<vmem>>[vector<16xi32>], vector<16xi32>,
    %gather3A_1104 = tpu.vector_load_idx %arg6[%gather3A_1103] : memref<10000xf32, #tpu.memory_space<vmem>>[vector<16xi32>], vector<16xf32>,
    %add3A_1105 = arith.addf %add3A_1099, %gather3A_1104 : vector<16xf32>
    %add3A_1106 = arith.constant 1285 : i32
    %add3A_1107 = vector.broadcast %add3A_1106 : i32 to vector<16xi32>
    %add3A_1108 = arith.addi %mul3A_523, %add3A_1107 : vector<16xi32>
    %gather3A_1109 = tpu.vector_load_idx %arg8[%add3A_1108] : memref<2048xi32, #tpu.memory_space<vmem>>[vector<16xi32>], vector<16xi32>,
    %gather3A_1110 = tpu.vector_load_idx %arg6[%gather3A_1109] : memref<10000xf32, #tpu.memory_space<vmem>>[vector<16xi32>], vector<16xf32>,
    %add3A_1111 = arith.addf %add3A_1105, %gather3A_1110 : vector<16xf32>
    %add3A_1112 = arith.constant 1286 : i32
    %add3A_1113 = vector.broadcast %add3A_1112 : i32 to vector<16xi32>
    %add3A_1114 = arith.addi %mul3A_523, %add3A_1113 : vector<16xi32>
    %gather3A_1115 = tpu.vector_load_idx %arg8[%add3A_1114] : memref<2048xi32, #tpu.memory_space<vmem>>[vector<16xi32>], vector<16xi32>,
    %gather3A_1116 = tpu.vector_load_idx %arg6[%gather3A_1115] : memref<10000xf32, #tpu.memory_space<vmem>>[vector<16xi32>], vector<16xf32>,
    %add3A_1117 = arith.addf %add3A_1111, %gather3A_1116 : vector<16xf32>
    %add3A_1118 = arith.constant 1287 : i32
    %add3A_1119 = vector.broadcast %add3A_1118 : i32 to vector<16xi32>
    %add3A_1120 = arith.addi %mul3A_523, %add3A_1119 : vector<16xi32>
    %gather3A_1121 = tpu.vector_load_idx %arg8[%add3A_1120] : memref<2048xi32, #tpu.memory_space<vmem>>[vector<16xi32>], vector<16xi32>,
    %gather3A_1122 = tpu.vector_load_idx %arg6[%gather3A_1121] : memref<10000xf32, #tpu.memory_space<vmem>>[vector<16xi32>], vector<16xf32>,
    %add3A_1123 = arith.addf %add3A_1117, %gather3A_1122 : vector<16xf32>
    %mul3A_1124 = arith.constant 1.250000e-01 : f32
    %mul3A_1125 = vector.broadcast %mul3A_1124 : f32 to vector<16xf32>
    %mul3A_1126 = arith.mulf %add3A_1123, %mul3A_1125 : vector<16xf32>
    %swap3A_1127 = arith.constant 160 : index
    %swap3A_1128 = tpu.vector_load %arg10[%swap3A_1127] {strides = array<i32>} : memref<256xf32, #tpu.memory_space<vmem>>, vector<16xf32>,
    tpu.vector_store %arg10[%swap3A_1127], %mul3A_1126 {strides = array<i32>} : memref<256xf32, #tpu.memory_space<vmem>>, vector<16xf32>,
    %broadcast_in_dim3A_1129 = arith.constant 0.000000e+00 : f32
    %broadcast_in_dim3A_1130 = vector.broadcast %broadcast_in_dim3A_1129 : f32 to vector<16xf32>
    %add3A_1131 = arith.constant 1408 : i32
    %add3A_1132 = vector.broadcast %add3A_1131 : i32 to vector<16xi32>
    %add3A_1133 = arith.addi %mul3A_523, %add3A_1132 : vector<16xi32>
    %gather3A_1134 = tpu.vector_load_idx %arg8[%add3A_1133] : memref<2048xi32, #tpu.memory_space<vmem>>[vector<16xi32>], vector<16xi32>,
    %gather3A_1135 = tpu.vector_load_idx %arg6[%gather3A_1134] : memref<10000xf32, #tpu.memory_space<vmem>>[vector<16xi32>], vector<16xf32>,
    %add3A_1136 = arith.addf %broadcast_in_dim3A_1130, %gather3A_1135 : vector<16xf32>
    %add3A_1137 = arith.constant 1409 : i32
    %add3A_1138 = vector.broadcast %add3A_1137 : i32 to vector<16xi32>
    %add3A_1139 = arith.addi %mul3A_523, %add3A_1138 : vector<16xi32>
    %gather3A_1140 = tpu.vector_load_idx %arg8[%add3A_1139] : memref<2048xi32, #tpu.memory_space<vmem>>[vector<16xi32>], vector<16xi32>,
    %gather3A_1141 = tpu.vector_load_idx %arg6[%gather3A_1140] : memref<10000xf32, #tpu.memory_space<vmem>>[vector<16xi32>], vector<16xf32>,
    %add3A_1142 = arith.addf %add3A_1136, %gather3A_1141 : vector<16xf32>
    %add3A_1143 = arith.constant 1410 : i32
    %add3A_1144 = vector.broadcast %add3A_1143 : i32 to vector<16xi32>
    %add3A_1145 = arith.addi %mul3A_523, %add3A_1144 : vector<16xi32>
    %gather3A_1146 = tpu.vector_load_idx %arg8[%add3A_1145] : memref<2048xi32, #tpu.memory_space<vmem>>[vector<16xi32>], vector<16xi32>,
    %gather3A_1147 = tpu.vector_load_idx %arg6[%gather3A_1146] : memref<10000xf32, #tpu.memory_space<vmem>>[vector<16xi32>], vector<16xf32>,
    %add3A_1148 = arith.addf %add3A_1142, %gather3A_1147 : vector<16xf32>
    %add3A_1149 = arith.constant 1411 : i32
    %add3A_1150 = vector.broadcast %add3A_1149 : i32 to vector<16xi32>
    %add3A_1151 = arith.addi %mul3A_523, %add3A_1150 : vector<16xi32>
    %gather3A_1152 = tpu.vector_load_idx %arg8[%add3A_1151] : memref<2048xi32, #tpu.memory_space<vmem>>[vector<16xi32>], vector<16xi32>,
    %gather3A_1153 = tpu.vector_load_idx %arg6[%gather3A_1152] : memref<10000xf32, #tpu.memory_space<vmem>>[vector<16xi32>], vector<16xf32>,
    %add3A_1154 = arith.addf %add3A_1148, %gather3A_1153 : vector<16xf32>
    %add3A_1155 = arith.constant 1412 : i32
    %add3A_1156 = vector.broadcast %add3A_1155 : i32 to vector<16xi32>
    %add3A_1157 = arith.addi %mul3A_523, %add3A_1156 : vector<16xi32>
    %gather3A_1158 = tpu.vector_load_idx %arg8[%add3A_1157] : memref<2048xi32, #tpu.memory_space<vmem>>[vector<16xi32>], vector<16xi32>,
    %gather3A_1159 = tpu.vector_load_idx %arg6[%gather3A_1158] : memref<10000xf32, #tpu.memory_space<vmem>>[vector<16xi32>], vector<16xf32>,
    %add3A_1160 = arith.addf %add3A_1154, %gather3A_1159 : vector<16xf32>
    %add3A_1161 = arith.constant 1413 : i32
    %add3A_1162 = vector.broadcast %add3A_1161 : i32 to vector<16xi32>
    %add3A_1163 = arith.addi %mul3A_523, %add3A_1162 : vector<16xi32>
    %gather3A_1164 = tpu.vector_load_idx %arg8[%add3A_1163] : memref<2048xi32, #tpu.memory_space<vmem>>[vector<16xi32>], vector<16xi32>,
    %gather3A_1165 = tpu.vector_load_idx %arg6[%gather3A_1164] : memref<10000xf32, #tpu.memory_space<vmem>>[vector<16xi32>], vector<16xf32>,
    %add3A_1166 = arith.addf %add3A_1160, %gather3A_1165 : vector<16xf32>
    %add3A_1167 = arith.constant 1414 : i32
    %add3A_1168 = vector.broadcast %add3A_1167 : i32 to vector<16xi32>
    %add3A_1169 = arith.addi %mul3A_523, %add3A_1168 : vector<16xi32>
    %gather3A_1170 = tpu.vector_load_idx %arg8[%add3A_1169] : memref<2048xi32, #tpu.memory_space<vmem>>[vector<16xi32>], vector<16xi32>,
    %gather3A_1171 = tpu.vector_load_idx %arg6[%gather3A_1170] : memref<10000xf32, #tpu.memory_space<vmem>>[vector<16xi32>], vector<16xf32>,
    %add3A_1172 = arith.addf %add3A_1166, %gather3A_1171 : vector<16xf32>
    %add3A_1173 = arith.constant 1415 : i32
    %add3A_1174 = vector.broadcast %add3A_1173 : i32 to vector<16xi32>
    %add3A_1175 = arith.addi %mul3A_523, %add3A_1174 : vector<16xi32>
    %gather3A_1176 = tpu.vector_load_idx %arg8[%add3A_1175] : memref<2048xi32, #tpu.memory_space<vmem>>[vector<16xi32>], vector<16xi32>,
    %gather3A_1177 = tpu.vector_load_idx %arg6[%gather3A_1176] : memref<10000xf32, #tpu.memory_space<vmem>>[vector<16xi32>], vector<16xf32>,
    %add3A_1178 = arith.addf %add3A_1172, %gather3A_1177 : vector<16xf32>
    %mul3A_1179 = arith.constant 1.250000e-01 : f32
    %mul3A_1180 = vector.broadcast %mul3A_1179 : f32 to vector<16xf32>
    %mul3A_1181 = arith.mulf %add3A_1178, %mul3A_1180 : vector<16xf32>
    %swap3A_1182 = arith.constant 176 : index
    %swap3A_1183 = tpu.vector_load %arg10[%swap3A_1182] {strides = array<i32>} : memref<256xf32, #tpu.memory_space<vmem>>, vector<16xf32>,
    tpu.vector_store %arg10[%swap3A_1182], %mul3A_1181 {strides = array<i32>} : memref<256xf32, #tpu.memory_space<vmem>>, vector<16xf32>,
    %broadcast_in_dim3A_1184 = arith.constant 0.000000e+00 : f32
    %broadcast_in_dim3A_1185 = vector.broadcast %broadcast_in_dim3A_1184 : f32 to vector<16xf32>
    %add3A_1186 = arith.constant 1536 : i32
    %add3A_1187 = vector.broadcast %add3A_1186 : i32 to vector<16xi32>
    %add3A_1188 = arith.addi %mul3A_523, %add3A_1187 : vector<16xi32>
    %gather3A_1189 = tpu.vector_load_idx %arg8[%add3A_1188] : memref<2048xi32, #tpu.memory_space<vmem>>[vector<16xi32>], vector<16xi32>,
    %gather3A_1190 = tpu.vector_load_idx %arg6[%gather3A_1189] : memref<10000xf32, #tpu.memory_space<vmem>>[vector<16xi32>], vector<16xf32>,
    %add3A_1191 = arith.addf %broadcast_in_dim3A_1185, %gather3A_1190 : vector<16xf32>
    %add3A_1192 = arith.constant 1537 : i32
    %add3A_1193 = vector.broadcast %add3A_1192 : i32 to vector<16xi32>
    %add3A_1194 = arith.addi %mul3A_523, %add3A_1193 : vector<16xi32>
    %gather3A_1195 = tpu.vector_load_idx %arg8[%add3A_1194] : memref<2048xi32, #tpu.memory_space<vmem>>[vector<16xi32>], vector<16xi32>,
    %gather3A_1196 = tpu.vector_load_idx %arg6[%gather3A_1195] : memref<10000xf32, #tpu.memory_space<vmem>>[vector<16xi32>], vector<16xf32>,
    %add3A_1197 = arith.addf %add3A_1191, %gather3A_1196 : vector<16xf32>
    %add3A_1198 = arith.constant 1538 : i32
    %add3A_1199 = vector.broadcast %add3A_1198 : i32 to vector<16xi32>
    %add3A_1200 = arith.addi %mul3A_523, %add3A_1199 : vector<16xi32>
    %gather3A_1201 = tpu.vector_load_idx %arg8[%add3A_1200] : memref<2048xi32, #tpu.memory_space<vmem>>[vector<16xi32>], vector<16xi32>,
    %gather3A_1202 = tpu.vector_load_idx %arg6[%gather3A_1201] : memref<10000xf32, #tpu.memory_space<vmem>>[vector<16xi32>], vector<16xf32>,
    %add3A_1203 = arith.addf %add3A_1197, %gather3A_1202 : vector<16xf32>
    %add3A_1204 = arith.constant 1539 : i32
    %add3A_1205 = vector.broadcast %add3A_1204 : i32 to vector<16xi32>
    %add3A_1206 = arith.addi %mul3A_523, %add3A_1205 : vector<16xi32>
    %gather3A_1207 = tpu.vector_load_idx %arg8[%add3A_1206] : memref<2048xi32, #tpu.memory_space<vmem>>[vector<16xi32>], vector<16xi32>,
    %gather3A_1208 = tpu.vector_load_idx %arg6[%gather3A_1207] : memref<10000xf32, #tpu.memory_space<vmem>>[vector<16xi32>], vector<16xf32>,
    %add3A_1209 = arith.addf %add3A_1203, %gather3A_1208 : vector<16xf32>
    %add3A_1210 = arith.constant 1540 : i32
    %add3A_1211 = vector.broadcast %add3A_1210 : i32 to vector<16xi32>
    %add3A_1212 = arith.addi %mul3A_523, %add3A_1211 : vector<16xi32>
    %gather3A_1213 = tpu.vector_load_idx %arg8[%add3A_1212] : memref<2048xi32, #tpu.memory_space<vmem>>[vector<16xi32>], vector<16xi32>,
    %gather3A_1214 = tpu.vector_load_idx %arg6[%gather3A_1213] : memref<10000xf32, #tpu.memory_space<vmem>>[vector<16xi32>], vector<16xf32>,
    %add3A_1215 = arith.addf %add3A_1209, %gather3A_1214 : vector<16xf32>
    %add3A_1216 = arith.constant 1541 : i32
    %add3A_1217 = vector.broadcast %add3A_1216 : i32 to vector<16xi32>
    %add3A_1218 = arith.addi %mul3A_523, %add3A_1217 : vector<16xi32>
    %gather3A_1219 = tpu.vector_load_idx %arg8[%add3A_1218] : memref<2048xi32, #tpu.memory_space<vmem>>[vector<16xi32>], vector<16xi32>,
    %gather3A_1220 = tpu.vector_load_idx %arg6[%gather3A_1219] : memref<10000xf32, #tpu.memory_space<vmem>>[vector<16xi32>], vector<16xf32>,
    %add3A_1221 = arith.addf %add3A_1215, %gather3A_1220 : vector<16xf32>
    %add3A_1222 = arith.constant 1542 : i32
    %add3A_1223 = vector.broadcast %add3A_1222 : i32 to vector<16xi32>
    %add3A_1224 = arith.addi %mul3A_523, %add3A_1223 : vector<16xi32>
    %gather3A_1225 = tpu.vector_load_idx %arg8[%add3A_1224] : memref<2048xi32, #tpu.memory_space<vmem>>[vector<16xi32>], vector<16xi32>,
    %gather3A_1226 = tpu.vector_load_idx %arg6[%gather3A_1225] : memref<10000xf32, #tpu.memory_space<vmem>>[vector<16xi32>], vector<16xf32>,
    %add3A_1227 = arith.addf %add3A_1221, %gather3A_1226 : vector<16xf32>
    %add3A_1228 = arith.constant 1543 : i32
    %add3A_1229 = vector.broadcast %add3A_1228 : i32 to vector<16xi32>
    %add3A_1230 = arith.addi %mul3A_523, %add3A_1229 : vector<16xi32>
    %gather3A_1231 = tpu.vector_load_idx %arg8[%add3A_1230] : memref<2048xi32, #tpu.memory_space<vmem>>[vector<16xi32>], vector<16xi32>,
    %gather3A_1232 = tpu.vector_load_idx %arg6[%gather3A_1231] : memref<10000xf32, #tpu.memory_space<vmem>>[vector<16xi32>], vector<16xf32>,
    %add3A_1233 = arith.addf %add3A_1227, %gather3A_1232 : vector<16xf32>
    %mul3A_1234 = arith.constant 1.250000e-01 : f32
    %mul3A_1235 = vector.broadcast %mul3A_1234 : f32 to vector<16xf32>
    %mul3A_1236 = arith.mulf %add3A_1233, %mul3A_1235 : vector<16xf32>
    %swap3A_1237 = arith.constant 192 : index
    %swap3A_1238 = tpu.vector_load %arg10[%swap3A_1237] {strides = array<i32>} : memref<256xf32, #tpu.memory_space<vmem>>, vector<16xf32>,
    tpu.vector_store %arg10[%swap3A_1237], %mul3A_1236 {strides = array<i32>} : memref<256xf32, #tpu.memory_space<vmem>>, vector<16xf32>,
    %broadcast_in_dim3A_1239 = arith.constant 0.000000e+00 : f32
    %broadcast_in_dim3A_1240 = vector.broadcast %broadcast_in_dim3A_1239 : f32 to vector<16xf32>
    %add3A_1241 = arith.constant 1664 : i32
    %add3A_1242 = vector.broadcast %add3A_1241 : i32 to vector<16xi32>
    %add3A_1243 = arith.addi %mul3A_523, %add3A_1242 : vector<16xi32>
    %gather3A_1244 = tpu.vector_load_idx %arg8[%add3A_1243] : memref<2048xi32, #tpu.memory_space<vmem>>[vector<16xi32>], vector<16xi32>,
    %gather3A_1245 = tpu.vector_load_idx %arg6[%gather3A_1244] : memref<10000xf32, #tpu.memory_space<vmem>>[vector<16xi32>], vector<16xf32>,
    %add3A_1246 = arith.addf %broadcast_in_dim3A_1240, %gather3A_1245 : vector<16xf32>
    %add3A_1247 = arith.constant 1665 : i32
    %add3A_1248 = vector.broadcast %add3A_1247 : i32 to vector<16xi32>
    %add3A_1249 = arith.addi %mul3A_523, %add3A_1248 : vector<16xi32>
    %gather3A_1250 = tpu.vector_load_idx %arg8[%add3A_1249] : memref<2048xi32, #tpu.memory_space<vmem>>[vector<16xi32>], vector<16xi32>,
    %gather3A_1251 = tpu.vector_load_idx %arg6[%gather3A_1250] : memref<10000xf32, #tpu.memory_space<vmem>>[vector<16xi32>], vector<16xf32>,
    %add3A_1252 = arith.addf %add3A_1246, %gather3A_1251 : vector<16xf32>
    %add3A_1253 = arith.constant 1666 : i32
    %add3A_1254 = vector.broadcast %add3A_1253 : i32 to vector<16xi32>
    %add3A_1255 = arith.addi %mul3A_523, %add3A_1254 : vector<16xi32>
    %gather3A_1256 = tpu.vector_load_idx %arg8[%add3A_1255] : memref<2048xi32, #tpu.memory_space<vmem>>[vector<16xi32>], vector<16xi32>,
    %gather3A_1257 = tpu.vector_load_idx %arg6[%gather3A_1256] : memref<10000xf32, #tpu.memory_space<vmem>>[vector<16xi32>], vector<16xf32>,
    %add3A_1258 = arith.addf %add3A_1252, %gather3A_1257 : vector<16xf32>
    %add3A_1259 = arith.constant 1667 : i32
    %add3A_1260 = vector.broadcast %add3A_1259 : i32 to vector<16xi32>
    %add3A_1261 = arith.addi %mul3A_523, %add3A_1260 : vector<16xi32>
    %gather3A_1262 = tpu.vector_load_idx %arg8[%add3A_1261] : memref<2048xi32, #tpu.memory_space<vmem>>[vector<16xi32>], vector<16xi32>,
    %gather3A_1263 = tpu.vector_load_idx %arg6[%gather3A_1262] : memref<10000xf32, #tpu.memory_space<vmem>>[vector<16xi32>], vector<16xf32>,
    %add3A_1264 = arith.addf %add3A_1258, %gather3A_1263 : vector<16xf32>
    %add3A_1265 = arith.constant 1668 : i32
    %add3A_1266 = vector.broadcast %add3A_1265 : i32 to vector<16xi32>
    %add3A_1267 = arith.addi %mul3A_523, %add3A_1266 : vector<16xi32>
    %gather3A_1268 = tpu.vector_load_idx %arg8[%add3A_1267] : memref<2048xi32, #tpu.memory_space<vmem>>[vector<16xi32>], vector<16xi32>,
    %gather3A_1269 = tpu.vector_load_idx %arg6[%gather3A_1268] : memref<10000xf32, #tpu.memory_space<vmem>>[vector<16xi32>], vector<16xf32>,
    %add3A_1270 = arith.addf %add3A_1264, %gather3A_1269 : vector<16xf32>
    %add3A_1271 = arith.constant 1669 : i32
    %add3A_1272 = vector.broadcast %add3A_1271 : i32 to vector<16xi32>
    %add3A_1273 = arith.addi %mul3A_523, %add3A_1272 : vector<16xi32>
    %gather3A_1274 = tpu.vector_load_idx %arg8[%add3A_1273] : memref<2048xi32, #tpu.memory_space<vmem>>[vector<16xi32>], vector<16xi32>,
    %gather3A_1275 = tpu.vector_load_idx %arg6[%gather3A_1274] : memref<10000xf32, #tpu.memory_space<vmem>>[vector<16xi32>], vector<16xf32>,
    %add3A_1276 = arith.addf %add3A_1270, %gather3A_1275 : vector<16xf32>
    %add3A_1277 = arith.constant 1670 : i32
    %add3A_1278 = vector.broadcast %add3A_1277 : i32 to vector<16xi32>
    %add3A_1279 = arith.addi %mul3A_523, %add3A_1278 : vector<16xi32>
    %gather3A_1280 = tpu.vector_load_idx %arg8[%add3A_1279] : memref<2048xi32, #tpu.memory_space<vmem>>[vector<16xi32>], vector<16xi32>,
    %gather3A_1281 = tpu.vector_load_idx %arg6[%gather3A_1280] : memref<10000xf32, #tpu.memory_space<vmem>>[vector<16xi32>], vector<16xf32>,
    %add3A_1282 = arith.addf %add3A_1276, %gather3A_1281 : vector<16xf32>
    %add3A_1283 = arith.constant 1671 : i32
    %add3A_1284 = vector.broadcast %add3A_1283 : i32 to vector<16xi32>
    %add3A_1285 = arith.addi %mul3A_523, %add3A_1284 : vector<16xi32>
    %gather3A_1286 = tpu.vector_load_idx %arg8[%add3A_1285] : memref<2048xi32, #tpu.memory_space<vmem>>[vector<16xi32>], vector<16xi32>,
    %gather3A_1287 = tpu.vector_load_idx %arg6[%gather3A_1286] : memref<10000xf32, #tpu.memory_space<vmem>>[vector<16xi32>], vector<16xf32>,
    %add3A_1288 = arith.addf %add3A_1282, %gather3A_1287 : vector<16xf32>
    %mul3A_1289 = arith.constant 1.250000e-01 : f32
    %mul3A_1290 = vector.broadcast %mul3A_1289 : f32 to vector<16xf32>
    %mul3A_1291 = arith.mulf %add3A_1288, %mul3A_1290 : vector<16xf32>
    %swap3A_1292 = arith.constant 208 : index
    %swap3A_1293 = tpu.vector_load %arg10[%swap3A_1292] {strides = array<i32>} : memref<256xf32, #tpu.memory_space<vmem>>, vector<16xf32>,
    tpu.vector_store %arg10[%swap3A_1292], %mul3A_1291 {strides = array<i32>} : memref<256xf32, #tpu.memory_space<vmem>>, vector<16xf32>,
    %broadcast_in_dim3A_1294 = arith.constant 0.000000e+00 : f32
    %broadcast_in_dim3A_1295 = vector.broadcast %broadcast_in_dim3A_1294 : f32 to vector<16xf32>
    %add3A_1296 = arith.constant 1792 : i32
    %add3A_1297 = vector.broadcast %add3A_1296 : i32 to vector<16xi32>
    %add3A_1298 = arith.addi %mul3A_523, %add3A_1297 : vector<16xi32>
    %gather3A_1299 = tpu.vector_load_idx %arg8[%add3A_1298] : memref<2048xi32, #tpu.memory_space<vmem>>[vector<16xi32>], vector<16xi32>,
    %gather3A_1300 = tpu.vector_load_idx %arg6[%gather3A_1299] : memref<10000xf32, #tpu.memory_space<vmem>>[vector<16xi32>], vector<16xf32>,
    %add3A_1301 = arith.addf %broadcast_in_dim3A_1295, %gather3A_1300 : vector<16xf32>
    %add3A_1302 = arith.constant 1793 : i32
    %add3A_1303 = vector.broadcast %add3A_1302 : i32 to vector<16xi32>
    %add3A_1304 = arith.addi %mul3A_523, %add3A_1303 : vector<16xi32>
    %gather3A_1305 = tpu.vector_load_idx %arg8[%add3A_1304] : memref<2048xi32, #tpu.memory_space<vmem>>[vector<16xi32>], vector<16xi32>,
    %gather3A_1306 = tpu.vector_load_idx %arg6[%gather3A_1305] : memref<10000xf32, #tpu.memory_space<vmem>>[vector<16xi32>], vector<16xf32>,
    %add3A_1307 = arith.addf %add3A_1301, %gather3A_1306 : vector<16xf32>
    %add3A_1308 = arith.constant 1794 : i32
    %add3A_1309 = vector.broadcast %add3A_1308 : i32 to vector<16xi32>
    %add3A_1310 = arith.addi %mul3A_523, %add3A_1309 : vector<16xi32>
    %gather3A_1311 = tpu.vector_load_idx %arg8[%add3A_1310] : memref<2048xi32, #tpu.memory_space<vmem>>[vector<16xi32>], vector<16xi32>,
    %gather3A_1312 = tpu.vector_load_idx %arg6[%gather3A_1311] : memref<10000xf32, #tpu.memory_space<vmem>>[vector<16xi32>], vector<16xf32>,
    %add3A_1313 = arith.addf %add3A_1307, %gather3A_1312 : vector<16xf32>
    %add3A_1314 = arith.constant 1795 : i32
    %add3A_1315 = vector.broadcast %add3A_1314 : i32 to vector<16xi32>
    %add3A_1316 = arith.addi %mul3A_523, %add3A_1315 : vector<16xi32>
    %gather3A_1317 = tpu.vector_load_idx %arg8[%add3A_1316] : memref<2048xi32, #tpu.memory_space<vmem>>[vector<16xi32>], vector<16xi32>,
    %gather3A_1318 = tpu.vector_load_idx %arg6[%gather3A_1317] : memref<10000xf32, #tpu.memory_space<vmem>>[vector<16xi32>], vector<16xf32>,
    %add3A_1319 = arith.addf %add3A_1313, %gather3A_1318 : vector<16xf32>
    %add3A_1320 = arith.constant 1796 : i32
    %add3A_1321 = vector.broadcast %add3A_1320 : i32 to vector<16xi32>
    %add3A_1322 = arith.addi %mul3A_523, %add3A_1321 : vector<16xi32>
    %gather3A_1323 = tpu.vector_load_idx %arg8[%add3A_1322] : memref<2048xi32, #tpu.memory_space<vmem>>[vector<16xi32>], vector<16xi32>,
    %gather3A_1324 = tpu.vector_load_idx %arg6[%gather3A_1323] : memref<10000xf32, #tpu.memory_space<vmem>>[vector<16xi32>], vector<16xf32>,
    %add3A_1325 = arith.addf %add3A_1319, %gather3A_1324 : vector<16xf32>
    %add3A_1326 = arith.constant 1797 : i32
    %add3A_1327 = vector.broadcast %add3A_1326 : i32 to vector<16xi32>
    %add3A_1328 = arith.addi %mul3A_523, %add3A_1327 : vector<16xi32>
    %gather3A_1329 = tpu.vector_load_idx %arg8[%add3A_1328] : memref<2048xi32, #tpu.memory_space<vmem>>[vector<16xi32>], vector<16xi32>,
    %gather3A_1330 = tpu.vector_load_idx %arg6[%gather3A_1329] : memref<10000xf32, #tpu.memory_space<vmem>>[vector<16xi32>], vector<16xf32>,
    %add3A_1331 = arith.addf %add3A_1325, %gather3A_1330 : vector<16xf32>
    %add3A_1332 = arith.constant 1798 : i32
    %add3A_1333 = vector.broadcast %add3A_1332 : i32 to vector<16xi32>
    %add3A_1334 = arith.addi %mul3A_523, %add3A_1333 : vector<16xi32>
    %gather3A_1335 = tpu.vector_load_idx %arg8[%add3A_1334] : memref<2048xi32, #tpu.memory_space<vmem>>[vector<16xi32>], vector<16xi32>,
    %gather3A_1336 = tpu.vector_load_idx %arg6[%gather3A_1335] : memref<10000xf32, #tpu.memory_space<vmem>>[vector<16xi32>], vector<16xf32>,
    %add3A_1337 = arith.addf %add3A_1331, %gather3A_1336 : vector<16xf32>
    %add3A_1338 = arith.constant 1799 : i32
    %add3A_1339 = vector.broadcast %add3A_1338 : i32 to vector<16xi32>
    %add3A_1340 = arith.addi %mul3A_523, %add3A_1339 : vector<16xi32>
    %gather3A_1341 = tpu.vector_load_idx %arg8[%add3A_1340] : memref<2048xi32, #tpu.memory_space<vmem>>[vector<16xi32>], vector<16xi32>,
    %gather3A_1342 = tpu.vector_load_idx %arg6[%gather3A_1341] : memref<10000xf32, #tpu.memory_space<vmem>>[vector<16xi32>], vector<16xf32>,
    %add3A_1343 = arith.addf %add3A_1337, %gather3A_1342 : vector<16xf32>
    %mul3A_1344 = arith.constant 1.250000e-01 : f32
    %mul3A_1345 = vector.broadcast %mul3A_1344 : f32 to vector<16xf32>
    %mul3A_1346 = arith.mulf %add3A_1343, %mul3A_1345 : vector<16xf32>
    %swap3A_1347 = arith.constant 224 : index
    %swap3A_1348 = tpu.vector_load %arg10[%swap3A_1347] {strides = array<i32>} : memref<256xf32, #tpu.memory_space<vmem>>, vector<16xf32>,
    tpu.vector_store %arg10[%swap3A_1347], %mul3A_1346 {strides = array<i32>} : memref<256xf32, #tpu.memory_space<vmem>>, vector<16xf32>,
    %broadcast_in_dim3A_1349 = arith.constant 0.000000e+00 : f32
    %broadcast_in_dim3A_1350 = vector.broadcast %broadcast_in_dim3A_1349 : f32 to vector<16xf32>
    %add3A_1351 = arith.constant 1920 : i32
    %add3A_1352 = vector.broadcast %add3A_1351 : i32 to vector<16xi32>
    %add3A_1353 = arith.addi %mul3A_523, %add3A_1352 : vector<16xi32>
    %gather3A_1354 = tpu.vector_load_idx %arg8[%add3A_1353] : memref<2048xi32, #tpu.memory_space<vmem>>[vector<16xi32>], vector<16xi32>,
    %gather3A_1355 = tpu.vector_load_idx %arg6[%gather3A_1354] : memref<10000xf32, #tpu.memory_space<vmem>>[vector<16xi32>], vector<16xf32>,
    %add3A_1356 = arith.addf %broadcast_in_dim3A_1350, %gather3A_1355 : vector<16xf32>
    %add3A_1357 = arith.constant 1921 : i32
    %add3A_1358 = vector.broadcast %add3A_1357 : i32 to vector<16xi32>
    %add3A_1359 = arith.addi %mul3A_523, %add3A_1358 : vector<16xi32>
    %gather3A_1360 = tpu.vector_load_idx %arg8[%add3A_1359] : memref<2048xi32, #tpu.memory_space<vmem>>[vector<16xi32>], vector<16xi32>,
    %gather3A_1361 = tpu.vector_load_idx %arg6[%gather3A_1360] : memref<10000xf32, #tpu.memory_space<vmem>>[vector<16xi32>], vector<16xf32>,
    %add3A_1362 = arith.addf %add3A_1356, %gather3A_1361 : vector<16xf32>
    %add3A_1363 = arith.constant 1922 : i32
    %add3A_1364 = vector.broadcast %add3A_1363 : i32 to vector<16xi32>
    %add3A_1365 = arith.addi %mul3A_523, %add3A_1364 : vector<16xi32>
    %gather3A_1366 = tpu.vector_load_idx %arg8[%add3A_1365] : memref<2048xi32, #tpu.memory_space<vmem>>[vector<16xi32>], vector<16xi32>,
    %gather3A_1367 = tpu.vector_load_idx %arg6[%gather3A_1366] : memref<10000xf32, #tpu.memory_space<vmem>>[vector<16xi32>], vector<16xf32>,
    %add3A_1368 = arith.addf %add3A_1362, %gather3A_1367 : vector<16xf32>
    %add3A_1369 = arith.constant 1923 : i32
    %add3A_1370 = vector.broadcast %add3A_1369 : i32 to vector<16xi32>
    %add3A_1371 = arith.addi %mul3A_523, %add3A_1370 : vector<16xi32>
    %gather3A_1372 = tpu.vector_load_idx %arg8[%add3A_1371] : memref<2048xi32, #tpu.memory_space<vmem>>[vector<16xi32>], vector<16xi32>,
    %gather3A_1373 = tpu.vector_load_idx %arg6[%gather3A_1372] : memref<10000xf32, #tpu.memory_space<vmem>>[vector<16xi32>], vector<16xf32>,
    %add3A_1374 = arith.addf %add3A_1368, %gather3A_1373 : vector<16xf32>
    %add3A_1375 = arith.constant 1924 : i32
    %add3A_1376 = vector.broadcast %add3A_1375 : i32 to vector<16xi32>
    %add3A_1377 = arith.addi %mul3A_523, %add3A_1376 : vector<16xi32>
    %gather3A_1378 = tpu.vector_load_idx %arg8[%add3A_1377] : memref<2048xi32, #tpu.memory_space<vmem>>[vector<16xi32>], vector<16xi32>,
    %gather3A_1379 = tpu.vector_load_idx %arg6[%gather3A_1378] : memref<10000xf32, #tpu.memory_space<vmem>>[vector<16xi32>], vector<16xf32>,
    %add3A_1380 = arith.addf %add3A_1374, %gather3A_1379 : vector<16xf32>
    %add3A_1381 = arith.constant 1925 : i32
    %add3A_1382 = vector.broadcast %add3A_1381 : i32 to vector<16xi32>
    %add3A_1383 = arith.addi %mul3A_523, %add3A_1382 : vector<16xi32>
    %gather3A_1384 = tpu.vector_load_idx %arg8[%add3A_1383] : memref<2048xi32, #tpu.memory_space<vmem>>[vector<16xi32>], vector<16xi32>,
    %gather3A_1385 = tpu.vector_load_idx %arg6[%gather3A_1384] : memref<10000xf32, #tpu.memory_space<vmem>>[vector<16xi32>], vector<16xf32>,
    %add3A_1386 = arith.addf %add3A_1380, %gather3A_1385 : vector<16xf32>
    %add3A_1387 = arith.constant 1926 : i32
    %add3A_1388 = vector.broadcast %add3A_1387 : i32 to vector<16xi32>
    %add3A_1389 = arith.addi %mul3A_523, %add3A_1388 : vector<16xi32>
    %gather3A_1390 = tpu.vector_load_idx %arg8[%add3A_1389] : memref<2048xi32, #tpu.memory_space<vmem>>[vector<16xi32>], vector<16xi32>,
    %gather3A_1391 = tpu.vector_load_idx %arg6[%gather3A_1390] : memref<10000xf32, #tpu.memory_space<vmem>>[vector<16xi32>], vector<16xf32>,
    %add3A_1392 = arith.addf %add3A_1386, %gather3A_1391 : vector<16xf32>
    %add3A_1393 = arith.constant 1927 : i32
    %add3A_1394 = vector.broadcast %add3A_1393 : i32 to vector<16xi32>
    %add3A_1395 = arith.addi %mul3A_523, %add3A_1394 : vector<16xi32>
    %gather3A_1396 = tpu.vector_load_idx %arg8[%add3A_1395] : memref<2048xi32, #tpu.memory_space<vmem>>[vector<16xi32>], vector<16xi32>,
    %gather3A_1397 = tpu.vector_load_idx %arg6[%gather3A_1396] : memref<10000xf32, #tpu.memory_space<vmem>>[vector<16xi32>], vector<16xf32>,
    %add3A_1398 = arith.addf %add3A_1392, %gather3A_1397 : vector<16xf32>
    %mul3A_1399 = arith.constant 1.250000e-01 : f32
    %mul3A_1400 = vector.broadcast %mul3A_1399 : f32 to vector<16xf32>
    %mul3A_1401 = arith.mulf %add3A_1398, %mul3A_1400 : vector<16xf32>
    %swap3A_1402 = arith.constant 240 : index
    %swap3A_1403 = tpu.vector_load %arg10[%swap3A_1402] {strides = array<i32>} : memref<256xf32, #tpu.memory_space<vmem>>, vector<16xf32>,
    tpu.vector_store %arg10[%swap3A_1402], %mul3A_1401 {strides = array<i32>} : memref<256xf32, #tpu.memory_space<vmem>>, vector<16xf32>,
    %mul3A_1404 = arith.constant 256 : i32
    %mul3A_1405 = arith.muli %add3A, %mul3A_1404 : i32
    %dma_start3A_1406 = tpu.memref_slice %arg5[%mul3A_1405] : memref<16384xf32, #tpu.memory_space<hbm>> -> memref<256xf32, #tpu.memory_space<hbm>>
    %dma_start3A_1407 = tpu.memref_slice %arg5[%mul3A_1405] : memref<16384xf32, #tpu.memory_space<hbm>> -> memref<256xf32, #tpu.memory_space<hbm>>
    tpu.enqueue_dma source(%arg9 : memref<256xf32, #tpu.memory_space<vmem>>) target(%dma_start3A_1407 : memref<256xf32, #tpu.memory_space<hbm>>) target_semaphore(%arg13 : memref<!tpu.dma_semaphore, #tpu.memory_space<semaphore_mem>>)
    %mul3A_1408 = arith.constant 256 : i32
    %mul3A_1409 = arith.muli %add3A, %mul3A_1408 : i32
    %add3A_1410 = arith.constant 8192 : i32
    %add3A_1411 = arith.addi %add3A_1410, %mul3A_1409 : i32
    %dma_start3A_1412 = tpu.memref_slice %arg5[%add3A_1411] : memref<16384xf32, #tpu.memory_space<hbm>> -> memref<256xf32, #tpu.memory_space<hbm>>
    %dma_start3A_1413 = tpu.memref_slice %arg5[%add3A_1411] : memref<16384xf32, #tpu.memory_space<hbm>> -> memref<256xf32, #tpu.memory_space<hbm>>
    tpu.enqueue_dma source(%arg10 : memref<256xf32, #tpu.memory_space<vmem>>) target(%dma_start3A_1413 : memref<256xf32, #tpu.memory_space<hbm>>) target_semaphore(%arg14 : memref<!tpu.dma_semaphore, #tpu.memory_space<semaphore_mem>>)
    %dma_wait3A_1414 = tpu.memref_slice %arg5[%mul3A_1405] : memref<16384xf32, #tpu.memory_space<hbm>> -> memref<256xf32, #tpu.memory_space<hbm>>
    %dma_wait3A_1415 = tpu.memref_slice %arg5[%mul3A_1405] : memref<16384xf32, #tpu.memory_space<hbm>> -> memref<256xf32, #tpu.memory_space<hbm>>
    tpu.wait_dma2 semaphore(%arg13 : memref<!tpu.dma_semaphore, #tpu.memory_space<semaphore_mem>>) src(%arg9 : memref<256xf32, #tpu.memory_space<vmem>>) dst(%dma_wait3A_1415 : memref<256xf32, #tpu.memory_space<hbm>>)
    %dma_wait3A_1416 = tpu.memref_slice %arg5[%add3A_1411] : memref<16384xf32, #tpu.memory_space<hbm>> -> memref<256xf32, #tpu.memory_space<hbm>>
    %dma_wait3A_1417 = tpu.memref_slice %arg5[%add3A_1411] : memref<16384xf32, #tpu.memory_space<hbm>> -> memref<256xf32, #tpu.memory_space<hbm>>
    tpu.wait_dma2 semaphore(%arg14 : memref<!tpu.dma_semaphore, #tpu.memory_space<semaphore_mem>>) src(%arg10 : memref<256xf32, #tpu.memory_space<vmem>>) dst(%dma_wait3A_1417 : memref<256xf32, #tpu.memory_space<hbm>>)
    return
  }
}

module attributes {stable_mosaic.version = 14 : i64} {
  func.func @_node_scalar_body(%arg0: i32, %arg1: memref<1000x512xf32, #tpu.memory_space<vmem>>, %arg2: memref<512x512xf32, #tpu.memory_space<vmem>>, %arg3: memref<1x512xf32, #tpu.memory_space<vmem>>, %arg4: memref<512x512xf32, #tpu.memory_space<vmem>>, %arg5: memref<1x512xf32, #tpu.memory_space<vmem>>, %arg6: memref<512x512xf32, #tpu.memory_space<vmem>>, %arg7: memref<1x512xf32, #tpu.memory_space<vmem>>, %arg8: memref<512x1xf32, #tpu.memory_space<vmem>>, %arg9: memref<1x1xf32, #tpu.memory_space<vmem>>, %arg10: memref<1000x1xf32, #tpu.memory_space<vmem>>) attributes {dimension_semantics = [#tpu.dimension_semantics<arbitrary>], iteration_bounds = array<i64: 10>, scalar_prefetch = 0 : i64, scratch_operands = 0 : i64, tpu.core_type = #tpu.core_type<tc>, window_params = [{transform_indices = @transform_0, window_bounds = array<i64: 1000, 512>}, {pipeline_mode = #tpu.pipeline_mode<synchronous>, transform_indices = @transform_1, window_bounds = array<i64: 512, 512>}, {pipeline_mode = #tpu.pipeline_mode<synchronous>, transform_indices = @transform_2, window_bounds = array<i64: 1, 512>}, {pipeline_mode = #tpu.pipeline_mode<synchronous>, transform_indices = @transform_3, window_bounds = array<i64: 512, 512>}, {pipeline_mode = #tpu.pipeline_mode<synchronous>, transform_indices = @transform_4, window_bounds = array<i64: 1, 512>}, {pipeline_mode = #tpu.pipeline_mode<synchronous>, transform_indices = @transform_5, window_bounds = array<i64: 512, 512>}, {pipeline_mode = #tpu.pipeline_mode<synchronous>, transform_indices = @transform_6, window_bounds = array<i64: 1, 512>}, {pipeline_mode = #tpu.pipeline_mode<synchronous>, transform_indices = @transform_7, window_bounds = array<i64: 512, 1>}, {pipeline_mode = #tpu.pipeline_mode<synchronous>, transform_indices = @transform_8, window_bounds = array<i64: 1, 1>}, {transform_indices = @transform_9, window_bounds = array<i64: 1000, 1>}]} {
    %get3A = arith.constant 0 : index
    %get3A_0 = arith.constant 0 : index
    %get3A_1 = vector.load %arg1[%get3A, %get3A_0] : memref<1000x512xf32, #tpu.memory_space<vmem>>, vector<1000x512xf32>
    %convert_element_type3A = arith.truncf %get3A_1 : vector<1000x512xf32> to vector<1000x512xbf16>
    %get3A_2 = arith.constant 0 : index
    %get3A_3 = arith.constant 0 : index
    %get3A_4 = vector.load %arg2[%get3A_2, %get3A_3] : memref<512x512xf32, #tpu.memory_space<vmem>>, vector<512x512xf32>
    %convert_element_type3A_5 = arith.truncf %get3A_4 : vector<512x512xf32> to vector<512x512xbf16>
    %dot_general3A = arith.constant dense<0.000000e+00> : vector<1000x512xf32>
    %dot_general3A_6 = tpu.matmul %convert_element_type3A, %convert_element_type3A_5, %dot_general3A {dimension_numbers = #tpu.dot_dimension_numbers<[1], [0], [0], [1], [0, 0, 1, 1], [], []>, transpose_lhs_hint = false} : vector<1000x512xbf16>, vector<512x512xbf16>, vector<1000x512xf32> -> vector<1000x512xf32>
    %get3A_7 = arith.constant 0 : index
    %get3A_8 = arith.constant 0 : index
    %get3A_9 = vector.load %arg3[%get3A_7, %get3A_8] : memref<1x512xf32, #tpu.memory_space<vmem>>, vector<1x512xf32>
    %add3A = vector.broadcast %get3A_9 : vector<1x512xf32> to vector<1000x512xf32>
    %add3A_10 = arith.addf %dot_general3A_6, %add3A : vector<1000x512xf32>
    %max3A = arith.constant 0.000000e+00 : f32
    %max3A_11 = vector.broadcast %max3A : f32 to vector<1000x512xf32>
    %max3A_12 = arith.maximumf %add3A_10, %max3A_11 : vector<1000x512xf32>
    %convert_element_type3A_13 = arith.truncf %max3A_12 : vector<1000x512xf32> to vector<1000x512xbf16>
    %get3A_14 = arith.constant 0 : index
    %get3A_15 = arith.constant 0 : index
    %get3A_16 = vector.load %arg4[%get3A_14, %get3A_15] : memref<512x512xf32, #tpu.memory_space<vmem>>, vector<512x512xf32>
    %convert_element_type3A_17 = arith.truncf %get3A_16 : vector<512x512xf32> to vector<512x512xbf16>
    %dot_general3A_18 = arith.constant dense<0.000000e+00> : vector<1000x512xf32>
    %dot_general3A_19 = tpu.matmul %convert_element_type3A_13, %convert_element_type3A_17, %dot_general3A_18 {dimension_numbers = #tpu.dot_dimension_numbers<[1], [0], [0], [1], [0, 0, 1, 1], [], []>, transpose_lhs_hint = false} : vector<1000x512xbf16>, vector<512x512xbf16>, vector<1000x512xf32> -> vector<1000x512xf32>
    %get3A_20 = arith.constant 0 : index
    %get3A_21 = arith.constant 0 : index
    %get3A_22 = vector.load %arg5[%get3A_20, %get3A_21] : memref<1x512xf32, #tpu.memory_space<vmem>>, vector<1x512xf32>
    %add3A_23 = vector.broadcast %get3A_22 : vector<1x512xf32> to vector<1000x512xf32>
    %add3A_24 = arith.addf %dot_general3A_19, %add3A_23 : vector<1000x512xf32>
    %convert_element_type3A_25 = arith.truncf %add3A_24 : vector<1000x512xf32> to vector<1000x512xbf16>
    %get3A_26 = arith.constant 0 : index
    %get3A_27 = arith.constant 0 : index
    %get3A_28 = vector.load %arg6[%get3A_26, %get3A_27] : memref<512x512xf32, #tpu.memory_space<vmem>>, vector<512x512xf32>
    %convert_element_type3A_29 = arith.truncf %get3A_28 : vector<512x512xf32> to vector<512x512xbf16>
    %dot_general3A_30 = arith.constant dense<0.000000e+00> : vector<1000x512xf32>
    %dot_general3A_31 = tpu.matmul %convert_element_type3A_25, %convert_element_type3A_29, %dot_general3A_30 {dimension_numbers = #tpu.dot_dimension_numbers<[1], [0], [0], [1], [0, 0, 1, 1], [], []>, transpose_lhs_hint = false} : vector<1000x512xbf16>, vector<512x512xbf16>, vector<1000x512xf32> -> vector<1000x512xf32>
    %get3A_32 = arith.constant 0 : index
    %get3A_33 = arith.constant 0 : index
    %get3A_34 = vector.load %arg7[%get3A_32, %get3A_33] : memref<1x512xf32, #tpu.memory_space<vmem>>, vector<1x512xf32>
    %add3A_35 = vector.broadcast %get3A_34 : vector<1x512xf32> to vector<1000x512xf32>
    %add3A_36 = arith.addf %dot_general3A_31, %add3A_35 : vector<1000x512xf32>
    %max3A_37 = arith.constant 0.000000e+00 : f32
    %max3A_38 = vector.broadcast %max3A_37 : f32 to vector<1000x512xf32>
    %max3A_39 = arith.maximumf %add3A_36, %max3A_38 : vector<1000x512xf32>
    %get3A_40 = arith.constant 0 : index
    %get3A_41 = arith.constant 0 : index
    %get3A_42 = vector.load %arg8[%get3A_40, %get3A_41] : memref<512x1xf32, #tpu.memory_space<vmem>>, vector<512x1xf32>
    %dot_general3A_43 = arith.constant dense<0.000000e+00> : vector<1000x1xf32>
    %dot_general3A_44 = tpu.matmul %max3A_39, %get3A_42, %dot_general3A_43 {dimension_numbers = #tpu.dot_dimension_numbers<[1], [0], [0], [1], [0, 0, 1, 1], [], []>, transpose_lhs_hint = false} : vector<1000x512xf32>, vector<512x1xf32>, vector<1000x1xf32> -> vector<1000x1xf32>
    %get3A_45 = arith.constant 0 : index
    %get3A_46 = arith.constant 0 : index
    %get3A_47 = vector.load %arg9[%get3A_45, %get3A_46] : memref<1x1xf32, #tpu.memory_space<vmem>>, vector<1x1xf32>
    %add3A_48 = vector.broadcast %get3A_47 : vector<1x1xf32> to vector<1000x1xf32>
    %add3A_49 = arith.addf %dot_general3A_44, %add3A_48 : vector<1000x1xf32>
    %swap3A = arith.constant 0 : index
    %swap3A_50 = arith.constant 0 : index
    %swap3A_51 = vector.load %arg10[%swap3A, %swap3A_50] : memref<1000x1xf32, #tpu.memory_space<vmem>>, vector<1000x1xf32>
    tpu.vector_store %arg10[%swap3A, %swap3A_50], %add3A_49 {strides = array<i32>} : memref<1000x1xf32, #tpu.memory_space<vmem>>, vector<1000x1xf32>,
    return
  }
  func.func @transform_0(%arg0: i32) -> (i32, i32) {
    %c0_i32 = arith.constant 0 : i32
    %c0_i32_0 = arith.constant 0 : i32
    return %arg0, %c0_i32 : i32, i32
  }
  func.func @transform_1(%arg0: i32) -> (i32, i32) {
    %c0_i32 = arith.constant 0 : i32
    %c0_i32_0 = arith.constant 0 : i32
    %c0_i32_1 = arith.constant 0 : i32
    return %c0_i32, %c0_i32_0 : i32, i32
  }
  func.func @transform_2(%arg0: i32) -> (i32, i32) {
    %c0_i32 = arith.constant 0 : i32
    %c0_i32_0 = arith.constant 0 : i32
    %c0_i32_1 = arith.constant 0 : i32
    return %c0_i32, %c0_i32_0 : i32, i32
  }
  func.func @transform_3(%arg0: i32) -> (i32, i32) {
    %c0_i32 = arith.constant 0 : i32
    %c0_i32_0 = arith.constant 0 : i32
    %c0_i32_1 = arith.constant 0 : i32
    return %c0_i32, %c0_i32_0 : i32, i32
  }
  func.func @transform_4(%arg0: i32) -> (i32, i32) {
    %c0_i32 = arith.constant 0 : i32
    %c0_i32_0 = arith.constant 0 : i32
    %c0_i32_1 = arith.constant 0 : i32
    return %c0_i32, %c0_i32_0 : i32, i32
  }
  func.func @transform_5(%arg0: i32) -> (i32, i32) {
    %c0_i32 = arith.constant 0 : i32
    %c0_i32_0 = arith.constant 0 : i32
    %c0_i32_1 = arith.constant 0 : i32
    return %c0_i32, %c0_i32_0 : i32, i32
  }
  func.func @transform_6(%arg0: i32) -> (i32, i32) {
    %c0_i32 = arith.constant 0 : i32
    %c0_i32_0 = arith.constant 0 : i32
    %c0_i32_1 = arith.constant 0 : i32
    return %c0_i32, %c0_i32_0 : i32, i32
  }
  func.func @transform_7(%arg0: i32) -> (i32, i32) {
    %c0_i32 = arith.constant 0 : i32
    %c0_i32_0 = arith.constant 0 : i32
    %c0_i32_1 = arith.constant 0 : i32
    return %c0_i32, %c0_i32_0 : i32, i32
  }
  func.func @transform_8(%arg0: i32) -> (i32, i32) {
    %c0_i32 = arith.constant 0 : i32
    %c0_i32_0 = arith.constant 0 : i32
    %c0_i32_1 = arith.constant 0 : i32
    return %c0_i32, %c0_i32_0 : i32, i32
  }
  func.func @transform_9(%arg0: i32) -> (i32, i32) {
    %c0_i32 = arith.constant 0 : i32
    %c0_i32_0 = arith.constant 0 : i32
    return %arg0, %c0_i32 : i32, i32
  }
}

</mosaic_0001>

<sc_bundles>
// kernel: kernel.4.cloned.1.call-start
scs
__scs_entry_jumppad:
0x0: {  	(pc) =	sbr.rel $0x88, $3  }
0x1: {  	(tag) =	ssettag $0x0;
	lr =	simm.s32 $0x1  }
0x2: {  	[smem:$0x3F96] =	sst lr;
	_ =	strace $0xD0000000  }
0x3: {  	_ = 	snop  }
0x4: {  	_ = 	snop  }
0x5: {  	_ = 	snop  }
0x6: {  	_ = 	snop  }
0x7: {  	_ = 	snop  }
__scs_overlays_trampoline_lowered:
0x8: {  	[smem:$0x3FA5] =	sst s0  }
0x9: {  	[smem:$0x3FA6] =	sst s1  }
0xa: {  	[smem:$0x3FA7] =	sst s2  }
0xb: {  	[smem:$0x3FA8] =	sst s3  }
0xc: {  	[smem:$0x3FA9] =	sst s4  }
0xd: {  	[smem:$0x3FAA] =	sst s5  }
0xe: {  	[smem:$0x3FAB] =	sst s6  }
0xf: {  	[smem:$0x3FAC] =	sst s7  }
0x10: {  	[smem:$0x3FAD] =	sst s8  }
0x11: {  	[smem:$0x3FAE] =	sst s9;
	s0 =	simm.s32 @!p0 $0x0  }
0x12: {  	s1 =	sld [smem:$0x3F94];
	s0 =	simm.s32 @p0 $0x1  }
0x13: {  	[smem:$0x3FAF] =	sst s0;
	s0 =	simm.s32 @!p1 $0x0  }
0x14: {  	s2 =	sld [smem:$0x3F93];
	s0 =	simm.s32 @p1 $0x1  }
0x15: {  	[smem:$0x3FB0] =	sst s0;
	s0 =	simm.s32 @!p2 $0x0  }
0x16: {  	s3 =	sld [smem:$0x3FDB];
	s0 =	simm.s32 @p2 $0x1  }
0x17: {  	s4 =	simm.s32 $0x1BF5;
	[smem:$0x3FB2] =	sst s0  }
0x18: {  	s0 =	sld [smem:$0x3F95];
	_ =	swait.ge [sflag:s4], $0x0  }
0x19: {  	s7 =	sld [smem:$0x3F96]  }
0x1a: {  	s8 =	sadd.s32 $0xFFFFE003, lr  }
0x1b: {  	s9 =	sadd.s32 $0xFFFFFEF7, lr;
	s5 =	simm.s32 $0xFFFFFFFF;
	p2 =	slt.u32 s8, $0xFFFFF086  }
0x1c: {  	p1 =	slt.u32 s9, $0xF7A;
	s5 =	simm.s32 @!p2 $0x0  }
0x1d: {  	s5 =	simm.s32 @p1 $0x1;
	p0 =	seq.s32 s7, s2  }
0x1e: {  	s7 =	smul.u32 @!p0 $0xF7A, s2;
	p2 =	seq.s32 @!p0 s5, $0x0  }
0x1f: {  	s9 =	smul.u32 $0xF7A, s1;
	s8 =	simm.s32 @!p0 $0x1BF5;
	p2 =	por !p2, p0  }
0x20: {  	[sflag:s8] =	ssyncset.s32 @!p0 $0xFFFFF086;
	s6 =	sadd.s32 @!p0 s3, s7;
	s7 =	simm.s32 @!p0 $0x108  }
0x21: {  	s3 =	sadd.s32 s3, s9;
	s6 =	sadd.s32 @!p0 $0x88, s6;
	s7 =	simm.s32 @p2 $0x1082  }
0x22: {  	[simem:s7], [sflag:s8] =	dma.local @!p0 [hbm:s6], $0xF7A  }
0x23: {  	s9 =	sor.u32 $0xD0000000, s2;
	s6 =	simm.s32 $0x108;
	_ =	swait.ge @!p0 [sflag:s8], $0x0  }
0x24: {  	s3 =	sadd.s32 $0x88, s3;
	s6 =	simm.s32 @!p1 $0x1082;
	[sflag:s4] =	ssyncset.s32 $0xFFFFF086  }
0x25: {  	[simem:s6], [sflag:s4] =	dma.local [hbm:s3], $0xF7A  }
0x26: {  	[smem:$0x3F96] =	sst s1;
	(tag) =	ssettag s2;
	_ =	strace s9  }
0x27: {  	s1 =	sld [smem:$0x3FA6]  }
0x28: {  	s2 =	sld [smem:$0x3FA7]  }
0x29: {  	s4 =	sld [smem:$0x3FA9]  }
0x2a: {  	p0 =	seq.s32 s5, $0x0;
	s5 =	sld [smem:$0x3FAA]  }
0x2b: {  	s6 =	sld [smem:$0x3FAB]  }
0x2c: {  	s7 =	sld [smem:$0x3FAC]  }
0x2d: {  	s3 =	simm.s32 $0x108;
	s8 =	sld [smem:$0x3FAD]  }
0x2e: {  	s3 =	simm.s32 @!p0 $0x1082;
	s9 =	sld [smem:$0x3FAE]  }
0x2f: {  	lr =	sadd.s32 s0, s3;
	s0 =	sld [smem:$0x3FA5]  }
0x30: {  	s3 =	sld [smem:$0x3FA8]  }
0x31: {  	[smem:$0x3FB1] =	sst s10  }
0x32: {  	s10 =	sld [smem:$0x3FAF];
	_ =	sdelay $0x3  }
0x33: {  	p0 =	seq.s32 s10, $0x1;
	s10 =	sld [smem:$0x3FB1];
	_ =	sdelay $0x3  }
0x34: {  	[smem:$0x3FB1] =	sst s10  }
0x35: {  	s10 =	sld [smem:$0x3FB0];
	_ =	sdelay $0x3  }
0x36: {  	p1 =	seq.s32 s10, $0x1;
	s10 =	sld [smem:$0x3FB1];
	_ =	sdelay $0x3  }
0x37: {  	[smem:$0x3FB1] =	sst s10  }
0x38: {  	s10 =	sld [smem:$0x3FB2]  }
0x39: {  	_ = 	snop;
	(pc) =	sbr.ind lr, $3  }
0x3a: {  	_ = 	snop  }
0x3b: {  	_ = 	snop  }
0x3c: {  	p2 =	seq.s32 s10, $0x1;
	s10 =	sld [smem:$0x3FB1]  }
0x3d: {  	_ =	shalt  }
0x3e: {  	_ =	shalt  }
0x3f: {  	_ =	shalt  }
0x40: {  	_ =	shalt  }
0x41: {  	_ =	shalt  }
0x42: {  	_ =	shalt  }
0x43: {  	_ =	shalt  }
0x44: {  	_ =	shalt  }
0x45: {  	_ =	shalt  }
0x46: {  	_ =	shalt  }
0x47: {  	_ =	shalt  }
0x48: {  	_ =	shalt  }
0x49: {  	_ =	shalt  }
0x4a: {  	_ =	shalt  }
0x4b: {  	_ =	shalt  }
0x4c: {  	_ =	shalt  }
0x4d: {  	_ =	shalt  }
0x4e: {  	_ =	shalt  }
0x4f: {  	_ =	shalt  }
0x50: {  	_ =	shalt  }
0x51: {  	_ =	shalt  }
0x52: {  	_ =	shalt  }
0x53: {  	_ =	shalt  }
0x54: {  	_ =	shalt  }
0x55: {  	_ =	shalt  }
0x56: {  	_ =	shalt  }
0x57: {  	_ =	shalt  }
0x58: {  	_ =	shalt  }
0x59: {  	_ =	shalt  }
0x5a: {  	_ =	shalt  }
0x5b: {  	_ =	shalt  }
0x5c: {  	_ =	shalt  }
0x5d: {  	_ =	shalt  }
0x5e: {  	_ =	shalt  }
0x5f: {  	_ =	shalt  }
0x60: {  	_ =	shalt  }
0x61: {  	_ =	shalt  }
0x62: {  	_ =	shalt  }
0x63: {  	_ =	shalt  }
0x64: {  	_ =	shalt  }
0x65: {  	_ =	shalt  }
0x66: {  	_ =	shalt  }
0x67: {  	_ =	shalt  }
0x68: {  	_ =	shalt  }
0x69: {  	_ =	shalt  }
0x6a: {  	_ =	shalt  }
0x6b: {  	_ =	shalt  }
0x6c: {  	_ =	shalt  }
0x6d: {  	_ =	shalt  }
0x6e: {  	_ =	shalt  }
0x6f: {  	_ =	shalt  }
0x70: {  	_ =	shalt  }
0x71: {  	_ =	shalt  }
0x72: {  	_ =	shalt  }
0x73: {  	_ =	shalt  }
0x74: {  	_ =	shalt  }
0x75: {  	_ =	shalt  }
0x76: {  	_ =	shalt  }
0x77: {  	_ =	shalt  }
0x78: {  	_ =	shalt  }
0x79: {  	_ =	shalt  }
0x7a: {  	_ =	shalt  }
0x7b: {  	_ =	shalt  }
0x7c: {  	_ =	shalt  }
0x7d: {  	_ =	shalt  }
0x7e: {  	_ =	shalt  }
0x7f: {  	_ =	shalt  }
0x80: {  	_ =	shalt  }
0x81: {  	_ =	shalt  }
0x82: {  	_ =	shalt  }
0x83: {  	_ =	shalt  }
0x84: {  	_ =	shalt  }
0x85: {  	_ =	shalt  }
0x86: {  	_ =	shalt  }
0x87: {  	_ =	shalt  }
.Lfunc_end0:
.L_simem_size_0:
called_computation_lowered:
.L_overlay_start_0:
0x88: {  	s2 =	sld [smem:$0x3FD9]  }
0x89: {  	s3 =	sld [smem:$0x3FFE];
	_ =	sdelay $0x1  }
0x8a: {  	s1 =	srdreg.scid  }
0x8b: {  	s0 =	sand.u32 $0x1, s1  }
0x8c: {  	s17 =	sshll.u32 s0, $0xA;
	s2 =	sadd.s32 s3, s2  }
0x8d: {  	s2 =	sadd.s32 s2, s17  }
0x8e: {  	[smem:$0x3FBD] =	sst s2  }
0x8f: {  	_ = 	snop  }
0x90: {  	s2 =	sld [smem:$0x3FD0];
	(tm) =	ssettm $0x1  }
0x91: {  	s18 =	sld [smem:$0x3FFB];
	_ =	sdelay $0x3  }
0x92: {  	_ =	strace s18  }
0x93: {  	s3 =	sld [smem:$0x3FFC];
	_ =	sdelay $0x3  }
0x94: {  	_ =	strace s3  }
0x95: {  	s3 =	sld [smem:$0x3FFD];
	_ =	sdelay $0x3  }
0x96: {  	_ =	strace s3  }
0x97: {  	_ =	strace $0x8FFFFFFF  }
0x98: {  	s19 =	sld [smem:$0x3FDB];
	_ =	sdelay $0x1  }
0x99: {  	s4 =	simm.s32 $_scs_section_size  }
0x9a: {  	s5 =	simm.s32 $_size__tile_overlayer_lowered;
	s6 =	simm.s32 $_tile_overlayer_lowered  }
0x9b: {  	s22 =	simm.s32 $0x1BFF;
	s21 =	sshll.u32 s6, $0x1;
	s3 =	sadd.s32 s4, s19  }
0x9c: {  	s7 =	simm.s32 $0x0;
	s20 =	sshll.u32 s5, $0x1;
	s5 =	sadd.s32 s21, s3  }
0x9d: {  	[timem:s7], [sflag:s22] =	dma.local [hbm:s5], s20  }
0x9e: {  	_ =	swait.ge [sflag:s22], s20  }
0x9f: {  	s4 =	ssub.s32 $0x0, s20;
	[sflag:s22] =	ssyncset.done $0x0  }
0xa0: {  	[sflag:s22] =	ssyncadd.s32 s4;
	_ =	sdelay $0x1  }
0xa1: {  	s23 =	simm.s32 $0x1B8B  }
0xa2: {  	_ =	swait.ge [sflag:s23], $0x1  }
0xa3: {  	[sflag:s23] =	ssyncset.done $0x0  }
0xa4: {  	s25 =	simm.s32 $0x1B8E;
	s24 =	sld [smem:$0x3FFE];
	[sflag:s23] =	ssyncadd.s32 $0xFFFFFFFF  }
0xa5: {  	s26 =	simm.s32 $execute0_lowered;
	[smem:$0x3FD2] =	sst s25  }
0xa6: {  	s5 =	sshll.u32 s26, $0x1;
	_ =	strace $0x80000046;
	[dreg:$0x1] =	wrdreg $0xFFFFFFFF  }
0xa7: {  	s28 =	simm.s32 $_size_execute0_lowered;
	s3 =	sadd.s32 s3, s5;
	[dreg:$0x0] =	wrdreg $0x0  }
0xa8: {  	s5 =	sshll.u32 s28, $0x1;
	[dreg:$0x2] =	wrdreg s3  }
0xa9: {  	[dreg:$0x3] =	wrdreg s5  }
0xaa: {  	[dreg:$0x4] =	wrdreg $0xC0  }
0xab: {  	_ =	task [dreg:s7], $0x5FFFF  }
0xac: {  	[dreg:$0x1] =	wrdreg $0xFFFFFFFF  }
0xad: {  	[dreg:$0x0] =	wrdreg $0x60  }
0xae: {  	[dreg:$0x2] =	wrdreg s24  }
0xaf: {  	[dreg:$0x3] =	wrdreg s2  }
0xb0: {  	[dreg:$0x4] =	wrdreg $0x35100  }
0xb1: {  	[dreg:$0x5] =	wrdreg $0x9  }
0xb2: {  	_ =	task.clear_ibuf [dreg:s7], $0x6FFFF;
	_ =	strace $0x90000046  }
0xb3: {  	s29 =	simm.s32 $0x9;
	_ =	strace $0x80000048  }
0xb4: {  	_ =	swait.ge [sflag:s29], $0x1  }
0xb5: {  	[sflag:s29] =	ssyncadd.s32 $0xFFFFFFFF  }
0xb6: {  	_ =	strace $0x90000048  }
0xb7: {  	_ =	sfence  }
0xb8: {  	s30 =	sld [smem:$0x0];
	_ =	sdelay $0x2  }
0xb9: {  	s31 =	sshll.u32 s1, $0xD;
	s1 =	sshrl.u32 s1, $0x2  }
0xba: {  	s3 =	sand.u32 $0x4000, s31;
	s1 =	sadd.s32 s1, s30  }
0xbb: {  	s0 =	sor.u32 s3, s0;
	s1 =	sshll.u32 s1, $0x11  }
0xbc: {  	s0 =	sor.u32 s1, s0  }
0xbd: {  	s0 =	sadd.s32 $0x8F2B, s0  }
0xbe: {  	[sflag:s0] =	ssyncadd.remote.s32 $0x1  }
0xbf: {  	_ =	sfence.sel $0xFFFF  }
0xc0: {  	[dreg:$0x0] =	wrdreg $0xFFFFFFFF;
	(pc) =	sbr.abs _section_cstart, $3  }
0xc1: {  	[dreg:$0x1] =	wrdreg $0xFFFFFFFF  }
0xc2: {  	_ =	task.clear_ibuf [dreg:s7], $0x2FFFF;
	_ =	strace $0x9FFFFFFF  }
0xc3: {  	(tm) =	ssettm $0x7FFFFFFF  }
tec
execute0_lowered:
.L_overlay_start_1:
0x0: {  	(tag) =	ssettag $0x1  }
0x1: {  	v0 =	vlaneseq.u32  }
0x2: {  	v1 =	vmul.u32 $0x4, v0;
	_ =	sdelay $0x1  }
0x3: {  	v0 =	vor.u32 $0x1, v1;
	v10 =	vor.u32 $0x81, v1  }
0x4: {  	v11 =	vor.u32 $0x82, v1;
	v12 =	vor.u32 $0x83, v1;
	v13 =	vor.u32 $0xC0, v1  }
0x5: {  	v14 =	vor.u32 $0xC1, v1;
	v15 =	vor.u32 $0xC2, v1;
	v16 =	vor.u32 $0xC3, v1  }
0x6: {  	v17 =	vor.u32 $0x100, v1;
	v18 =	vor.u32 $0x101, v1;
	v19 =	vor.u32 $0x102, v1  }
0x7: {  	v20 =	vor.u32 $0x103, v1;
	v21 =	vor.u32 $0x140, v1;
	v22 =	vor.u32 $0x141, v1  }
0x8: {  	v23 =	vor.u32 $0x142, v1;
	v24 =	vor.u32 $0x143, v1;
	v25 =	vor.u32 $0x180, v1  }
0x9: {  	v26 =	vor.u32 $0x181, v1;
	v27 =	vor.u32 $0x182, v1;
	v28 =	vor.u32 $0x183, v1  }
0xa: {  	s4 =	rddreg [dreg:$0x0];
	v29 =	vor.u32 $0x1C0, v1;
	v30 =	vor.u32 $0x1C1, v1;
	v31 =	vor.u32 $0x1C2, v1  }
0xb: {  	s5 =	rddreg [dreg:$0x1];
	v32 =	vor.u32 $0x1C3, v1;
	v33 =	vor.u32 $0x200, v1;
	v34 =	vor.u32 $0x201, v1  }
0xc: {  	s1 =	rddreg [dreg:$0x2];
	v35 =	vor.u32 $0x202, v1;
	v36 =	vor.u32 $0x203, v1;
	v37 =	vor.u32 $0x240, v1  }
0xd: {  	s0 =	rddreg [dreg:$0x3];
	s3 =	srdreg.scid;
	v38 =	vor.u32 $0x241, v1;
	v39 =	vor.u32 $0x242, v1;
	v40 =	vor.u32 $0x243, v1  }
0xe: {  	s9 =	stileid.u32;
	s2 =	simm.s32 $0x0;
	s12 =	simm.s32 $0x1;
	v41 =	vor.u32 $0x280, v1;
	v42 =	vor.u32 $0x281, v1;
	v43 =	vor.u32 $0x282, v1  }
0xf: {  	s13 =	simm.s32 $0x2;
	s14 =	simm.s32 $0x3;
	s15 =	simm.s32 $0x3310;
	v44 =	vor.u32 $0x283, v1;
	v45 =	vor.u32 $0x2C0, v1;
	[tilespmem:$0x1FF80] =	vst v0;
	v0 =	vor.u32 $0x2, v1  }
0x10: {  	s16 =	simm.s32 $0x3410;
	s6 =	sand.u32 $0x1, s3;
	s30 =	sshll.u32 s9, $0x1;
	v46 =	vor.u32 $0x2C1, v1;
	v47 =	vor.u32 $0x2C2, v1;
	[tilespmem:$0x1FF90] =	vst v0;
	v0 =	vor.u32 $0x3, v1  }
0x11: {  	[smem:$0x7FF] =	sst s2;
	s3 =	sadd.s32 $0x3E00, s4;
	p0 =	sne.s32 s9, $0x0;
	v48 =	vor.u32 $0x2C3, v1;
	v49 =	vor.u32 $0x300, v1;
	[tilespmem:$0x1FFA0] =	vst v0;
	v0 =	vor.u32 $0x40, v1  }
0x12: {  	s9 =	simm.s32 $0x2710;
	s7 =	sor.u32 s6, s30;
	s6 =	ssub.s32 $0x2, s6;
	v50 =	vor.u32 $0x301, v1;
	v51 =	vor.u32 $0x302, v1;
	[tilespmem:$0x1FFB0] =	vst v0;
	v0 =	vor.u32 $0x41, v1  }
0x13: {  	s8 =	sshll.u32 s7, $0x7;
	s10 =	sshll.u32 s7, $0x8;
	s31 =	sshrl.u32 s6, $0x1;
	v52 =	vor.u32 $0x303, v1;
	v53 =	vor.u32 $0x340, v1;
	[tilespmem:$0x1FFC0] =	vst v0;
	v0 =	vor.u32 $0x42, v1  }
0x14: {  	s7 =	sshll.u32 s7, $0x5;
	v54 =	vor.u32 $0x341, v1;
	v55 =	vor.u32 $0x342, v1;
	s8 =	sadd.s32 s8, s4;
	s10 =	sadd.s32 s10, s4;
	[tilespmem:$0x1FFD0] =	vst v0;
	v0 =	vor.u32 $0x43, v1  }
0x15: {  	v56 =	vor.u32 $0x343, v1;
	v57 =	vor.u32 $0x380, v1;
	s11 =	ssub.s32 s6, s31;
	s5 =	sadd.s32 s5, s7;
	s4 =	sadd.s32 $0x2E00, s8;
	[tilespmem:$0x1FFE0] =	vst v0;
	v0 =	vor.u32 $0x80, v1  }
0x16: {  	v58 =	vor.u32 $0x381, v1;
	v59 =	vor.u32 $0x382, v1;
	v60 =	vor.u32 $0x383, v1;
	s6 =	sadd.s32 $0xE00, s10;
	s7 =	sadd.s32 $0x400, s5;
	s8 =	smax.u32 s11, $0x1;
	[tilespmem:$0x1FFF0] =	vst v0  }
0x17: {  	v61 =	vor.u32 $0x3C0, v1;
	v62 =	vor.u32 $0x3C1, v1;
	v63 =	vor.u32 $0x3C2, v1;
	s10 =	simm.s32 $0x2B10;
	s11 =	sshrl.u32 @!p0 s1, $0x3;
	_ =	strace $0x80000047  }
.LBB2_1:
0x18: {  	[tilespmem:s9], [sflag:$0x2] =	stream.linear.gather [hbm4b:s4+s2], $0x400, $0x38;
	[tilespmem:$0x3788] =	vst v63  }
0x19: {  	s17 =	simm.s32 @!p0 $0x1C04  }
0x1a: {  	[tilespmem:s10], [sflag:$0x3] =	stream.linear.gather [hbm4b:s6+s2], $0x800, $0x38;
	[tilespmem:$0x3788] =	vst v63  }
0x1b: {  	[spmem:s11], [sflag:s17] =	dma.local @!p0 [hbm:s3], $0x4E2  }
0x1c: {  	s17 =	simm.s32 @!p0 $0x4  }
0x1d: {  	_ =	swait.ge @!p0 [sflag:s17], $0x4E2  }
0x1e: {  	[sflag:s17] =	ssyncset.done @!p0 $0x0  }
0x1f: {  	[sflag:s17] =	ssyncadd.s32 @!p0 $0xFFFFFB1E  }
0x20: {  	[bflag:$0x0] =	sbarrier.arrive $0xFFFF  }
0x21: {  	[tilespmem:s2], [sflag:$0x1] =	stream.linear.gather [spmem:s1], $0x2710, $0x38;
	[tilespmem:$0x3788] =	vst v63  }
0x22: {  	_ =	swait.ge [sflag:s12], $0x2710  }
0x23: {  	[sflag:s12] =	ssyncset.done $0x0  }
0x24: {  	[sflag:s12] =	ssyncadd.s32 $0xFFFFD8F0  }
0x25: {  	_ =	swait.ge [sflag:s13], $0x400  }
0x26: {  	[sflag:s13] =	ssyncset.done $0x0  }
0x27: {  	[sflag:s13] =	ssyncadd.s32 $0xFFFFFC00  }
0x28: {  	_ =	swait.ge [sflag:s14], $0x800  }
0x29: {  	v2 =	vld [tilespmem:$0x1FF80];
	_ =	sdelay $0x1  }
0x2a: {  	v3 =	vld [tilespmem:$0x1FF90];
	_ =	sdelay $0x1  }
0x2b: {  	[sflag:s14] =	ssyncset.done $0x0;
	v4 =	vld [tilespmem:$0x1FFA0]  }
0x2c: {  	[sflag:s14] =	ssyncadd.s32 $0xFFFFF800  }
0x2d: {  	v0 =	vld.idx.msk [tilespmem:v1+s9+$0x0], $0xffff;
	_ =	sdelay $0x1  }
0x2e: {  	v2 =	vld.idx.msk [tilespmem:v2+s9+$0x0], $0xffff;
	_ =	sdelay $0x1  }
0x2f: {  	v3 =	vld.idx.msk [tilespmem:v3+s9+$0x0], $0xffff;
	_ =	sdelay $0x1  }
0x30: {  	v4 =	vld.idx.msk [tilespmem:v4+s9+$0x0], $0xffff;
	_ =	sdelay $0x1  }
0x31: {  	v0 =	vld.idx.msk [tilespmem:v0+s2+$0x0], $0xffff;
	_ =	sdelay $0x1  }
0x32: {  	v2 =	vld.idx.msk [tilespmem:v2+s2+$0x0], $0xffff;
	_ =	sdelay $0x1  }
0x33: {  	v3 =	vld.idx.msk [tilespmem:v3+s2+$0x0], $0xffff  }
0x34: {  	v0 =	vadd.f32 $0.0e+00, v0  }
0x35: {  	v4 =	vld.idx.msk [tilespmem:v4+s2+$0x0], $0xffff  }
0x36: {  	v0 =	vadd.f32 v2, v0;
	_ =	sdelay $0x1  }
0x37: {  	v0 =	vadd.f32 v3, v0;
	_ =	sdelay $0x1  }
0x38: {  	v0 =	vadd.f32 v4, v0;
	_ =	sdelay $0x1  }
0x39: {  	v0 =	vmul.f32 $2.500000000e-01, v0;
	_ =	sdelay $0x1  }
0x3a: {  	[tilespmem:$0x3310] =	vst v0;
	v0 =	vld [tilespmem:$0x1FFB0];
	_ =	sdelay $0x1  }
0x3b: {  	v2 =	vld [tilespmem:$0x1FFC0];
	_ =	sdelay $0x1  }
0x3c: {  	v3 =	vld [tilespmem:$0x1FFD0];
	_ =	sdelay $0x1  }
0x3d: {  	v4 =	vld [tilespmem:$0x1FFE0];
	_ =	sdelay $0x1  }
0x3e: {  	v0 =	vld.idx.msk [tilespmem:v0+s9+$0x0], $0xffff;
	_ =	sdelay $0x1  }
0x3f: {  	v2 =	vld.idx.msk [tilespmem:v2+s9+$0x0], $0xffff;
	_ =	sdelay $0x1  }
0x40: {  	v3 =	vld.idx.msk [tilespmem:v3+s9+$0x0], $0xffff;
	_ =	sdelay $0x1  }
0x41: {  	v4 =	vld.idx.msk [tilespmem:v4+s9+$0x0], $0xffff;
	_ =	sdelay $0x1  }
0x42: {  	v0 =	vld.idx.msk [tilespmem:v0+s2+$0x0], $0xffff;
	_ =	sdelay $0x1  }
0x43: {  	v2 =	vld.idx.msk [tilespmem:v2+s2+$0x0], $0xffff;
	_ =	sdelay $0x1  }
0x44: {  	v3 =	vld.idx.msk [tilespmem:v3+s2+$0x0], $0xffff  }
0x45: {  	v0 =	vadd.f32 $0.0e+00, v0  }
0x46: {  	v4 =	vld.idx.msk [tilespmem:v4+s2+$0x0], $0xffff  }
0x47: {  	v0 =	vadd.f32 v2, v0;
	_ =	sdelay $0x1  }
0x48: {  	v0 =	vadd.f32 v3, v0;
	_ =	sdelay $0x1  }
0x49: {  	v0 =	vadd.f32 v4, v0;
	_ =	sdelay $0x1  }
0x4a: {  	v0 =	vmul.f32 $2.500000000e-01, v0;
	_ =	sdelay $0x1  }
0x4b: {  	[tilespmem:$0x3320] =	vst v0;
	v0 =	vld [tilespmem:$0x1FFF0];
	_ =	sdelay $0x7  }
0x4c: {  	v0 =	vld.idx.msk [tilespmem:v0+s9+$0x0], $0xffff;
	_ =	sdelay $0x1  }
0x4d: {  	v2 =	vld.idx.msk [tilespmem:v10+s9+$0x0], $0xffff;
	_ =	sdelay $0x1  }
0x4e: {  	v3 =	vld.idx.msk [tilespmem:v11+s9+$0x0], $0xffff;
	_ =	sdelay $0x1  }
0x4f: {  	v4 =	vld.idx.msk [tilespmem:v12+s9+$0x0], $0xffff;
	_ =	sdelay $0x1  }
0x50: {  	v0 =	vld.idx.msk [tilespmem:v0+s2+$0x0], $0xffff;
	_ =	sdelay $0x1  }
0x51: {  	v2 =	vld.idx.msk [tilespmem:v2+s2+$0x0], $0xffff;
	_ =	sdelay $0x1  }
0x52: {  	v3 =	vld.idx.msk [tilespmem:v3+s2+$0x0], $0xffff  }
0x53: {  	v0 =	vadd.f32 $0.0e+00, v0  }
0x54: {  	v4 =	vld.idx.msk [tilespmem:v4+s2+$0x0], $0xffff  }
0x55: {  	v0 =	vadd.f32 v2, v0;
	_ =	sdelay $0x1  }
0x56: {  	v0 =	vadd.f32 v3, v0;
	_ =	sdelay $0x1  }
0x57: {  	v0 =	vadd.f32 v4, v0;
	_ =	sdelay $0x1  }
0x58: {  	v0 =	vmul.f32 $2.500000000e-01, v0;
	_ =	sdelay $0x1  }
0x59: {  	[tilespmem:$0x3330] =	vst v0  }
0x5a: {  	v0 =	vld.idx.msk [tilespmem:v13+s9+$0x0], $0xffff;
	_ =	sdelay $0x1  }
0x5b: {  	v2 =	vld.idx.msk [tilespmem:v14+s9+$0x0], $0xffff;
	_ =	sdelay $0x1  }
0x5c: {  	v3 =	vld.idx.msk [tilespmem:v15+s9+$0x0], $0xffff;
	_ =	sdelay $0x1  }
0x5d: {  	v4 =	vld.idx.msk [tilespmem:v16+s9+$0x0], $0xffff;
	_ =	sdelay $0x1  }
0x5e: {  	v0 =	vld.idx.msk [tilespmem:v0+s2+$0x0], $0xffff;
	_ =	sdelay $0x1  }
0x5f: {  	v2 =	vld.idx.msk [tilespmem:v2+s2+$0x0], $0xffff;
	_ =	sdelay $0x1  }
0x60: {  	v3 =	vld.idx.msk [tilespmem:v3+s2+$0x0], $0xffff  }
0x61: {  	v0 =	vadd.f32 $0.0e+00, v0  }
0x62: {  	v4 =	vld.idx.msk [tilespmem:v4+s2+$0x0], $0xffff  }
0x63: {  	v0 =	vadd.f32 v2, v0;
	_ =	sdelay $0x1  }
0x64: {  	v0 =	vadd.f32 v3, v0;
	_ =	sdelay $0x1  }
0x65: {  	v0 =	vadd.f32 v4, v0;
	_ =	sdelay $0x1  }
0x66: {  	v0 =	vmul.f32 $2.500000000e-01, v0;
	_ =	sdelay $0x1  }
0x67: {  	[tilespmem:$0x3340] =	vst v0  }
0x68: {  	v0 =	vld.idx.msk [tilespmem:v17+s9+$0x0], $0xffff;
	_ =	sdelay $0x1  }
0x69: {  	v2 =	vld.idx.msk [tilespmem:v18+s9+$0x0], $0xffff;
	_ =	sdelay $0x1  }
0x6a: {  	v3 =	vld.idx.msk [tilespmem:v19+s9+$0x0], $0xffff;
	_ =	sdelay $0x1  }
0x6b: {  	v4 =	vld.idx.msk [tilespmem:v20+s9+$0x0], $0xffff;
	_ =	sdelay $0x1  }
0x6c: {  	v0 =	vld.idx.msk [tilespmem:v0+s2+$0x0], $0xffff;
	_ =	sdelay $0x1  }
0x6d: {  	v2 =	vld.idx.msk [tilespmem:v2+s2+$0x0], $0xffff;
	_ =	sdelay $0x1  }
0x6e: {  	v3 =	vld.idx.msk [tilespmem:v3+s2+$0x0], $0xffff  }
0x6f: {  	v0 =	vadd.f32 $0.0e+00, v0  }
0x70: {  	v4 =	vld.idx.msk [tilespmem:v4+s2+$0x0], $0xffff  }
0x71: {  	v0 =	vadd.f32 v2, v0;
	_ =	sdelay $0x1  }
0x72: {  	v0 =	vadd.f32 v3, v0;
	_ =	sdelay $0x1  }
0x73: {  	v0 =	vadd.f32 v4, v0;
	_ =	sdelay $0x1  }
0x74: {  	v0 =	vmul.f32 $2.500000000e-01, v0;
	_ =	sdelay $0x1  }
0x75: {  	[tilespmem:$0x3350] =	vst v0  }
0x76: {  	v0 =	vld.idx.msk [tilespmem:v21+s9+$0x0], $0xffff;
	_ =	sdelay $0x1  }
0x77: {  	v2 =	vld.idx.msk [tilespmem:v22+s9+$0x0], $0xffff;
	_ =	sdelay $0x1  }
0x78: {  	v3 =	vld.idx.msk [tilespmem:v23+s9+$0x0], $0xffff;
	_ =	sdelay $0x1  }
0x79: {  	v4 =	vld.idx.msk [tilespmem:v24+s9+$0x0], $0xffff;
	_ =	sdelay $0x1  }
0x7a: {  	v0 =	vld.idx.msk [tilespmem:v0+s2+$0x0], $0xffff;
	_ =	sdelay $0x1  }
0x7b: {  	v2 =	vld.idx.msk [tilespmem:v2+s2+$0x0], $0xffff;
	_ =	sdelay $0x1  }
0x7c: {  	v3 =	vld.idx.msk [tilespmem:v3+s2+$0x0], $0xffff  }
0x7d: {  	v0 =	vadd.f32 $0.0e+00, v0  }
0x7e: {  	v4 =	vld.idx.msk [tilespmem:v4+s2+$0x0], $0xffff  }
0x7f: {  	v0 =	vadd.f32 v2, v0;
	_ =	sdelay $0x1  }
0x80: {  	v0 =	vadd.f32 v3, v0;
	_ =	sdelay $0x1  }
0x81: {  	v0 =	vadd.f32 v4, v0;
	_ =	sdelay $0x1  }
0x82: {  	v0 =	vmul.f32 $2.500000000e-01, v0;
	_ =	sdelay $0x1  }
0x83: {  	[tilespmem:$0x3360] =	vst v0  }
0x84: {  	v0 =	vld.idx.msk [tilespmem:v25+s9+$0x0], $0xffff;
	_ =	sdelay $0x1  }
0x85: {  	v2 =	vld.idx.msk [tilespmem:v26+s9+$0x0], $0xffff;
	_ =	sdelay $0x1  }
0x86: {  	v3 =	vld.idx.msk [tilespmem:v27+s9+$0x0], $0xffff;
	_ =	sdelay $0x1  }
0x87: {  	v4 =	vld.idx.msk [tilespmem:v28+s9+$0x0], $0xffff;
	_ =	sdelay $0x1  }
0x88: {  	v0 =	vld.idx.msk [tilespmem:v0+s2+$0x0], $0xffff;
	_ =	sdelay $0x1  }
0x89: {  	v2 =	vld.idx.msk [tilespmem:v2+s2+$0x0], $0xffff;
	_ =	sdelay $0x1  }
0x8a: {  	v3 =	vld.idx.msk [tilespmem:v3+s2+$0x0], $0xffff  }
0x8b: {  	v0 =	vadd.f32 $0.0e+00, v0  }
0x8c: {  	v4 =	vld.idx.msk [tilespmem:v4+s2+$0x0], $0xffff  }
0x8d: {  	v0 =	vadd.f32 v2, v0;
	_ =	sdelay $0x1  }
0x8e: {  	v0 =	vadd.f32 v3, v0;
	_ =	sdelay $0x1  }
0x8f: {  	v0 =	vadd.f32 v4, v0;
	_ =	sdelay $0x1  }
0x90: {  	v0 =	vmul.f32 $2.500000000e-01, v0;
	_ =	sdelay $0x1  }
0x91: {  	[tilespmem:$0x3370] =	vst v0  }
0x92: {  	v0 =	vld.idx.msk [tilespmem:v29+s9+$0x0], $0xffff;
	_ =	sdelay $0x1  }
0x93: {  	v2 =	vld.idx.msk [tilespmem:v30+s9+$0x0], $0xffff;
	_ =	sdelay $0x1  }
0x94: {  	v3 =	vld.idx.msk [tilespmem:v31+s9+$0x0], $0xffff;
	_ =	sdelay $0x1  }
0x95: {  	v4 =	vld.idx.msk [tilespmem:v32+s9+$0x0], $0xffff;
	_ =	sdelay $0x1  }
0x96: {  	v0 =	vld.idx.msk [tilespmem:v0+s2+$0x0], $0xffff;
	_ =	sdelay $0x1  }
0x97: {  	v2 =	vld.idx.msk [tilespmem:v2+s2+$0x0], $0xffff;
	_ =	sdelay $0x1  }
0x98: {  	v3 =	vld.idx.msk [tilespmem:v3+s2+$0x0], $0xffff  }
0x99: {  	v0 =	vadd.f32 $0.0e+00, v0  }
0x9a: {  	v4 =	vld.idx.msk [tilespmem:v4+s2+$0x0], $0xffff  }
0x9b: {  	v0 =	vadd.f32 v2, v0;
	_ =	sdelay $0x1  }
0x9c: {  	v0 =	vadd.f32 v3, v0;
	_ =	sdelay $0x1  }
0x9d: {  	v0 =	vadd.f32 v4, v0;
	_ =	sdelay $0x1  }
0x9e: {  	v0 =	vmul.f32 $2.500000000e-01, v0;
	_ =	sdelay $0x1  }
0x9f: {  	[tilespmem:$0x3380] =	vst v0  }
0xa0: {  	v0 =	vld.idx.msk [tilespmem:v33+s9+$0x0], $0xffff;
	_ =	sdelay $0x1  }
0xa1: {  	v2 =	vld.idx.msk [tilespmem:v34+s9+$0x0], $0xffff;
	_ =	sdelay $0x1  }
0xa2: {  	v3 =	vld.idx.msk [tilespmem:v35+s9+$0x0], $0xffff;
	_ =	sdelay $0x1  }
0xa3: {  	v4 =	vld.idx.msk [tilespmem:v36+s9+$0x0], $0xffff;
	_ =	sdelay $0x1  }
0xa4: {  	v0 =	vld.idx.msk [tilespmem:v0+s2+$0x0], $0xffff;
	_ =	sdelay $0x1  }
0xa5: {  	v2 =	vld.idx.msk [tilespmem:v2+s2+$0x0], $0xffff;
	_ =	sdelay $0x1  }
0xa6: {  	v3 =	vld.idx.msk [tilespmem:v3+s2+$0x0], $0xffff  }
0xa7: {  	v0 =	vadd.f32 $0.0e+00, v0  }
0xa8: {  	v4 =	vld.idx.msk [tilespmem:v4+s2+$0x0], $0xffff  }
0xa9: {  	v0 =	vadd.f32 v2, v0;
	_ =	sdelay $0x1  }
0xaa: {  	v0 =	vadd.f32 v3, v0;
	_ =	sdelay $0x1  }
0xab: {  	v0 =	vadd.f32 v4, v0;
	_ =	sdelay $0x1  }
0xac: {  	v0 =	vmul.f32 $2.500000000e-01, v0;
	_ =	sdelay $0x1  }
0xad: {  	[tilespmem:$0x3390] =	vst v0  }
0xae: {  	v0 =	vld.idx.msk [tilespmem:v37+s9+$0x0], $0xffff;
	_ =	sdelay $0x1  }
0xaf: {  	v2 =	vld.idx.msk [tilespmem:v38+s9+$0x0], $0xffff;
	_ =	sdelay $0x1  }
0xb0: {  	v3 =	vld.idx.msk [tilespmem:v39+s9+$0x0], $0xffff;
	_ =	sdelay $0x1  }
0xb1: {  	v4 =	vld.idx.msk [tilespmem:v40+s9+$0x0], $0xffff;
	_ =	sdelay $0x1  }
0xb2: {  	v0 =	vld.idx.msk [tilespmem:v0+s2+$0x0], $0xffff;
	_ =	sdelay $0x1  }
0xb3: {  	v2 =	vld.idx.msk [tilespmem:v2+s2+$0x0], $0xffff;
	_ =	sdelay $0x1  }
0xb4: {  	v3 =	vld.idx.msk [tilespmem:v3+s2+$0x0], $0xffff  }
0xb5: {  	v0 =	vadd.f32 $0.0e+00, v0  }
0xb6: {  	v4 =	vld.idx.msk [tilespmem:v4+s2+$0x0], $0xffff  }
0xb7: {  	v0 =	vadd.f32 v2, v0;
	_ =	sdelay $0x1  }
0xb8: {  	v0 =	vadd.f32 v3, v0;
	_ =	sdelay $0x1  }
0xb9: {  	v0 =	vadd.f32 v4, v0;
	_ =	sdelay $0x1  }
0xba: {  	v0 =	vmul.f32 $2.500000000e-01, v0;
	_ =	sdelay $0x1  }
0xbb: {  	[tilespmem:$0x33A0] =	vst v0  }
0xbc: {  	v0 =	vld.idx.msk [tilespmem:v41+s9+$0x0], $0xffff;
	_ =	sdelay $0x1  }
0xbd: {  	v2 =	vld.idx.msk [tilespmem:v42+s9+$0x0], $0xffff;
	_ =	sdelay $0x1  }
0xbe: {  	v3 =	vld.idx.msk [tilespmem:v43+s9+$0x0], $0xffff;
	_ =	sdelay $0x1  }
0xbf: {  	v4 =	vld.idx.msk [tilespmem:v44+s9+$0x0], $0xffff;
	_ =	sdelay $0x1  }
0xc0: {  	v0 =	vld.idx.msk [tilespmem:v0+s2+$0x0], $0xffff;
	_ =	sdelay $0x1  }
0xc1: {  	v2 =	vld.idx.msk [tilespmem:v2+s2+$0x0], $0xffff;
	_ =	sdelay $0x1  }
0xc2: {  	v3 =	vld.idx.msk [tilespmem:v3+s2+$0x0], $0xffff  }
0xc3: {  	v0 =	vadd.f32 $0.0e+00, v0  }
0xc4: {  	v4 =	vld.idx.msk [tilespmem:v4+s2+$0x0], $0xffff  }
0xc5: {  	v0 =	vadd.f32 v2, v0;
	_ =	sdelay $0x1  }
0xc6: {  	v0 =	vadd.f32 v3, v0;
	_ =	sdelay $0x1  }
0xc7: {  	v0 =	vadd.f32 v4, v0;
	_ =	sdelay $0x1  }
0xc8: {  	v0 =	vmul.f32 $2.500000000e-01, v0;
	_ =	sdelay $0x1  }
0xc9: {  	[tilespmem:$0x33B0] =	vst v0  }
0xca: {  	v0 =	vld.idx.msk [tilespmem:v45+s9+$0x0], $0xffff;
	_ =	sdelay $0x1  }
0xcb: {  	v2 =	vld.idx.msk [tilespmem:v46+s9+$0x0], $0xffff;
	_ =	sdelay $0x1  }
0xcc: {  	v3 =	vld.idx.msk [tilespmem:v47+s9+$0x0], $0xffff;
	_ =	sdelay $0x1  }
0xcd: {  	v4 =	vld.idx.msk [tilespmem:v48+s9+$0x0], $0xffff;
	_ =	sdelay $0x1  }
0xce: {  	v0 =	vld.idx.msk [tilespmem:v0+s2+$0x0], $0xffff;
	_ =	sdelay $0x1  }
0xcf: {  	v2 =	vld.idx.msk [tilespmem:v2+s2+$0x0], $0xffff;
	_ =	sdelay $0x1  }
0xd0: {  	v3 =	vld.idx.msk [tilespmem:v3+s2+$0x0], $0xffff  }
0xd1: {  	v0 =	vadd.f32 $0.0e+00, v0  }
0xd2: {  	v4 =	vld.idx.msk [tilespmem:v4+s2+$0x0], $0xffff  }
0xd3: {  	v0 =	vadd.f32 v2, v0;
	_ =	sdelay $0x1  }
0xd4: {  	v0 =	vadd.f32 v3, v0;
	_ =	sdelay $0x1  }
0xd5: {  	v0 =	vadd.f32 v4, v0;
	_ =	sdelay $0x1  }
0xd6: {  	v0 =	vmul.f32 $2.500000000e-01, v0;
	_ =	sdelay $0x1  }
0xd7: {  	[tilespmem:$0x33C0] =	vst v0  }
0xd8: {  	v0 =	vld.idx.msk [tilespmem:v49+s9+$0x0], $0xffff;
	_ =	sdelay $0x1  }
0xd9: {  	v2 =	vld.idx.msk [tilespmem:v50+s9+$0x0], $0xffff;
	_ =	sdelay $0x1  }
0xda: {  	v3 =	vld.idx.msk [tilespmem:v51+s9+$0x0], $0xffff;
	_ =	sdelay $0x1  }
0xdb: {  	v4 =	vld.idx.msk [tilespmem:v52+s9+$0x0], $0xffff;
	_ =	sdelay $0x1  }
0xdc: {  	v0 =	vld.idx.msk [tilespmem:v0+s2+$0x0], $0xffff;
	_ =	sdelay $0x1  }
0xdd: {  	v2 =	vld.idx.msk [tilespmem:v2+s2+$0x0], $0xffff;
	_ =	sdelay $0x1  }
0xde: {  	v3 =	vld.idx.msk [tilespmem:v3+s2+$0x0], $0xffff  }
0xdf: {  	v0 =	vadd.f32 $0.0e+00, v0  }
0xe0: {  	v4 =	vld.idx.msk [tilespmem:v4+s2+$0x0], $0xffff  }
0xe1: {  	v0 =	vadd.f32 v2, v0;
	_ =	sdelay $0x1  }
0xe2: {  	v0 =	vadd.f32 v3, v0;
	_ =	sdelay $0x1  }
0xe3: {  	v0 =	vadd.f32 v4, v0;
	_ =	sdelay $0x1  }
0xe4: {  	v0 =	vmul.f32 $2.500000000e-01, v0;
	_ =	sdelay $0x1  }
0xe5: {  	[tilespmem:$0x33D0] =	vst v0  }
0xe6: {  	v0 =	vld.idx.msk [tilespmem:v53+s9+$0x0], $0xffff;
	_ =	sdelay $0x1  }
0xe7: {  	v2 =	vld.idx.msk [tilespmem:v54+s9+$0x0], $0xffff;
	_ =	sdelay $0x1  }
0xe8: {  	v3 =	vld.idx.msk [tilespmem:v55+s9+$0x0], $0xffff;
	_ =	sdelay $0x1  }
0xe9: {  	v4 =	vld.idx.msk [tilespmem:v56+s9+$0x0], $0xffff;
	_ =	sdelay $0x1  }
0xea: {  	v0 =	vld.idx.msk [tilespmem:v0+s2+$0x0], $0xffff;
	_ =	sdelay $0x1  }
0xeb: {  	v2 =	vld.idx.msk [tilespmem:v2+s2+$0x0], $0xffff;
	_ =	sdelay $0x1  }
0xec: {  	v3 =	vld.idx.msk [tilespmem:v3+s2+$0x0], $0xffff  }
0xed: {  	v0 =	vadd.f32 $0.0e+00, v0  }
0xee: {  	v4 =	vld.idx.msk [tilespmem:v4+s2+$0x0], $0xffff  }
0xef: {  	v0 =	vadd.f32 v2, v0;
	_ =	sdelay $0x1  }
0xf0: {  	v0 =	vadd.f32 v3, v0;
	_ =	sdelay $0x1  }
0xf1: {  	v0 =	vadd.f32 v4, v0;
	_ =	sdelay $0x1  }
0xf2: {  	v0 =	vmul.f32 $2.500000000e-01, v0;
	_ =	sdelay $0x1  }
0xf3: {  	[tilespmem:$0x33E0] =	vst v0  }
0xf4: {  	v0 =	vld.idx.msk [tilespmem:v57+s9+$0x0], $0xffff;
	_ =	sdelay $0x1  }
0xf5: {  	v2 =	vld.idx.msk [tilespmem:v58+s9+$0x0], $0xffff;
	_ =	sdelay $0x1  }
0xf6: {  	v3 =	vld.idx.msk [tilespmem:v59+s9+$0x0], $0xffff;
	_ =	sdelay $0x1  }
0xf7: {  	v4 =	vld.idx.msk [tilespmem:v60+s9+$0x0], $0xffff;
	_ =	sdelay $0x1  }
0xf8: {  	v0 =	vld.idx.msk [tilespmem:v0+s2+$0x0], $0xffff;
	_ =	sdelay $0x1  }
0xf9: {  	v2 =	vld.idx.msk [tilespmem:v2+s2+$0x0], $0xffff;
	_ =	sdelay $0x1  }
0xfa: {  	v3 =	vld.idx.msk [tilespmem:v3+s2+$0x0], $0xffff  }
0xfb: {  	v0 =	vadd.f32 $0.0e+00, v0  }
0xfc: {  	v4 =	vld.idx.msk [tilespmem:v4+s2+$0x0], $0xffff  }
0xfd: {  	v0 =	vadd.f32 v2, v0;
	_ =	sdelay $0x1  }
0xfe: {  	v0 =	vadd.f32 v3, v0;
	_ =	sdelay $0x1  }
0xff: {  	v0 =	vadd.f32 v4, v0;
	_ =	sdelay $0x1  }
0x100: {  	v0 =	vmul.f32 $2.500000000e-01, v0;
	_ =	sdelay $0x1  }
0x101: {  	[tilespmem:$0x33F0] =	vst v0  }
0x102: {  	v0 =	vld.idx.msk [tilespmem:v61+s9+$0x0], $0xffff  }
0x103: {  	v2 =	vor.u32 $0x3C3, v1  }
0x104: {  	v3 =	vld.idx.msk [tilespmem:v62+s9+$0x0], $0xffff;
	_ =	sdelay $0x1  }
0x105: {  	v4 =	vld.idx.msk [tilespmem:v63+s9+$0x0], $0xffff;
	_ =	sdelay $0x1  }
0x106: {  	v2 =	vld.idx.msk [tilespmem:v2+s9+$0x0], $0xffff;
	_ =	sdelay $0x1  }
0x107: {  	v0 =	vld.idx.msk [tilespmem:v0+s2+$0x0], $0xffff;
	_ =	sdelay $0x1  }
0x108: {  	v3 =	vld.idx.msk [tilespmem:v3+s2+$0x0], $0xffff;
	_ =	sdelay $0x1  }
0x109: {  	v4 =	vld.idx.msk [tilespmem:v4+s2+$0x0], $0xffff  }
0x10a: {  	v0 =	vadd.f32 $0.0e+00, v0  }
0x10b: {  	v2 =	vld.idx.msk [tilespmem:v2+s2+$0x0], $0xffff  }
0x10c: {  	v0 =	vadd.f32 v3, v0;
	_ =	sdelay $0x1  }
0x10d: {  	v3 =	vadd.f32 v4, v0;
	v0 =	vlaneseq.u32  }
0x10e: {  	v0 =	vmul.u32 $0x8, v0  }
0x10f: {  	v2 =	vadd.f32 v2, v3;
	_ =	sdelay $0x1  }
0x110: {  	v3 =	vor.u32 $0x1, v0;
	v2 =	vmul.f32 $2.500000000e-01, v2;
	_ =	sdelay $0x1  }
0x111: {  	[tilespmem:$0x3400] =	vst v2;
	v2 =	vor.u32 $0x2, v0  }
0x112: {  	v4 =	vld.idx.msk [tilespmem:v0+s10+$0x0], $0xffff  }
0x113: {  	v5 =	vor.u32 $0x3, v0  }
0x114: {  	v6 =	vor.u32 $0x4, v0;
	v3 =	vld.idx.msk [tilespmem:v3+s10+$0x0], $0xffff;
	_ =	sdelay $0x1  }
0x115: {  	v7 =	vor.u32 $0x5, v0;
	v2 =	vld.idx.msk [tilespmem:v2+s10+$0x0], $0xffff;
	_ =	sdelay $0x1  }
0x116: {  	v8 =	vor.u32 $0x6, v0;
	v5 =	vld.idx.msk [tilespmem:v5+s10+$0x0], $0xffff  }
0x117: {  	v6 =	vld.idx.msk [tilespmem:v6+s10+$0x0], $0xffff  }
0x118: {  	v9 =	vor.u32 $0x7, v0;
	v4 =	vld.idx.msk [tilespmem:v4+s2+$0x0], $0xffff  }
0x119: {  	v7 =	vld.idx.msk [tilespmem:v7+s10+$0x0], $0xffff  }
0x11a: {  	v3 =	vld.idx.msk [tilespmem:v3+s2+$0x0], $0xffff  }
0x11b: {  	v8 =	vld.idx.msk [tilespmem:v8+s10+$0x0], $0xffff  }
0x11c: {  	v2 =	vld.idx.msk [tilespmem:v2+s2+$0x0], $0xffff  }
0x11d: {  	v9 =	vld.idx.msk [tilespmem:v9+s10+$0x0], $0xffff;
	v4 =	vadd.f32 $0.0e+00, v4  }
0x11e: {  	v5 =	vld.idx.msk [tilespmem:v5+s2+$0x0], $0xffff  }
0x11f: {  	v3 =	vadd.f32 v3, v4  }
0x120: {  	v4 =	vld.idx.msk [tilespmem:v6+s2+$0x0], $0xffff  }
0x121: {  	v2 =	vadd.f32 v2, v3  }
0x122: {  	v3 =	vld.idx.msk [tilespmem:v7+s2+$0x0], $0xffff  }
0x123: {  	v2 =	vadd.f32 v5, v2  }
0x124: {  	v5 =	vld.idx.msk [tilespmem:v8+s2+$0x0], $0xffff  }
0x125: {  	v2 =	vadd.f32 v4, v2  }
0x126: {  	v4 =	vld.idx.msk [tilespmem:v9+s2+$0x0], $0xffff  }
0x127: {  	v2 =	vadd.f32 v3, v2;
	_ =	sdelay $0x1  }
0x128: {  	v2 =	vadd.f32 v5, v2;
	_ =	sdelay $0x1  }
0x129: {  	v3 =	vor.u32 $0x80, v0;
	v2 =	vadd.f32 v4, v2;
	_ =	sdelay $0x1  }
0x12a: {  	v4 =	vor.u32 $0x81, v0;
	v2 =	vmul.f32 $1.250000000e-01, v2;
	_ =	sdelay $0x1  }
0x12b: {  	[tilespmem:$0x3410] =	vst v2;
	v2 =	vor.u32 $0x82, v0  }
0x12c: {  	v3 =	vld.idx.msk [tilespmem:v3+s10+$0x0], $0xffff  }
0x12d: {  	v5 =	vor.u32 $0x83, v0  }
0x12e: {  	v6 =	vor.u32 $0x84, v0;
	v4 =	vld.idx.msk [tilespmem:v4+s10+$0x0], $0xffff;
	_ =	sdelay $0x1  }
0x12f: {  	v7 =	vor.u32 $0x85, v0;
	v2 =	vld.idx.msk [tilespmem:v2+s10+$0x0], $0xffff;
	_ =	sdelay $0x1  }
0x130: {  	v8 =	vor.u32 $0x86, v0;
	v5 =	vld.idx.msk [tilespmem:v5+s10+$0x0], $0xffff  }
0x131: {  	v6 =	vld.idx.msk [tilespmem:v6+s10+$0x0], $0xffff  }
0x132: {  	v9 =	vor.u32 $0x87, v0;
	v3 =	vld.idx.msk [tilespmem:v3+s2+$0x0], $0xffff  }
0x133: {  	v7 =	vld.idx.msk [tilespmem:v7+s10+$0x0], $0xffff  }
0x134: {  	v4 =	vld.idx.msk [tilespmem:v4+s2+$0x0], $0xffff  }
0x135: {  	v8 =	vld.idx.msk [tilespmem:v8+s10+$0x0], $0xffff  }
0x136: {  	v2 =	vld.idx.msk [tilespmem:v2+s2+$0x0], $0xffff  }
0x137: {  	v9 =	vld.idx.msk [tilespmem:v9+s10+$0x0], $0xffff;
	v3 =	vadd.f32 $0.0e+00, v3  }
0x138: {  	v5 =	vld.idx.msk [tilespmem:v5+s2+$0x0], $0xffff  }
0x139: {  	v3 =	vadd.f32 v4, v3  }
0x13a: {  	v4 =	vld.idx.msk [tilespmem:v6+s2+$0x0], $0xffff  }
0x13b: {  	v2 =	vadd.f32 v2, v3  }
0x13c: {  	v3 =	vld.idx.msk [tilespmem:v7+s2+$0x0], $0xffff  }
0x13d: {  	v2 =	vadd.f32 v5, v2  }
0x13e: {  	v5 =	vld.idx.msk [tilespmem:v8+s2+$0x0], $0xffff  }
0x13f: {  	v2 =	vadd.f32 v4, v2  }
0x140: {  	v4 =	vld.idx.msk [tilespmem:v9+s2+$0x0], $0xffff  }
0x141: {  	v2 =	vadd.f32 v3, v2;
	_ =	sdelay $0x1  }
0x142: {  	v2 =	vadd.f32 v5, v2;
	_ =	sdelay $0x1  }
0x143: {  	v3 =	vor.u32 $0x100, v0;
	v2 =	vadd.f32 v4, v2;
	_ =	sdelay $0x1  }
0x144: {  	v4 =	vor.u32 $0x101, v0;
	v2 =	vmul.f32 $1.250000000e-01, v2;
	_ =	sdelay $0x1  }
0x145: {  	[tilespmem:$0x3420] =	vst v2;
	v2 =	vor.u32 $0x102, v0  }
0x146: {  	v3 =	vld.idx.msk [tilespmem:v3+s10+$0x0], $0xffff  }
0x147: {  	v5 =	vor.u32 $0x103, v0  }
0x148: {  	v6 =	vor.u32 $0x104, v0;
	v4 =	vld.idx.msk [tilespmem:v4+s10+$0x0], $0xffff;
	_ =	sdelay $0x1  }
0x149: {  	v7 =	vor.u32 $0x105, v0;
	v2 =	vld.idx.msk [tilespmem:v2+s10+$0x0], $0xffff;
	_ =	sdelay $0x1  }
0x14a: {  	v8 =	vor.u32 $0x106, v0;
	v5 =	vld.idx.msk [tilespmem:v5+s10+$0x0], $0xffff  }
0x14b: {  	v6 =	vld.idx.msk [tilespmem:v6+s10+$0x0], $0xffff  }
0x14c: {  	v9 =	vor.u32 $0x107, v0;
	v3 =	vld.idx.msk [tilespmem:v3+s2+$0x0], $0xffff  }
0x14d: {  	v7 =	vld.idx.msk [tilespmem:v7+s10+$0x0], $0xffff  }
0x14e: {  	v4 =	vld.idx.msk [tilespmem:v4+s2+$0x0], $0xffff  }
0x14f: {  	v8 =	vld.idx.msk [tilespmem:v8+s10+$0x0], $0xffff  }
0x150: {  	v2 =	vld.idx.msk [tilespmem:v2+s2+$0x0], $0xffff  }
0x151: {  	v9 =	vld.idx.msk [tilespmem:v9+s10+$0x0], $0xffff;
	v3 =	vadd.f32 $0.0e+00, v3  }
0x152: {  	v5 =	vld.idx.msk [tilespmem:v5+s2+$0x0], $0xffff  }
0x153: {  	v3 =	vadd.f32 v4, v3  }
0x154: {  	v4 =	vld.idx.msk [tilespmem:v6+s2+$0x0], $0xffff  }
0x155: {  	v2 =	vadd.f32 v2, v3  }
0x156: {  	v3 =	vld.idx.msk [tilespmem:v7+s2+$0x0], $0xffff  }
0x157: {  	v2 =	vadd.f32 v5, v2  }
0x158: {  	v5 =	vld.idx.msk [tilespmem:v8+s2+$0x0], $0xffff  }
0x159: {  	v2 =	vadd.f32 v4, v2  }
0x15a: {  	v4 =	vld.idx.msk [tilespmem:v9+s2+$0x0], $0xffff  }
0x15b: {  	v2 =	vadd.f32 v3, v2;
	_ =	sdelay $0x1  }
0x15c: {  	v2 =	vadd.f32 v5, v2;
	_ =	sdelay $0x1  }
0x15d: {  	v3 =	vor.u32 $0x180, v0;
	v2 =	vadd.f32 v4, v2;
	_ =	sdelay $0x1  }
0x15e: {  	v4 =	vor.u32 $0x181, v0;
	v2 =	vmul.f32 $1.250000000e-01, v2;
	_ =	sdelay $0x1  }
0x15f: {  	[tilespmem:$0x3430] =	vst v2;
	v2 =	vor.u32 $0x182, v0  }
0x160: {  	v3 =	vld.idx.msk [tilespmem:v3+s10+$0x0], $0xffff  }
0x161: {  	v5 =	vor.u32 $0x183, v0  }
0x162: {  	v6 =	vor.u32 $0x184, v0;
	v4 =	vld.idx.msk [tilespmem:v4+s10+$0x0], $0xffff;
	_ =	sdelay $0x1  }
0x163: {  	v7 =	vor.u32 $0x185, v0;
	v2 =	vld.idx.msk [tilespmem:v2+s10+$0x0], $0xffff;
	_ =	sdelay $0x1  }
0x164: {  	v8 =	vor.u32 $0x186, v0;
	v5 =	vld.idx.msk [tilespmem:v5+s10+$0x0], $0xffff  }
0x165: {  	v6 =	vld.idx.msk [tilespmem:v6+s10+$0x0], $0xffff  }
0x166: {  	v9 =	vor.u32 $0x187, v0;
	v3 =	vld.idx.msk [tilespmem:v3+s2+$0x0], $0xffff  }
0x167: {  	v7 =	vld.idx.msk [tilespmem:v7+s10+$0x0], $0xffff  }
0x168: {  	v4 =	vld.idx.msk [tilespmem:v4+s2+$0x0], $0xffff  }
0x169: {  	v8 =	vld.idx.msk [tilespmem:v8+s10+$0x0], $0xffff  }
0x16a: {  	v2 =	vld.idx.msk [tilespmem:v2+s2+$0x0], $0xffff  }
0x16b: {  	v9 =	vld.idx.msk [tilespmem:v9+s10+$0x0], $0xffff;
	v3 =	vadd.f32 $0.0e+00, v3  }
0x16c: {  	v5 =	vld.idx.msk [tilespmem:v5+s2+$0x0], $0xffff  }
0x16d: {  	v3 =	vadd.f32 v4, v3  }
0x16e: {  	v4 =	vld.idx.msk [tilespmem:v6+s2+$0x0], $0xffff  }
0x16f: {  	v2 =	vadd.f32 v2, v3  }
0x170: {  	v3 =	vld.idx.msk [tilespmem:v7+s2+$0x0], $0xffff  }
0x171: {  	v2 =	vadd.f32 v5, v2  }
0x172: {  	v5 =	vld.idx.msk [tilespmem:v8+s2+$0x0], $0xffff  }
0x173: {  	v2 =	vadd.f32 v4, v2  }
0x174: {  	v4 =	vld.idx.msk [tilespmem:v9+s2+$0x0], $0xffff  }
0x175: {  	v2 =	vadd.f32 v3, v2;
	_ =	sdelay $0x1  }
0x176: {  	v2 =	vadd.f32 v5, v2;
	_ =	sdelay $0x1  }
0x177: {  	v3 =	vor.u32 $0x200, v0;
	v2 =	vadd.f32 v4, v2;
	_ =	sdelay $0x1  }
0x178: {  	v4 =	vor.u32 $0x201, v0;
	v2 =	vmul.f32 $1.250000000e-01, v2;
	_ =	sdelay $0x1  }
0x179: {  	[tilespmem:$0x3440] =	vst v2;
	v2 =	vor.u32 $0x202, v0  }
0x17a: {  	v3 =	vld.idx.msk [tilespmem:v3+s10+$0x0], $0xffff  }
0x17b: {  	v5 =	vor.u32 $0x203, v0  }
0x17c: {  	v6 =	vor.u32 $0x204, v0;
	v4 =	vld.idx.msk [tilespmem:v4+s10+$0x0], $0xffff;
	_ =	sdelay $0x1  }
0x17d: {  	v7 =	vor.u32 $0x205, v0;
	v2 =	vld.idx.msk [tilespmem:v2+s10+$0x0], $0xffff;
	_ =	sdelay $0x1  }
0x17e: {  	v8 =	vor.u32 $0x206, v0;
	v5 =	vld.idx.msk [tilespmem:v5+s10+$0x0], $0xffff  }
0x17f: {  	v6 =	vld.idx.msk [tilespmem:v6+s10+$0x0], $0xffff  }
0x180: {  	v9 =	vor.u32 $0x207, v0;
	v3 =	vld.idx.msk [tilespmem:v3+s2+$0x0], $0xffff  }
0x181: {  	v7 =	vld.idx.msk [tilespmem:v7+s10+$0x0], $0xffff  }
0x182: {  	v4 =	vld.idx.msk [tilespmem:v4+s2+$0x0], $0xffff  }
0x183: {  	v8 =	vld.idx.msk [tilespmem:v8+s10+$0x0], $0xffff  }
0x184: {  	v2 =	vld.idx.msk [tilespmem:v2+s2+$0x0], $0xffff  }
0x185: {  	v9 =	vld.idx.msk [tilespmem:v9+s10+$0x0], $0xffff;
	v3 =	vadd.f32 $0.0e+00, v3  }
0x186: {  	v5 =	vld.idx.msk [tilespmem:v5+s2+$0x0], $0xffff  }
0x187: {  	v3 =	vadd.f32 v4, v3  }
0x188: {  	v4 =	vld.idx.msk [tilespmem:v6+s2+$0x0], $0xffff  }
0x189: {  	v2 =	vadd.f32 v2, v3  }
0x18a: {  	v3 =	vld.idx.msk [tilespmem:v7+s2+$0x0], $0xffff  }
0x18b: {  	v2 =	vadd.f32 v5, v2  }
0x18c: {  	v5 =	vld.idx.msk [tilespmem:v8+s2+$0x0], $0xffff  }
0x18d: {  	v2 =	vadd.f32 v4, v2  }
0x18e: {  	v4 =	vld.idx.msk [tilespmem:v9+s2+$0x0], $0xffff  }
0x18f: {  	v2 =	vadd.f32 v3, v2;
	_ =	sdelay $0x1  }
0x190: {  	v2 =	vadd.f32 v5, v2;
	_ =	sdelay $0x1  }
0x191: {  	v3 =	vor.u32 $0x280, v0;
	v2 =	vadd.f32 v4, v2;
	_ =	sdelay $0x1  }
0x192: {  	v4 =	vor.u32 $0x281, v0;
	v2 =	vmul.f32 $1.250000000e-01, v2;
	_ =	sdelay $0x1  }
0x193: {  	[tilespmem:$0x3450] =	vst v2;
	v2 =	vor.u32 $0x282, v0  }
0x194: {  	v3 =	vld.idx.msk [tilespmem:v3+s10+$0x0], $0xffff  }
0x195: {  	v5 =	vor.u32 $0x283, v0  }
0x196: {  	v6 =	vor.u32 $0x284, v0;
	v4 =	vld.idx.msk [tilespmem:v4+s10+$0x0], $0xffff;
	_ =	sdelay $0x1  }
0x197: {  	v7 =	vor.u32 $0x285, v0;
	v2 =	vld.idx.msk [tilespmem:v2+s10+$0x0], $0xffff;
	_ =	sdelay $0x1  }
0x198: {  	v8 =	vor.u32 $0x286, v0;
	v5 =	vld.idx.msk [tilespmem:v5+s10+$0x0], $0xffff  }
0x199: {  	v6 =	vld.idx.msk [tilespmem:v6+s10+$0x0], $0xffff  }
0x19a: {  	v9 =	vor.u32 $0x287, v0;
	v3 =	vld.idx.msk [tilespmem:v3+s2+$0x0], $0xffff  }
0x19b: {  	v7 =	vld.idx.msk [tilespmem:v7+s10+$0x0], $0xffff  }
0x19c: {  	v4 =	vld.idx.msk [tilespmem:v4+s2+$0x0], $0xffff  }
0x19d: {  	v8 =	vld.idx.msk [tilespmem:v8+s10+$0x0], $0xffff  }
0x19e: {  	v2 =	vld.idx.msk [tilespmem:v2+s2+$0x0], $0xffff  }
0x19f: {  	v9 =	vld.idx.msk [tilespmem:v9+s10+$0x0], $0xffff;
	v3 =	vadd.f32 $0.0e+00, v3  }
0x1a0: {  	v5 =	vld.idx.msk [tilespmem:v5+s2+$0x0], $0xffff  }
0x1a1: {  	v3 =	vadd.f32 v4, v3  }
0x1a2: {  	v4 =	vld.idx.msk [tilespmem:v6+s2+$0x0], $0xffff  }
0x1a3: {  	v2 =	vadd.f32 v2, v3  }
0x1a4: {  	v3 =	vld.idx.msk [tilespmem:v7+s2+$0x0], $0xffff  }
0x1a5: {  	v2 =	vadd.f32 v5, v2  }
0x1a6: {  	v5 =	vld.idx.msk [tilespmem:v8+s2+$0x0], $0xffff  }
0x1a7: {  	v2 =	vadd.f32 v4, v2  }
0x1a8: {  	v4 =	vld.idx.msk [tilespmem:v9+s2+$0x0], $0xffff  }
0x1a9: {  	v2 =	vadd.f32 v3, v2;
	_ =	sdelay $0x1  }
0x1aa: {  	v2 =	vadd.f32 v5, v2;
	_ =	sdelay $0x1  }
0x1ab: {  	v3 =	vor.u32 $0x300, v0;
	v2 =	vadd.f32 v4, v2;
	_ =	sdelay $0x1  }
0x1ac: {  	v4 =	vor.u32 $0x301, v0;
	v2 =	vmul.f32 $1.250000000e-01, v2;
	_ =	sdelay $0x1  }
0x1ad: {  	[tilespmem:$0x3460] =	vst v2;
	v2 =	vor.u32 $0x302, v0  }
0x1ae: {  	v3 =	vld.idx.msk [tilespmem:v3+s10+$0x0], $0xffff  }
0x1af: {  	v5 =	vor.u32 $0x303, v0  }
0x1b0: {  	v6 =	vor.u32 $0x304, v0;
	v4 =	vld.idx.msk [tilespmem:v4+s10+$0x0], $0xffff;
	_ =	sdelay $0x1  }
0x1b1: {  	v7 =	vor.u32 $0x305, v0;
	v2 =	vld.idx.msk [tilespmem:v2+s10+$0x0], $0xffff;
	_ =	sdelay $0x1  }
0x1b2: {  	v8 =	vor.u32 $0x306, v0;
	v5 =	vld.idx.msk [tilespmem:v5+s10+$0x0], $0xffff  }
0x1b3: {  	v6 =	vld.idx.msk [tilespmem:v6+s10+$0x0], $0xffff  }
0x1b4: {  	v9 =	vor.u32 $0x307, v0;
	v3 =	vld.idx.msk [tilespmem:v3+s2+$0x0], $0xffff  }
0x1b5: {  	v7 =	vld.idx.msk [tilespmem:v7+s10+$0x0], $0xffff  }
0x1b6: {  	v4 =	vld.idx.msk [tilespmem:v4+s2+$0x0], $0xffff  }
0x1b7: {  	v8 =	vld.idx.msk [tilespmem:v8+s10+$0x0], $0xffff  }
0x1b8: {  	v2 =	vld.idx.msk [tilespmem:v2+s2+$0x0], $0xffff  }
0x1b9: {  	v9 =	vld.idx.msk [tilespmem:v9+s10+$0x0], $0xffff;
	v3 =	vadd.f32 $0.0e+00, v3  }
0x1ba: {  	v5 =	vld.idx.msk [tilespmem:v5+s2+$0x0], $0xffff  }
0x1bb: {  	v3 =	vadd.f32 v4, v3  }
0x1bc: {  	v4 =	vld.idx.msk [tilespmem:v6+s2+$0x0], $0xffff  }
0x1bd: {  	v2 =	vadd.f32 v2, v3  }
0x1be: {  	v3 =	vld.idx.msk [tilespmem:v7+s2+$0x0], $0xffff  }
0x1bf: {  	v2 =	vadd.f32 v5, v2  }
0x1c0: {  	v5 =	vld.idx.msk [tilespmem:v8+s2+$0x0], $0xffff  }
0x1c1: {  	v2 =	vadd.f32 v4, v2  }
0x1c2: {  	v4 =	vld.idx.msk [tilespmem:v9+s2+$0x0], $0xffff  }
0x1c3: {  	v2 =	vadd.f32 v3, v2;
	_ =	sdelay $0x1  }
0x1c4: {  	v2 =	vadd.f32 v5, v2;
	_ =	sdelay $0x1  }
0x1c5: {  	v3 =	vor.u32 $0x380, v0;
	v2 =	vadd.f32 v4, v2;
	_ =	sdelay $0x1  }
0x1c6: {  	v4 =	vor.u32 $0x381, v0;
	v2 =	vmul.f32 $1.250000000e-01, v2;
	_ =	sdelay $0x1  }
0x1c7: {  	[tilespmem:$0x3470] =	vst v2;
	v2 =	vor.u32 $0x382, v0  }
0x1c8: {  	v3 =	vld.idx.msk [tilespmem:v3+s10+$0x0], $0xffff  }
0x1c9: {  	v5 =	vor.u32 $0x383, v0  }
0x1ca: {  	v6 =	vor.u32 $0x384, v0;
	v4 =	vld.idx.msk [tilespmem:v4+s10+$0x0], $0xffff;
	_ =	sdelay $0x1  }
0x1cb: {  	v7 =	vor.u32 $0x385, v0;
	v2 =	vld.idx.msk [tilespmem:v2+s10+$0x0], $0xffff;
	_ =	sdelay $0x1  }
0x1cc: {  	v8 =	vor.u32 $0x386, v0;
	v5 =	vld.idx.msk [tilespmem:v5+s10+$0x0], $0xffff  }
0x1cd: {  	v6 =	vld.idx.msk [tilespmem:v6+s10+$0x0], $0xffff  }
0x1ce: {  	v9 =	vor.u32 $0x387, v0;
	v3 =	vld.idx.msk [tilespmem:v3+s2+$0x0], $0xffff  }
0x1cf: {  	v7 =	vld.idx.msk [tilespmem:v7+s10+$0x0], $0xffff  }
0x1d0: {  	v4 =	vld.idx.msk [tilespmem:v4+s2+$0x0], $0xffff  }
0x1d1: {  	v8 =	vld.idx.msk [tilespmem:v8+s10+$0x0], $0xffff  }
0x1d2: {  	v2 =	vld.idx.msk [tilespmem:v2+s2+$0x0], $0xffff  }
0x1d3: {  	v9 =	vld.idx.msk [tilespmem:v9+s10+$0x0], $0xffff;
	v3 =	vadd.f32 $0.0e+00, v3  }
0x1d4: {  	v5 =	vld.idx.msk [tilespmem:v5+s2+$0x0], $0xffff  }
0x1d5: {  	v3 =	vadd.f32 v4, v3  }
0x1d6: {  	v4 =	vld.idx.msk [tilespmem:v6+s2+$0x0], $0xffff  }
0x1d7: {  	v2 =	vadd.f32 v2, v3  }
0x1d8: {  	v3 =	vld.idx.msk [tilespmem:v7+s2+$0x0], $0xffff  }
0x1d9: {  	v2 =	vadd.f32 v5, v2  }
0x1da: {  	v5 =	vld.idx.msk [tilespmem:v8+s2+$0x0], $0xffff  }
0x1db: {  	v2 =	vadd.f32 v4, v2  }
0x1dc: {  	v4 =	vld.idx.msk [tilespmem:v9+s2+$0x0], $0xffff  }
0x1dd: {  	v2 =	vadd.f32 v3, v2;
	_ =	sdelay $0x1  }
0x1de: {  	v2 =	vadd.f32 v5, v2;
	_ =	sdelay $0x1  }
0x1df: {  	v3 =	vor.u32 $0x400, v0;
	v2 =	vadd.f32 v4, v2;
	_ =	sdelay $0x1  }
0x1e0: {  	v4 =	vor.u32 $0x401, v0;
	v2 =	vmul.f32 $1.250000000e-01, v2;
	_ =	sdelay $0x1  }
0x1e1: {  	[tilespmem:$0x3480] =	vst v2;
	v2 =	vor.u32 $0x402, v0  }
0x1e2: {  	v3 =	vld.idx.msk [tilespmem:v3+s10+$0x0], $0xffff  }
0x1e3: {  	v5 =	vor.u32 $0x403, v0  }
0x1e4: {  	v6 =	vor.u32 $0x404, v0;
	v4 =	vld.idx.msk [tilespmem:v4+s10+$0x0], $0xffff;
	_ =	sdelay $0x1  }
0x1e5: {  	v7 =	vor.u32 $0x405, v0;
	v2 =	vld.idx.msk [tilespmem:v2+s10+$0x0], $0xffff;
	_ =	sdelay $0x1  }
0x1e6: {  	v8 =	vor.u32 $0x406, v0;
	v5 =	vld.idx.msk [tilespmem:v5+s10+$0x0], $0xffff  }
0x1e7: {  	v6 =	vld.idx.msk [tilespmem:v6+s10+$0x0], $0xffff  }
0x1e8: {  	v9 =	vor.u32 $0x407, v0;
	v3 =	vld.idx.msk [tilespmem:v3+s2+$0x0], $0xffff  }
0x1e9: {  	v7 =	vld.idx.msk [tilespmem:v7+s10+$0x0], $0xffff  }
0x1ea: {  	v4 =	vld.idx.msk [tilespmem:v4+s2+$0x0], $0xffff  }
0x1eb: {  	v8 =	vld.idx.msk [tilespmem:v8+s10+$0x0], $0xffff  }
0x1ec: {  	v2 =	vld.idx.msk [tilespmem:v2+s2+$0x0], $0xffff  }
0x1ed: {  	v9 =	vld.idx.msk [tilespmem:v9+s10+$0x0], $0xffff;
	v3 =	vadd.f32 $0.0e+00, v3  }
0x1ee: {  	v5 =	vld.idx.msk [tilespmem:v5+s2+$0x0], $0xffff  }
0x1ef: {  	v3 =	vadd.f32 v4, v3  }
0x1f0: {  	v4 =	vld.idx.msk [tilespmem:v6+s2+$0x0], $0xffff  }
0x1f1: {  	v2 =	vadd.f32 v2, v3  }
0x1f2: {  	v3 =	vld.idx.msk [tilespmem:v7+s2+$0x0], $0xffff  }
0x1f3: {  	v2 =	vadd.f32 v5, v2  }
0x1f4: {  	v5 =	vld.idx.msk [tilespmem:v8+s2+$0x0], $0xffff  }
0x1f5: {  	v2 =	vadd.f32 v4, v2  }
0x1f6: {  	v4 =	vld.idx.msk [tilespmem:v9+s2+$0x0], $0xffff  }
0x1f7: {  	v2 =	vadd.f32 v3, v2;
	_ =	sdelay $0x1  }
0x1f8: {  	v2 =	vadd.f32 v5, v2;
	_ =	sdelay $0x1  }
0x1f9: {  	v3 =	vor.u32 $0x480, v0;
	v2 =	vadd.f32 v4, v2;
	_ =	sdelay $0x1  }
0x1fa: {  	v4 =	vor.u32 $0x481, v0;
	v2 =	vmul.f32 $1.250000000e-01, v2;
	_ =	sdelay $0x1  }
0x1fb: {  	[tilespmem:$0x3490] =	vst v2;
	v2 =	vor.u32 $0x482, v0  }
0x1fc: {  	v3 =	vld.idx.msk [tilespmem:v3+s10+$0x0], $0xffff  }
0x1fd: {  	v5 =	vor.u32 $0x483, v0  }
0x1fe: {  	v6 =	vor.u32 $0x484, v0;
	v4 =	vld.idx.msk [tilespmem:v4+s10+$0x0], $0xffff;
	_ =	sdelay $0x1  }
0x1ff: {  	v7 =	vor.u32 $0x485, v0;
	v2 =	vld.idx.msk [tilespmem:v2+s10+$0x0], $0xffff;
	_ =	sdelay $0x1  }
0x200: {  	v8 =	vor.u32 $0x486, v0;
	v5 =	vld.idx.msk [tilespmem:v5+s10+$0x0], $0xffff  }
0x201: {  	v6 =	vld.idx.msk [tilespmem:v6+s10+$0x0], $0xffff  }
0x202: {  	v9 =	vor.u32 $0x487, v0;
	v3 =	vld.idx.msk [tilespmem:v3+s2+$0x0], $0xffff  }
0x203: {  	v7 =	vld.idx.msk [tilespmem:v7+s10+$0x0], $0xffff  }
0x204: {  	v4 =	vld.idx.msk [tilespmem:v4+s2+$0x0], $0xffff  }
0x205: {  	v8 =	vld.idx.msk [tilespmem:v8+s10+$0x0], $0xffff  }
0x206: {  	v2 =	vld.idx.msk [tilespmem:v2+s2+$0x0], $0xffff  }
0x207: {  	v9 =	vld.idx.msk [tilespmem:v9+s10+$0x0], $0xffff;
	v3 =	vadd.f32 $0.0e+00, v3  }
0x208: {  	v5 =	vld.idx.msk [tilespmem:v5+s2+$0x0], $0xffff  }
0x209: {  	v3 =	vadd.f32 v4, v3  }
0x20a: {  	v4 =	vld.idx.msk [tilespmem:v6+s2+$0x0], $0xffff  }
0x20b: {  	v2 =	vadd.f32 v2, v3  }
0x20c: {  	v3 =	vld.idx.msk [tilespmem:v7+s2+$0x0], $0xffff  }
0x20d: {  	v2 =	vadd.f32 v5, v2  }
0x20e: {  	v5 =	vld.idx.msk [tilespmem:v8+s2+$0x0], $0xffff  }
0x20f: {  	v2 =	vadd.f32 v4, v2  }
0x210: {  	v4 =	vld.idx.msk [tilespmem:v9+s2+$0x0], $0xffff  }
0x211: {  	v2 =	vadd.f32 v3, v2;
	_ =	sdelay $0x1  }
0x212: {  	v2 =	vadd.f32 v5, v2;
	_ =	sdelay $0x1  }
0x213: {  	v3 =	vor.u32 $0x500, v0;
	v2 =	vadd.f32 v4, v2;
	_ =	sdelay $0x1  }
0x214: {  	v4 =	vor.u32 $0x501, v0;
	v2 =	vmul.f32 $1.250000000e-01, v2;
	_ =	sdelay $0x1  }
0x215: {  	[tilespmem:$0x34A0] =	vst v2;
	v2 =	vor.u32 $0x502, v0  }
0x216: {  	v3 =	vld.idx.msk [tilespmem:v3+s10+$0x0], $0xffff  }
0x217: {  	v5 =	vor.u32 $0x503, v0  }
0x218: {  	v6 =	vor.u32 $0x504, v0;
	v4 =	vld.idx.msk [tilespmem:v4+s10+$0x0], $0xffff;
	_ =	sdelay $0x1  }
0x219: {  	v7 =	vor.u32 $0x505, v0;
	v2 =	vld.idx.msk [tilespmem:v2+s10+$0x0], $0xffff;
	_ =	sdelay $0x1  }
0x21a: {  	v8 =	vor.u32 $0x506, v0;
	v5 =	vld.idx.msk [tilespmem:v5+s10+$0x0], $0xffff  }
0x21b: {  	v6 =	vld.idx.msk [tilespmem:v6+s10+$0x0], $0xffff  }
0x21c: {  	v9 =	vor.u32 $0x507, v0;
	v3 =	vld.idx.msk [tilespmem:v3+s2+$0x0], $0xffff  }
0x21d: {  	v7 =	vld.idx.msk [tilespmem:v7+s10+$0x0], $0xffff  }
0x21e: {  	v4 =	vld.idx.msk [tilespmem:v4+s2+$0x0], $0xffff  }
0x21f: {  	v8 =	vld.idx.msk [tilespmem:v8+s10+$0x0], $0xffff  }
0x220: {  	v2 =	vld.idx.msk [tilespmem:v2+s2+$0x0], $0xffff  }
0x221: {  	v9 =	vld.idx.msk [tilespmem:v9+s10+$0x0], $0xffff;
	v3 =	vadd.f32 $0.0e+00, v3  }
0x222: {  	v5 =	vld.idx.msk [tilespmem:v5+s2+$0x0], $0xffff  }
0x223: {  	v3 =	vadd.f32 v4, v3  }
0x224: {  	v4 =	vld.idx.msk [tilespmem:v6+s2+$0x0], $0xffff  }
0x225: {  	v2 =	vadd.f32 v2, v3  }
0x226: {  	v3 =	vld.idx.msk [tilespmem:v7+s2+$0x0], $0xffff  }
0x227: {  	v2 =	vadd.f32 v5, v2  }
0x228: {  	v5 =	vld.idx.msk [tilespmem:v8+s2+$0x0], $0xffff  }
0x229: {  	v2 =	vadd.f32 v4, v2  }
0x22a: {  	v4 =	vld.idx.msk [tilespmem:v9+s2+$0x0], $0xffff  }
0x22b: {  	v2 =	vadd.f32 v3, v2;
	_ =	sdelay $0x1  }
0x22c: {  	v2 =	vadd.f32 v5, v2;
	_ =	sdelay $0x1  }
0x22d: {  	v3 =	vor.u32 $0x580, v0;
	v2 =	vadd.f32 v4, v2;
	_ =	sdelay $0x1  }
0x22e: {  	v4 =	vor.u32 $0x581, v0;
	v2 =	vmul.f32 $1.250000000e-01, v2;
	_ =	sdelay $0x1  }
0x22f: {  	[tilespmem:$0x34B0] =	vst v2;
	v2 =	vor.u32 $0x582, v0  }
0x230: {  	v3 =	vld.idx.msk [tilespmem:v3+s10+$0x0], $0xffff  }
0x231: {  	v5 =	vor.u32 $0x583, v0  }
0x232: {  	v6 =	vor.u32 $0x584, v0;
	v4 =	vld.idx.msk [tilespmem:v4+s10+$0x0], $0xffff;
	_ =	sdelay $0x1  }
0x233: {  	v7 =	vor.u32 $0x585, v0;
	v2 =	vld.idx.msk [tilespmem:v2+s10+$0x0], $0xffff;
	_ =	sdelay $0x1  }
0x234: {  	v8 =	vor.u32 $0x586, v0;
	v5 =	vld.idx.msk [tilespmem:v5+s10+$0x0], $0xffff  }
0x235: {  	v6 =	vld.idx.msk [tilespmem:v6+s10+$0x0], $0xffff  }
0x236: {  	v9 =	vor.u32 $0x587, v0;
	v3 =	vld.idx.msk [tilespmem:v3+s2+$0x0], $0xffff  }
0x237: {  	v7 =	vld.idx.msk [tilespmem:v7+s10+$0x0], $0xffff  }
0x238: {  	v4 =	vld.idx.msk [tilespmem:v4+s2+$0x0], $0xffff  }
0x239: {  	v8 =	vld.idx.msk [tilespmem:v8+s10+$0x0], $0xffff  }
0x23a: {  	v2 =	vld.idx.msk [tilespmem:v2+s2+$0x0], $0xffff  }
0x23b: {  	v9 =	vld.idx.msk [tilespmem:v9+s10+$0x0], $0xffff;
	v3 =	vadd.f32 $0.0e+00, v3  }
0x23c: {  	v5 =	vld.idx.msk [tilespmem:v5+s2+$0x0], $0xffff  }
0x23d: {  	v3 =	vadd.f32 v4, v3  }
0x23e: {  	v4 =	vld.idx.msk [tilespmem:v6+s2+$0x0], $0xffff  }
0x23f: {  	v2 =	vadd.f32 v2, v3  }
0x240: {  	v3 =	vld.idx.msk [tilespmem:v7+s2+$0x0], $0xffff  }
0x241: {  	v2 =	vadd.f32 v5, v2  }
0x242: {  	v5 =	vld.idx.msk [tilespmem:v8+s2+$0x0], $0xffff  }
0x243: {  	v2 =	vadd.f32 v4, v2  }
0x244: {  	v4 =	vld.idx.msk [tilespmem:v9+s2+$0x0], $0xffff  }
0x245: {  	v2 =	vadd.f32 v3, v2;
	_ =	sdelay $0x1  }
0x246: {  	v2 =	vadd.f32 v5, v2;
	_ =	sdelay $0x1  }
0x247: {  	v3 =	vor.u32 $0x600, v0;
	v2 =	vadd.f32 v4, v2;
	_ =	sdelay $0x1  }
0x248: {  	v4 =	vor.u32 $0x601, v0;
	v2 =	vmul.f32 $1.250000000e-01, v2;
	_ =	sdelay $0x1  }
0x249: {  	[tilespmem:$0x34C0] =	vst v2;
	v2 =	vor.u32 $0x602, v0  }
0x24a: {  	v3 =	vld.idx.msk [tilespmem:v3+s10+$0x0], $0xffff  }
0x24b: {  	v5 =	vor.u32 $0x603, v0  }
0x24c: {  	v6 =	vor.u32 $0x604, v0;
	v4 =	vld.idx.msk [tilespmem:v4+s10+$0x0], $0xffff;
	_ =	sdelay $0x1  }
0x24d: {  	v7 =	vor.u32 $0x605, v0;
	v2 =	vld.idx.msk [tilespmem:v2+s10+$0x0], $0xffff;
	_ =	sdelay $0x1  }
0x24e: {  	v8 =	vor.u32 $0x606, v0;
	v5 =	vld.idx.msk [tilespmem:v5+s10+$0x0], $0xffff  }
0x24f: {  	v6 =	vld.idx.msk [tilespmem:v6+s10+$0x0], $0xffff  }
0x250: {  	v9 =	vor.u32 $0x607, v0;
	v3 =	vld.idx.msk [tilespmem:v3+s2+$0x0], $0xffff  }
0x251: {  	v7 =	vld.idx.msk [tilespmem:v7+s10+$0x0], $0xffff  }
0x252: {  	v4 =	vld.idx.msk [tilespmem:v4+s2+$0x0], $0xffff  }
0x253: {  	v8 =	vld.idx.msk [tilespmem:v8+s10+$0x0], $0xffff  }
0x254: {  	v2 =	vld.idx.msk [tilespmem:v2+s2+$0x0], $0xffff  }
0x255: {  	v9 =	vld.idx.msk [tilespmem:v9+s10+$0x0], $0xffff;
	v3 =	vadd.f32 $0.0e+00, v3  }
0x256: {  	v5 =	vld.idx.msk [tilespmem:v5+s2+$0x0], $0xffff  }
0x257: {  	v3 =	vadd.f32 v4, v3  }
0x258: {  	v4 =	vld.idx.msk [tilespmem:v6+s2+$0x0], $0xffff  }
0x259: {  	v2 =	vadd.f32 v2, v3  }
0x25a: {  	v3 =	vld.idx.msk [tilespmem:v7+s2+$0x0], $0xffff  }
0x25b: {  	v2 =	vadd.f32 v5, v2  }
0x25c: {  	v5 =	vld.idx.msk [tilespmem:v8+s2+$0x0], $0xffff  }
0x25d: {  	v2 =	vadd.f32 v4, v2  }
0x25e: {  	v4 =	vld.idx.msk [tilespmem:v9+s2+$0x0], $0xffff  }
0x25f: {  	v2 =	vadd.f32 v3, v2;
	_ =	sdelay $0x1  }
0x260: {  	v2 =	vadd.f32 v5, v2;
	_ =	sdelay $0x1  }
0x261: {  	v3 =	vor.u32 $0x680, v0;
	v2 =	vadd.f32 v4, v2;
	_ =	sdelay $0x1  }
0x262: {  	v4 =	vor.u32 $0x681, v0;
	v2 =	vmul.f32 $1.250000000e-01, v2;
	_ =	sdelay $0x1  }
0x263: {  	[tilespmem:$0x34D0] =	vst v2;
	v2 =	vor.u32 $0x682, v0  }
0x264: {  	v3 =	vld.idx.msk [tilespmem:v3+s10+$0x0], $0xffff  }
0x265: {  	v5 =	vor.u32 $0x683, v0  }
0x266: {  	v6 =	vor.u32 $0x684, v0;
	v4 =	vld.idx.msk [tilespmem:v4+s10+$0x0], $0xffff;
	_ =	sdelay $0x1  }
0x267: {  	v7 =	vor.u32 $0x685, v0;
	v2 =	vld.idx.msk [tilespmem:v2+s10+$0x0], $0xffff;
	_ =	sdelay $0x1  }
0x268: {  	v8 =	vor.u32 $0x686, v0;
	v5 =	vld.idx.msk [tilespmem:v5+s10+$0x0], $0xffff  }
0x269: {  	v6 =	vld.idx.msk [tilespmem:v6+s10+$0x0], $0xffff  }
0x26a: {  	v9 =	vor.u32 $0x687, v0;
	v3 =	vld.idx.msk [tilespmem:v3+s2+$0x0], $0xffff  }
0x26b: {  	v7 =	vld.idx.msk [tilespmem:v7+s10+$0x0], $0xffff  }
0x26c: {  	v4 =	vld.idx.msk [tilespmem:v4+s2+$0x0], $0xffff  }
0x26d: {  	v8 =	vld.idx.msk [tilespmem:v8+s10+$0x0], $0xffff  }
0x26e: {  	v2 =	vld.idx.msk [tilespmem:v2+s2+$0x0], $0xffff  }
0x26f: {  	v9 =	vld.idx.msk [tilespmem:v9+s10+$0x0], $0xffff;
	v3 =	vadd.f32 $0.0e+00, v3  }
0x270: {  	v5 =	vld.idx.msk [tilespmem:v5+s2+$0x0], $0xffff  }
0x271: {  	v3 =	vadd.f32 v4, v3  }
0x272: {  	v4 =	vld.idx.msk [tilespmem:v6+s2+$0x0], $0xffff  }
0x273: {  	v2 =	vadd.f32 v2, v3  }
0x274: {  	v3 =	vld.idx.msk [tilespmem:v7+s2+$0x0], $0xffff  }
0x275: {  	v2 =	vadd.f32 v5, v2  }
0x276: {  	v5 =	vld.idx.msk [tilespmem:v8+s2+$0x0], $0xffff  }
0x277: {  	v2 =	vadd.f32 v4, v2  }
0x278: {  	v4 =	vld.idx.msk [tilespmem:v9+s2+$0x0], $0xffff  }
0x279: {  	v2 =	vadd.f32 v3, v2;
	_ =	sdelay $0x1  }
0x27a: {  	v2 =	vadd.f32 v5, v2;
	_ =	sdelay $0x1  }
0x27b: {  	v3 =	vor.u32 $0x700, v0;
	v2 =	vadd.f32 v4, v2;
	_ =	sdelay $0x1  }
0x27c: {  	v4 =	vor.u32 $0x701, v0;
	v2 =	vmul.f32 $1.250000000e-01, v2;
	_ =	sdelay $0x1  }
0x27d: {  	[tilespmem:$0x34E0] =	vst v2;
	v2 =	vor.u32 $0x702, v0  }
0x27e: {  	v3 =	vld.idx.msk [tilespmem:v3+s10+$0x0], $0xffff  }
0x27f: {  	v5 =	vor.u32 $0x703, v0  }
0x280: {  	v6 =	vor.u32 $0x704, v0;
	v4 =	vld.idx.msk [tilespmem:v4+s10+$0x0], $0xffff;
	_ =	sdelay $0x1  }
0x281: {  	v7 =	vor.u32 $0x705, v0;
	v2 =	vld.idx.msk [tilespmem:v2+s10+$0x0], $0xffff;
	_ =	sdelay $0x1  }
0x282: {  	v8 =	vor.u32 $0x706, v0;
	v5 =	vld.idx.msk [tilespmem:v5+s10+$0x0], $0xffff  }
0x283: {  	v6 =	vld.idx.msk [tilespmem:v6+s10+$0x0], $0xffff  }
0x284: {  	v9 =	vor.u32 $0x707, v0;
	v3 =	vld.idx.msk [tilespmem:v3+s2+$0x0], $0xffff  }
0x285: {  	v7 =	vld.idx.msk [tilespmem:v7+s10+$0x0], $0xffff  }
0x286: {  	v4 =	vld.idx.msk [tilespmem:v4+s2+$0x0], $0xffff  }
0x287: {  	v8 =	vld.idx.msk [tilespmem:v8+s10+$0x0], $0xffff  }
0x288: {  	v2 =	vld.idx.msk [tilespmem:v2+s2+$0x0], $0xffff  }
0x289: {  	v9 =	vld.idx.msk [tilespmem:v9+s10+$0x0], $0xffff;
	v3 =	vadd.f32 $0.0e+00, v3  }
0x28a: {  	v5 =	vld.idx.msk [tilespmem:v5+s2+$0x0], $0xffff  }
0x28b: {  	v3 =	vadd.f32 v4, v3  }
0x28c: {  	v4 =	vld.idx.msk [tilespmem:v6+s2+$0x0], $0xffff  }
0x28d: {  	v2 =	vadd.f32 v2, v3  }
0x28e: {  	v3 =	vld.idx.msk [tilespmem:v7+s2+$0x0], $0xffff  }
0x28f: {  	v2 =	vadd.f32 v5, v2  }
0x290: {  	v5 =	vld.idx.msk [tilespmem:v8+s2+$0x0], $0xffff  }
0x291: {  	v2 =	vadd.f32 v4, v2  }
0x292: {  	v4 =	vld.idx.msk [tilespmem:v9+s2+$0x0], $0xffff  }
0x293: {  	v2 =	vadd.f32 v3, v2;
	_ =	sdelay $0x1  }
0x294: {  	v2 =	vadd.f32 v5, v2;
	_ =	sdelay $0x1  }
0x295: {  	v3 =	vor.u32 $0x780, v0;
	v2 =	vadd.f32 v4, v2;
	_ =	sdelay $0x1  }
0x296: {  	v4 =	vor.u32 $0x781, v0;
	v2 =	vmul.f32 $1.250000000e-01, v2;
	_ =	sdelay $0x1  }
0x297: {  	[tilespmem:$0x34F0] =	vst v2;
	v2 =	vor.u32 $0x782, v0  }
0x298: {  	v3 =	vld.idx.msk [tilespmem:v3+s10+$0x0], $0xffff  }
0x299: {  	v5 =	vor.u32 $0x783, v0  }
0x29a: {  	v6 =	vor.u32 $0x784, v0;
	v4 =	vld.idx.msk [tilespmem:v4+s10+$0x0], $0xffff;
	_ =	sdelay $0x1  }
0x29b: {  	v7 =	vor.u32 $0x785, v0;
	v2 =	vld.idx.msk [tilespmem:v2+s10+$0x0], $0xffff;
	_ =	sdelay $0x1  }
0x29c: {  	v8 =	vor.u32 $0x786, v0;
	v5 =	vld.idx.msk [tilespmem:v5+s10+$0x0], $0xffff  }
0x29d: {  	v6 =	vld.idx.msk [tilespmem:v6+s10+$0x0], $0xffff  }
0x29e: {  	v0 =	vor.u32 $0x787, v0;
	v3 =	vld.idx.msk [tilespmem:v3+s2+$0x0], $0xffff  }
0x29f: {  	v7 =	vld.idx.msk [tilespmem:v7+s10+$0x0], $0xffff  }
0x2a0: {  	v4 =	vld.idx.msk [tilespmem:v4+s2+$0x0], $0xffff  }
0x2a1: {  	v8 =	vld.idx.msk [tilespmem:v8+s10+$0x0], $0xffff  }
0x2a2: {  	v2 =	vld.idx.msk [tilespmem:v2+s2+$0x0], $0xffff  }
0x2a3: {  	v0 =	vld.idx.msk [tilespmem:v0+s10+$0x0], $0xffff;
	v3 =	vadd.f32 $0.0e+00, v3  }
0x2a4: {  	v5 =	vld.idx.msk [tilespmem:v5+s2+$0x0], $0xffff  }
0x2a5: {  	v3 =	vadd.f32 v4, v3  }
0x2a6: {  	v4 =	vld.idx.msk [tilespmem:v6+s2+$0x0], $0xffff  }
0x2a7: {  	v2 =	vadd.f32 v2, v3  }
0x2a8: {  	v3 =	vld.idx.msk [tilespmem:v7+s2+$0x0], $0xffff  }
0x2a9: {  	v2 =	vadd.f32 v5, v2  }
0x2aa: {  	v5 =	vld.idx.msk [tilespmem:v8+s2+$0x0], $0xffff  }
0x2ab: {  	v2 =	vadd.f32 v4, v2  }
0x2ac: {  	v0 =	vld.idx.msk [tilespmem:v0+s2+$0x0], $0xffff  }
0x2ad: {  	v2 =	vadd.f32 v3, v2;
	_ =	sdelay $0x1  }
0x2ae: {  	v2 =	vadd.f32 v5, v2;
	_ =	sdelay $0x1  }
0x2af: {  	v0 =	vadd.f32 v0, v2;
	_ =	sdelay $0x1  }
0x2b0: {  	v0 =	vmul.f32 $1.250000000e-01, v0;
	_ =	sdelay $0x1  }
0x2b1: {  	[tilespmem:$0x3500] =	vst v0  }
0x2b2: {  	[hbm4b:s5+s2] =	stream.linear.scatter [tilespmem:s15], [sflag:$0x2], $0x100, $0x38;
	[tilespmem:$0x3788] =	vst v63  }
0x2b3: {  	s8 =	sadd.s32 $0xFFFFFFFF, s8  }
0x2b4: {  	[hbm4b:s7+s2] =	stream.linear.scatter [tilespmem:s16], [sflag:$0x3], $0x100, $0x38;
	[tilespmem:$0x3788] =	vst v63  }
0x2b5: {  	p1 =	sne.s32 s8, $0x0;
	_ =	swait.ge [sflag:s13], $0x100  }
.Ltmp0:
0x2b6: {  	[sflag:s13] =	ssyncset.done $0x0;
	(pc) =	sbr.rel @p1 .LBB2_1-.Ltmp0, $4  }
0x2b7: {  	[sflag:s13] =	ssyncadd.s32 $0xFFFFFF00  }
0x2b8: {  	_ =	swait.ge [sflag:s14], $0x100  }
0x2b9: {  	[sflag:s14] =	ssyncset.done $0x0  }
0x2ba: {  	[sflag:s14] =	ssyncadd.s32 $0xFFFFFF00  }
0x2bb: {  	_ =	sfence.sel $0x180000  }
0x2bc: {  	[bflag:$0x0] =	sbarrier.arrive $0xFFFF  }
0x2bd: {  	_ =	strace $0x90000047  }
0x2be: {  	s0 =	sadd.s32 @!p0 $0x100000, s0;
	[bflag:$0x2] =	sbarrier.arrive $0xFFFF  }
0x2bf: {  	[sflag:s0] =	ssyncadd.tile.s32 @!p0 $0x1;
	_ =	shalt  }
.Lfunc_end2:
_tile_overlayer_lowered:
.L_overlay_start_2:
0x2c0: {  	(tag) =	ssettag $0x2  }
0x2c1: {  	s0 =	rddreg [dreg:$0x0];
	s2 =	stileid.u32  }
0x2c2: {  	s1 =	rddreg [dreg:$0x1];
	p0 =	sne.s32 s2, $0x0  }
0x2c3: {  	s3 =	rddreg [dreg:$0x2];
	[bflag:$0x3] =	sbarrier.arrive $0xFFFF;
	s2 =	simm.s32 @!p0 $0x1C04  }
0x2c4: {  	[timem:s3], [sflag:s2] =	dma.local @!p0 [hbm:s0], s1  }
0x2c5: {  	s0 =	simm.s32 @!p0 $0x4  }
0x2c6: {  	_ =	swait.ge @!p0 [sflag:s0], s1  }
0x2c7: {  	s1 =	ssub.s32 @!p0 $0x0, s1;
	[sflag:s0] =	ssyncset.done @!p0 $0x0  }
0x2c8: {  	[sflag:s0] =	ssyncadd.s32 @!p0 s1  }
0x2c9: {  	[bflag:$0x3] =	sbarrier.arrive $0xFFFF  }
0x2ca: {  	_ =	shalt  }

</sc_bundles>
